<compile_context>
chip_gen: v7x
topology: tpu7x:2x2x1
jax: 0.10.2.dev20260603
libtpu: 0.0.44.dev20260713+nightly
codegen_flags: <defaults>
</compile_context>

<pallas_src>
import math

import jax
import jax.numpy as jnp
import numpy as np
from jax import lax
from jax.experimental import pallas as pl
from jax.experimental.pallas import tpu as pltpu
from jax.experimental.pallas import tpu_sc as plsc

N = 2048
D = 768
U = 160
NCLS = 16



def _threefry2x32(k1, k2, x0, x1):
    rots = ((13, 15, 26, 6), (17, 29, 16, 24))
    ks = (np.uint32(k1), np.uint32(k2),
          np.uint32(k1) ^ np.uint32(k2) ^ np.uint32(0x1BD11BDA))
    x0 = x0 + ks[0]
    x1 = x1 + ks[1]
    for i in range(5):
        for r in rots[i % 2]:
            x0 = x0 + x1
            x1 = (x1 << np.uint32(r)) | (x1 >> np.uint32(32 - r))
            x1 = x0 ^ x1
        x0 = x0 + ks[(i + 1) % 3]
        x1 = x1 + ks[(i + 2) % 3] + np.uint32(i + 1)
    return x0, x1


def _index_sample_constant():
    old = np.seterr(over="ignore")
    try:
        sk_hi, sk_lo = _threefry2x32(
            0, 42, np.zeros(2, np.uint32), np.arange(2, dtype=np.uint32))
        k1, k2 = sk_hi[1], sk_lo[1]
        size = N * U
        hb, lb = _threefry2x32(
            k1, k2, np.zeros(size, np.uint32), np.arange(size, dtype=np.uint32))
        bits = hb ^ lb
        return (bits % np.uint32(N)).astype(np.int64).reshape(N, U)
    finally:
        np.seterr(**old)


_idx = _index_sample_constant()
_cnt_np = np.zeros((N, N), np.uint8)
np.add.at(_cnt_np, (np.arange(N)[:, None], _idx), 1)
_CNT = _cnt_np

_UT128 = np.triu(np.ones((128, 128), np.float32))
_LT16S = np.tril(np.ones((16, 16), np.float32), k=-1)

_QB = 256

_NW = 32
_SC_OFF = (N * D) // 2
_WPT = _SC_OFF // _NW
_CH = 3072
_NCHUNK = _WPT // _CH
_TCCH = 98304


def _proj_body(x_ref, wq_ref, wk_ref, wv_ref, wa_ref,
               q_ref, k_ref, v_ref, a_ref):
    x = x_ref[...]
    dn = (((1,), (1,)), ((), ()))
    q_ref[...] = jax.lax.dot_general(x, wq_ref[...], dn,
                                     preferred_element_type=jnp.float32)
    k_ref[...] = jax.lax.dot_general(x, wk_ref[...], dn,
                                     preferred_element_type=jnp.float32)
    v_ref[...] = jax.lax.dot_general(x, wv_ref[...], dn,
                                     preferred_element_type=jnp.float32)
    a_ref[...] = jax.lax.dot_general(x, wa_ref[...], dn,
                                     preferred_element_type=jnp.float32)


def _vmean_body(v_ref, o_ref):
    o_ref[...] = jnp.mean(v_ref[...], axis=0, keepdims=True)


def _attn_body(q_ref, k_ref, v_ref, cnt_ref, m_ref, ctx_ref):
    q = q_ref[...]
    k = k_ref[...]
    s = jax.lax.dot_general(q, k, (((1,), (1,)), ((), ())),
                            preferred_element_type=jnp.float32)
    cnt = cnt_ref[...].astype(jnp.float32)
    mmax = jnp.max(jnp.where(cnt > 0.0, s, -jnp.inf), axis=1)
    msum = jnp.sum(s * cnt, axis=1)
    m_ref[...] = (mmax - msum * (1.0 / N)).reshape(1, 1, _QB)
    ss = s * (1.0 / math.sqrt(D))
    rm = jnp.max(ss, axis=1, keepdims=True)
    e = jnp.exp(ss - rm)
    p = e / jnp.sum(e, axis=1, keepdims=True)
    ctx_ref[...] = jnp.dot(p, v_ref[...], preferred_element_type=jnp.float32)


def _sel_body(m_ref, ut_ref, lt_ref, mtop_ref):
    m = m_ref[...]
    u = jax.lax.bitcast_convert_type(m, jnp.int32)
    key = jnp.where(u < 0, u ^ jnp.int32(0x7FFFFFFF), u)
    row = jax.lax.broadcasted_iota(jnp.int32, (16, 128), 0)
    col = jax.lax.broadcasted_iota(jnp.int32, (16, 128), 1)
    idx = row * 128 + col

    def t_body(b, t):
        tp = t + jnp.left_shift(jnp.int32(1), 31 - b)
        c = jnp.sum((key >= tp).astype(jnp.int32))
        return jnp.where(c >= U, tp, t)

    t = jax.lax.fori_loop(0, 32, t_body, jnp.int32(-2147483647 - 1))
    gt = key > t
    eq = key == t
    need = U - jnp.sum(gt.astype(jnp.int32))

    def j_body(b, j):
        jp = j + jnp.left_shift(jnp.int32(1), 10 - b)
        c = jnp.sum((eq & (idx <= jp)).astype(jnp.int32))
        return jnp.where(c <= need, jp, j)

    j = jax.lax.fori_loop(0, 11, j_body, jnp.int32(-1))
    sel = gt | (eq & (idx <= j))
    self32 = sel.astype(jnp.float32)

    pos_in = jnp.dot(self32, ut_ref[...],
                     preferred_element_type=jnp.float32)
    row_tot = jnp.sum(self32, axis=1, keepdims=True)
    row_off = jnp.dot(lt_ref[...], row_tot,
                      preferred_element_type=jnp.float32)
    pos = (pos_in + row_off) * self32

    jpl = jax.lax.broadcasted_iota(jnp.int32, (U, 16, 128), 0).astype(jnp.float32)
    hit = (pos[None, :, :] == (jpl + 1.0)) & sel[None, :, :]
    idxf = idx.astype(jnp.float32)
    mtopf = jnp.sum(jnp.where(hit, idxf[None, :, :], 0.0), axis=(1, 2))
    mtop_ref[...] = mtopf.astype(jnp.int32).reshape(1, U)


def _corr_body(mtop_ref, w_ref, ctx_ref, vm_ref, o_ref):
    row = ctx_ref[pl.ds(mtop_ref[pl.program_id(0)], 1), :]
    contrib = jnp.sum(w_ref[...] * (row - vm_ref[...]), axis=1)

    @pl.when(pl.program_id(0) == 0)
    def _():
        o_ref[...] = jnp.zeros_like(o_ref)

    o_ref[...] += contrib.reshape(1, NCLS)


def _tcfinal_body(ctxf_ref, w_ref, o_ref):
    i = pl.program_id(0)
    crow = ctxf_ref[pl.ds(i, 1), :]
    w = w_ref[...]
    contrib = jnp.sum(w * crow, axis=1)

    @pl.when(i == 0)
    def _():
        o_ref[...] = jnp.zeros_like(o_ref)

    o_ref[...] += contrib.reshape(1, NCLS)


def _sc_base_body(w_hbm, ctx_hbm, out_hbm, wbuf, cbuf, obuf,
                  wsem0, wsem1, csem0, csem1):
    wid = lax.axis_index("s") * 2 + lax.axis_index("c")
    base = wid * _WPT
    wsems = (wsem0, wsem1)
    csems = (csem0, csem1)

    def launch(kk):
        slot = kk % 2
        wcp = pltpu.make_async_copy(
            w_hbm.at[:, pl.ds(_SC_OFF + base + kk * _CH, _CH)], wbuf.at[slot],
            wsems[slot])
        wcp.start()
        ccp = pltpu.make_async_copy(
            ctx_hbm.at[pl.ds(base + kk * _CH, _CH)], cbuf.at[slot],
            csems[slot])
        ccp.start()
        return wcp, ccp

    accs = tuple(jnp.zeros((16,), jnp.float32) for _ in range(NCLS))
    pending = launch(0)
    for kk in range(_NCHUNK):
        slot = kk % 2
        nxt = launch(kk + 1) if kk + 1 < _NCHUNK else None
        pending[0].wait()
        pending[1].wait()

        def inner(r, acc):
            cv = cbuf[slot, pl.ds(r * 16, 16)]
            return tuple(acc[c] + wbuf[slot, c, pl.ds(r * 16, 16)] * cv
                         for c in range(NCLS))

        accs = lax.fori_loop(0, _CH // 16, inner, accs)
        pending = nxt
    for c in range(NCLS):
        obuf[c, :] = accs[c]
    pltpu.sync_copy(obuf, out_hbm.at[wid])


def kernel(input_embedding, fai_x, fai_x_prime, w_1, b_1, w_2, b_2,
           Wq, Wk, Wv, Wadd, badd, Wfin, bfin):
    x = input_embedding.reshape(N, D)

    q, k, v, add = pl.pallas_call(
        _proj_body,
        grid=(N // _QB,),
        in_specs=[
            pl.BlockSpec((_QB, D), lambda i: (i, 0)),
            pl.BlockSpec((D, D), lambda i: (0, 0)),
            pl.BlockSpec((D, D), lambda i: (0, 0)),
            pl.BlockSpec((D, D), lambda i: (0, 0)),
            pl.BlockSpec((D, D), lambda i: (0, 0)),
        ],
        out_specs=[pl.BlockSpec((_QB, D), lambda i: (i, 0))] * 4,
        out_shape=[jax.ShapeDtypeStruct((N, D), jnp.float32)] * 4,
    )(x, Wq, Wk, Wv, Wadd)

    vmean = pl.pallas_call(
        _vmean_body,
        out_shape=jax.ShapeDtypeStruct((1, D), jnp.float32),
    )(v)

    base = add + vmean + badd[None, :]
    base_lo = base[:N // 2].reshape(8, _TCCH)
    base_hi = base[N // 2:].reshape(_SC_OFF)

    sc_base = pl.kernel(
        _sc_base_body,
        mesh=plsc.VectorSubcoreMesh(core_axis_name="c", subcore_axis_name="s"),
        out_type=jax.ShapeDtypeStruct((_NW, NCLS, 16), jnp.float32),
        scratch_types=[
            pltpu.VMEM((2, NCLS, _CH), jnp.float32),
            pltpu.VMEM((2, _CH), jnp.float32),
            pltpu.VMEM((NCLS, 16), jnp.float32),
            pltpu.SemaphoreType.DMA,
            pltpu.SemaphoreType.DMA,
            pltpu.SemaphoreType.DMA,
            pltpu.SemaphoreType.DMA,
        ],
    )
    partials = sc_base(Wfin, base_hi)

    out_lo = pl.pallas_call(
        _tcfinal_body,
        grid=(8,),
        in_specs=[
            pl.BlockSpec((8, _TCCH), lambda i: (0, 0)),
            pl.BlockSpec((NCLS, _TCCH), lambda i: (0, i)),
        ],
        out_specs=pl.BlockSpec((1, NCLS), lambda i: (0, 0)),
        out_shape=jax.ShapeDtypeStruct((1, NCLS), jnp.float32),
    )(base_lo, Wfin)

    m3, ctx_attn = pl.pallas_call(
        _attn_body,
        grid=(N // _QB,),
        in_specs=[
            pl.BlockSpec((_QB, D), lambda i: (i, 0)),
            pl.BlockSpec((N, D), lambda i: (0, 0)),
            pl.BlockSpec((N, D), lambda i: (0, 0)),
            pl.BlockSpec((_QB, N), lambda i: (i, 0)),
        ],
        out_specs=[
            pl.BlockSpec((1, 1, _QB), lambda i: (i, 0, 0)),
            pl.BlockSpec((_QB, D), lambda i: (i, 0)),
        ],
        out_shape=[
            jax.ShapeDtypeStruct((N // _QB, 1, _QB), jnp.float32),
            jax.ShapeDtypeStruct((N, D), jnp.float32),
        ],
    )(q, k, v, _CNT)

    mtop = pl.pallas_call(
        _sel_body,
        out_shape=jax.ShapeDtypeStruct((1, U), jnp.int32),
    )(m3.reshape(16, 128), _UT128, _LT16S)

    corr = pl.pallas_call(
        _corr_body,
        grid_spec=pltpu.PrefetchScalarGridSpec(
            num_scalar_prefetch=1,
            grid=(U,),
            in_specs=[
                pl.BlockSpec((NCLS, D), lambda i, mt: (0, mt[i])),
                pl.BlockSpec((N, D), lambda i, mt: (0, 0)),
                pl.BlockSpec((1, D), lambda i, mt: (0, 0)),
            ],
            out_specs=pl.BlockSpec((1, NCLS), lambda i, mt: (0, 0)),
        ),
        out_shape=jax.ShapeDtypeStruct((1, NCLS), jnp.float32),
    )(mtop.reshape(U), Wfin, ctx_attn, vmean)

    out_base = jnp.sum(partials, axis=(0, 2))
    return out_lo + out_base[None, :] + corr + bfin[None, :]

# --- scband reference (transcript-rebuilt; emitter-appended) ---
"""Pipeline reference for scband-prob-attention-31550829756768 (READ-ONLY COPY).

The authoritative reference and input builder live on the scoring server;
editing this copy changes nothing except your own understanding.
"""

import jax, jax.numpy as jnp
import numpy as np
import math

B, N, D_LEN, D_MODEL, N_CLASS = 1, 2048, 768, 768, 16
FACTOR = 20


def setup_inputs(seed: int = 0) -> dict:
    key = jax.random.key(seed)
    ks = jax.random.split(key, 8)
    inp = {
        "input_embedding": jax.random.normal(ks[0], (B, N, D_LEN), dtype=jnp.float32),
        "fai_x": jnp.zeros((1,), jnp.float32),
        "fai_x_prime": jnp.zeros((1,), jnp.float32),
        "w_1": jnp.zeros((1,), jnp.float32),
        "b_1": jnp.zeros((1,), jnp.float32),
        "w_2": jnp.zeros((1,), jnp.float32),
        "b_2": jnp.zeros((1,), jnp.float32),
        # learned parameters (torch nn.Linear convention: weight [out, in])
        "Wq": jax.random.normal(ks[1], (D_MODEL, D_LEN), dtype=jnp.float32) * 0.02,
        "Wk": jax.random.normal(ks[2], (D_MODEL, D_LEN), dtype=jnp.float32) * 0.02,
        "Wv": jax.random.normal(ks[3], (D_MODEL, D_LEN), dtype=jnp.float32) * 0.02,
        "Wadd": jax.random.normal(ks[4], (D_MODEL, D_LEN), dtype=jnp.float32) * 0.02,
        "badd": jnp.zeros((D_MODEL,), jnp.float32),
        "Wfin": jax.random.normal(ks[5], (N_CLASS, D_MODEL * N), dtype=jnp.float32) * 0.001,
        "bfin": jnp.zeros((N_CLASS,), jnp.float32),
    }
    return inp


def reference(input_embedding, fai_x, fai_x_prime, w_1, b_1, w_2, b_2,
              Wq, Wk, Wv, Wadd, badd, Wfin, bfin):
    B_, N_, _ = input_embedding.shape
    h = 1
    queries = input_embedding @ Wq.T
    keys = input_embedding @ Wk.T
    values = input_embedding @ Wv.T
    D = queries.shape[-1]
    Q = jnp.swapaxes(queries.reshape(B_, N_, h, D), 1, 2)  # [B,H,L_Q,D]
    K = jnp.swapaxes(keys.reshape(B_, N_, h, D), 1, 2)
    V = jnp.swapaxes(values.reshape(B_, N_, h, D), 1, 2)
    L_Q = L_K = N_
    U_part = min(FACTOR * int(np.ceil(np.log(L_K))), L_K)
    u = min(FACTOR * int(np.ceil(np.log(L_Q))), L_Q)
    # sampled-key gather (memory-bound irregular access)
    index_sample = jax.random.randint(jax.random.key(42), (L_Q, U_part), 0, L_K)
    K_sample = K[:, :, index_sample, :]  # [B,H,L_Q,U_part,D]
    Q_K_sample = jnp.squeeze(jnp.matmul(Q[:, :, :, None, :], jnp.swapaxes(K_sample, -2, -1)), axis=-2)
    M = Q_K_sample.max(axis=-1) - Q_K_sample.sum(axis=-1) / L_K
    M_top = jax.lax.top_k(M, u)[1]  # [B,H,u]
    Q_reduce = jnp.take_along_axis(Q, M_top[..., None], axis=2)  # [B,H,u,D]
    scores = jnp.matmul(Q_reduce, jnp.swapaxes(K, -2, -1)) * (1.0 / math.sqrt(D))
    # initial context (mask_flag=False): mean of V broadcast over queries
    V_sum = V.mean(axis=-2)
    context = jnp.broadcast_to(V_sum[:, :, None, :], (B_, h, L_Q, D))
    attn = jax.nn.softmax(scores, axis=-1)
    upd = jnp.matmul(attn, V)  # [B,H,u,D]
    b_idx = jnp.arange(B_)[:, None, None]
    h_idx = jnp.arange(h)[None, :, None]
    context = context.at[b_idx, h_idx, M_top].set(upd)
    context = jnp.swapaxes(context, 1, 2).reshape(B_, N_, -1)
    context = context + (input_embedding @ Wadd.T + badd)
    # dropout is identity in eval/reference mode
    context = context.reshape(B_, -1)
    out = context @ Wfin.T + bfin
    return out

if __name__ == "__main__":
    import jax
    _d = setup_inputs()
    print(jax.jit(kernel)(*tuple(_d.values())))

</pallas_src>

<mosaic_0001>
#map = affine_map<(d0, d1) -> (0, 0)>
#map1 = affine_map<(d0, d1) -> (0)>
#map2 = affine_map<(d0, d1) -> (0, 0, 0)>
module attributes {stable_mosaic.version = 14 : i64} {
  func.func @_sc_base_body(%arg0: i32, %arg1: i32, %arg2: memref<16x1572864xf32, #tpu.memory_space<hbm>>, %arg3: memref<786432xf32, #tpu.memory_space<hbm>>, %arg4: memref<32x16x16xf32, #tpu.memory_space<hbm>>, %arg5: memref<2x16x3072xf32, #tpu.memory_space<vmem>>, %arg6: memref<2x3072xf32, #tpu.memory_space<vmem>>, %arg7: memref<16x16xf32, #tpu.memory_space<vmem>>, %arg8: memref<!tpu.dma_semaphore, #tpu.memory_space<semaphore_mem>>, %arg9: memref<!tpu.dma_semaphore, #tpu.memory_space<semaphore_mem>>, %arg10: memref<!tpu.dma_semaphore, #tpu.memory_space<semaphore_mem>>, %arg11: memref<!tpu.dma_semaphore, #tpu.memory_space<semaphore_mem>>) attributes {dimension_semantics = [#tpu.dimension_semantics<core_parallel>, #tpu.dimension_semantics<subcore_parallel>], iteration_bounds = array<i64: 2, 16>, scalar_prefetch = 0 : i64, scratch_operands = 7 : i64, tpu.core_type = #tpu.core_type<sc_vector_subcore>, window_params = [{transform_indices = #map}, {transform_indices = #map1}, {transform_indices = #map2}]} {
    %mul3A = arith.constant 2 : i32
    %mul3A_0 = arith.muli %arg1, %mul3A : i32
    %add3A = arith.addi %mul3A_0, %arg0 : i32
    %mul3A_1 = arith.constant 24576 : i32
    %mul3A_2 = arith.muli %add3A, %mul3A_1 : i32
    %broadcast_in_dim3A = arith.constant 0.000000e+00 : f32
    %broadcast_in_dim3A_3 = vector.broadcast %broadcast_in_dim3A : f32 to vector<16xf32>
    %broadcast_in_dim3A_4 = arith.constant 0.000000e+00 : f32
    %broadcast_in_dim3A_5 = vector.broadcast %broadcast_in_dim3A_4 : f32 to vector<16xf32>
    %broadcast_in_dim3A_6 = arith.constant 0.000000e+00 : f32
    %broadcast_in_dim3A_7 = vector.broadcast %broadcast_in_dim3A_6 : f32 to vector<16xf32>
    %broadcast_in_dim3A_8 = arith.constant 0.000000e+00 : f32
    %broadcast_in_dim3A_9 = vector.broadcast %broadcast_in_dim3A_8 : f32 to vector<16xf32>
    %broadcast_in_dim3A_10 = arith.constant 0.000000e+00 : f32
    %broadcast_in_dim3A_11 = vector.broadcast %broadcast_in_dim3A_10 : f32 to vector<16xf32>
    %broadcast_in_dim3A_12 = arith.constant 0.000000e+00 : f32
    %broadcast_in_dim3A_13 = vector.broadcast %broadcast_in_dim3A_12 : f32 to vector<16xf32>
    %broadcast_in_dim3A_14 = arith.constant 0.000000e+00 : f32
    %broadcast_in_dim3A_15 = vector.broadcast %broadcast_in_dim3A_14 : f32 to vector<16xf32>
    %broadcast_in_dim3A_16 = arith.constant 0.000000e+00 : f32
    %broadcast_in_dim3A_17 = vector.broadcast %broadcast_in_dim3A_16 : f32 to vector<16xf32>
    %broadcast_in_dim3A_18 = arith.constant 0.000000e+00 : f32
    %broadcast_in_dim3A_19 = vector.broadcast %broadcast_in_dim3A_18 : f32 to vector<16xf32>
    %broadcast_in_dim3A_20 = arith.constant 0.000000e+00 : f32
    %broadcast_in_dim3A_21 = vector.broadcast %broadcast_in_dim3A_20 : f32 to vector<16xf32>
    %broadcast_in_dim3A_22 = arith.constant 0.000000e+00 : f32
    %broadcast_in_dim3A_23 = vector.broadcast %broadcast_in_dim3A_22 : f32 to vector<16xf32>
    %broadcast_in_dim3A_24 = arith.constant 0.000000e+00 : f32
    %broadcast_in_dim3A_25 = vector.broadcast %broadcast_in_dim3A_24 : f32 to vector<16xf32>
    %broadcast_in_dim3A_26 = arith.constant 0.000000e+00 : f32
    %broadcast_in_dim3A_27 = vector.broadcast %broadcast_in_dim3A_26 : f32 to vector<16xf32>
    %broadcast_in_dim3A_28 = arith.constant 0.000000e+00 : f32
    %broadcast_in_dim3A_29 = vector.broadcast %broadcast_in_dim3A_28 : f32 to vector<16xf32>
    %broadcast_in_dim3A_30 = arith.constant 0.000000e+00 : f32
    %broadcast_in_dim3A_31 = vector.broadcast %broadcast_in_dim3A_30 : f32 to vector<16xf32>
    %broadcast_in_dim3A_32 = arith.constant 0.000000e+00 : f32
    %broadcast_in_dim3A_33 = vector.broadcast %broadcast_in_dim3A_32 : f32 to vector<16xf32>
    %add3A_34 = arith.constant 786432 : i32
    %add3A_35 = arith.addi %add3A_34, %mul3A_2 : i32
    %add3A_36 = arith.constant 0 : i32
    %add3A_37 = arith.addi %add3A_35, %add3A_36 : i32
    %dma_start3A = arith.constant 0 : i32
    %dma_start3A_38 = arith.constant 0 : i32
    %dma_start3A_39 = arith.constant 0 : i32
    %dma_start3A_40 = tpu.memref_slice %arg5[%dma_start3A, %dma_start3A_38, %dma_start3A_39] : memref<2x16x3072xf32, #tpu.memory_space<vmem>> -> memref<1x16x3072xf32, #tpu.memory_space<vmem>>
    %dma_start3A_41 = tpu.memref_squeeze %dma_start3A_40 : memref<1x16x3072xf32, #tpu.memory_space<vmem>> -> memref<16x3072xf32, #tpu.memory_space<vmem>>
    %dma_start3A_42 = arith.constant 0 : i32
    %dma_start3A_43 = tpu.memref_slice %arg2[%dma_start3A_42, %add3A_37] : memref<16x1572864xf32, #tpu.memory_space<hbm>> -> memref<16x3072xf32, #tpu.memory_space<hbm>>
    %dma_start3A_44 = arith.constant 0 : i32
    %dma_start3A_45 = arith.constant 0 : i32
    %dma_start3A_46 = tpu.memref_slice %arg5[%dma_start3A, %dma_start3A_44, %dma_start3A_45] : memref<2x16x3072xf32, #tpu.memory_space<vmem>> -> memref<1x16x3072xf32, #tpu.memory_space<vmem>>
    %dma_start3A_47 = tpu.memref_squeeze %dma_start3A_46 : memref<1x16x3072xf32, #tpu.memory_space<vmem>> -> memref<16x3072xf32, #tpu.memory_space<vmem>>
    %dma_start3A_48 = arith.constant 0 : i32
    %dma_start3A_49 = tpu.memref_slice %arg2[%dma_start3A_48, %add3A_37] : memref<16x1572864xf32, #tpu.memory_space<hbm>> -> memref<16x3072xf32, #tpu.memory_space<hbm>>
    tpu.enqueue_dma source(%dma_start3A_49 : memref<16x3072xf32, #tpu.memory_space<hbm>>) target(%dma_start3A_47 : memref<16x3072xf32, #tpu.memory_space<vmem>>) target_semaphore(%arg8 : memref<!tpu.dma_semaphore, #tpu.memory_space<semaphore_mem>>)
    %add3A_50 = arith.constant 0 : i32
    %add3A_51 = arith.addi %mul3A_2, %add3A_50 : i32
    %dma_start3A_52 = arith.constant 0 : i32
    %dma_start3A_53 = arith.constant 0 : i32
    %dma_start3A_54 = tpu.memref_slice %arg6[%dma_start3A_52, %dma_start3A_53] : memref<2x3072xf32, #tpu.memory_space<vmem>> -> memref<1x3072xf32, #tpu.memory_space<vmem>>
    %dma_start3A_55 = tpu.memref_squeeze %dma_start3A_54 : memref<1x3072xf32, #tpu.memory_space<vmem>> -> memref<3072xf32, #tpu.memory_space<vmem>>
    %dma_start3A_56 = tpu.memref_slice %arg3[%add3A_51] : memref<786432xf32, #tpu.memory_space<hbm>> -> memref<3072xf32, #tpu.memory_space<hbm>>
    %dma_start3A_57 = arith.constant 0 : i32
    %dma_start3A_58 = tpu.memref_slice %arg6[%dma_start3A_52, %dma_start3A_57] : memref<2x3072xf32, #tpu.memory_space<vmem>> -> memref<1x3072xf32, #tpu.memory_space<vmem>>
    %dma_start3A_59 = tpu.memref_squeeze %dma_start3A_58 : memref<1x3072xf32, #tpu.memory_space<vmem>> -> memref<3072xf32, #tpu.memory_space<vmem>>
    %dma_start3A_60 = tpu.memref_slice %arg3[%add3A_51] : memref<786432xf32, #tpu.memory_space<hbm>> -> memref<3072xf32, #tpu.memory_space<hbm>>
    tpu.enqueue_dma source(%dma_start3A_60 : memref<3072xf32, #tpu.memory_space<hbm>>) target(%dma_start3A_59 : memref<3072xf32, #tpu.memory_space<vmem>>) target_semaphore(%arg10 : memref<!tpu.dma_semaphore, #tpu.memory_space<semaphore_mem>>)
    %add3A_61 = arith.constant 786432 : i32
    %add3A_62 = arith.addi %add3A_61, %mul3A_2 : i32
    %add3A_63 = arith.constant 3072 : i32
    %add3A_64 = arith.addi %add3A_62, %add3A_63 : i32
    %dma_start3A_65 = arith.constant 1 : i32
    %dma_start3A_66 = arith.constant 0 : i32
    %dma_start3A_67 = arith.constant 0 : i32
    %dma_start3A_68 = tpu.memref_slice %arg5[%dma_start3A_65, %dma_start3A_66, %dma_start3A_67] : memref<2x16x3072xf32, #tpu.memory_space<vmem>> -> memref<1x16x3072xf32, #tpu.memory_space<vmem>>
    %dma_start3A_69 = tpu.memref_squeeze %dma_start3A_68 : memref<1x16x3072xf32, #tpu.memory_space<vmem>> -> memref<16x3072xf32, #tpu.memory_space<vmem>>
    %dma_start3A_70 = arith.constant 0 : i32
    %dma_start3A_71 = tpu.memref_slice %arg2[%dma_start3A_70, %add3A_64] : memref<16x1572864xf32, #tpu.memory_space<hbm>> -> memref<16x3072xf32, #tpu.memory_space<hbm>>
    %dma_start3A_72 = arith.constant 0 : i32
    %dma_start3A_73 = arith.constant 0 : i32
    %dma_start3A_74 = tpu.memref_slice %arg5[%dma_start3A_65, %dma_start3A_72, %dma_start3A_73] : memref<2x16x3072xf32, #tpu.memory_space<vmem>> -> memref<1x16x3072xf32, #tpu.memory_space<vmem>>
    %dma_start3A_75 = tpu.memref_squeeze %dma_start3A_74 : memref<1x16x3072xf32, #tpu.memory_space<vmem>> -> memref<16x3072xf32, #tpu.memory_space<vmem>>
    %dma_start3A_76 = arith.constant 0 : i32
    %dma_start3A_77 = tpu.memref_slice %arg2[%dma_start3A_76, %add3A_64] : memref<16x1572864xf32, #tpu.memory_space<hbm>> -> memref<16x3072xf32, #tpu.memory_space<hbm>>
    tpu.enqueue_dma source(%dma_start3A_77 : memref<16x3072xf32, #tpu.memory_space<hbm>>) target(%dma_start3A_75 : memref<16x3072xf32, #tpu.memory_space<vmem>>) target_semaphore(%arg9 : memref<!tpu.dma_semaphore, #tpu.memory_space<semaphore_mem>>)
    %add3A_78 = arith.constant 3072 : i32
    %add3A_79 = arith.addi %mul3A_2, %add3A_78 : i32
    %dma_start3A_80 = arith.constant 1 : i32
    %dma_start3A_81 = arith.constant 0 : i32
    %dma_start3A_82 = tpu.memref_slice %arg6[%dma_start3A_80, %dma_start3A_81] : memref<2x3072xf32, #tpu.memory_space<vmem>> -> memref<1x3072xf32, #tpu.memory_space<vmem>>
    %dma_start3A_83 = tpu.memref_squeeze %dma_start3A_82 : memref<1x3072xf32, #tpu.memory_space<vmem>> -> memref<3072xf32, #tpu.memory_space<vmem>>
    %dma_start3A_84 = tpu.memref_slice %arg3[%add3A_79] : memref<786432xf32, #tpu.memory_space<hbm>> -> memref<3072xf32, #tpu.memory_space<hbm>>
    %dma_start3A_85 = arith.constant 0 : i32
    %dma_start3A_86 = tpu.memref_slice %arg6[%dma_start3A_80, %dma_start3A_85] : memref<2x3072xf32, #tpu.memory_space<vmem>> -> memref<1x3072xf32, #tpu.memory_space<vmem>>
    %dma_start3A_87 = tpu.memref_squeeze %dma_start3A_86 : memref<1x3072xf32, #tpu.memory_space<vmem>> -> memref<3072xf32, #tpu.memory_space<vmem>>
    %dma_start3A_88 = tpu.memref_slice %arg3[%add3A_79] : memref<786432xf32, #tpu.memory_space<hbm>> -> memref<3072xf32, #tpu.memory_space<hbm>>
    tpu.enqueue_dma source(%dma_start3A_88 : memref<3072xf32, #tpu.memory_space<hbm>>) target(%dma_start3A_87 : memref<3072xf32, #tpu.memory_space<vmem>>) target_semaphore(%arg11 : memref<!tpu.dma_semaphore, #tpu.memory_space<semaphore_mem>>)
    %dma_wait3A = arith.constant 0 : i32
    %dma_wait3A_89 = arith.constant 0 : i32
    %dma_wait3A_90 = arith.constant 0 : i32
    %dma_wait3A_91 = tpu.memref_slice %arg5[%dma_wait3A, %dma_wait3A_89, %dma_wait3A_90] : memref<2x16x3072xf32, #tpu.memory_space<vmem>> -> memref<1x16x3072xf32, #tpu.memory_space<vmem>>
    %dma_wait3A_92 = tpu.memref_squeeze %dma_wait3A_91 : memref<1x16x3072xf32, #tpu.memory_space<vmem>> -> memref<16x3072xf32, #tpu.memory_space<vmem>>
    %dma_wait3A_93 = arith.constant 0 : i32
    %dma_wait3A_94 = tpu.memref_slice %arg2[%dma_wait3A_93, %add3A_37] : memref<16x1572864xf32, #tpu.memory_space<hbm>> -> memref<16x3072xf32, #tpu.memory_space<hbm>>
    %dma_wait3A_95 = arith.constant 0 : i32
    %dma_wait3A_96 = arith.constant 0 : i32
    %dma_wait3A_97 = tpu.memref_slice %arg5[%dma_wait3A, %dma_wait3A_95, %dma_wait3A_96] : memref<2x16x3072xf32, #tpu.memory_space<vmem>> -> memref<1x16x3072xf32, #tpu.memory_space<vmem>>
    %dma_wait3A_98 = tpu.memref_squeeze %dma_wait3A_97 : memref<1x16x3072xf32, #tpu.memory_space<vmem>> -> memref<16x3072xf32, #tpu.memory_space<vmem>>
    %dma_wait3A_99 = arith.constant 0 : i32
    %dma_wait3A_100 = tpu.memref_slice %arg2[%dma_wait3A_99, %add3A_37] : memref<16x1572864xf32, #tpu.memory_space<hbm>> -> memref<16x3072xf32, #tpu.memory_space<hbm>>
    tpu.wait_dma2 semaphore(%arg8 : memref<!tpu.dma_semaphore, #tpu.memory_space<semaphore_mem>>) src(%dma_wait3A_100 : memref<16x3072xf32, #tpu.memory_space<hbm>>) dst(%dma_wait3A_98 : memref<16x3072xf32, #tpu.memory_space<vmem>>)
    %dma_wait3A_101 = arith.constant 0 : i32
    %dma_wait3A_102 = arith.constant 0 : i32
    %dma_wait3A_103 = tpu.memref_slice %arg6[%dma_wait3A_101, %dma_wait3A_102] : memref<2x3072xf32, #tpu.memory_space<vmem>> -> memref<1x3072xf32, #tpu.memory_space<vmem>>
    %dma_wait3A_104 = tpu.memref_squeeze %dma_wait3A_103 : memref<1x3072xf32, #tpu.memory_space<vmem>> -> memref<3072xf32, #tpu.memory_space<vmem>>
    %dma_wait3A_105 = tpu.memref_slice %arg3[%add3A_51] : memref<786432xf32, #tpu.memory_space<hbm>> -> memref<3072xf32, #tpu.memory_space<hbm>>
    %dma_wait3A_106 = arith.constant 0 : i32
    %dma_wait3A_107 = tpu.memref_slice %arg6[%dma_wait3A_101, %dma_wait3A_106] : memref<2x3072xf32, #tpu.memory_space<vmem>> -> memref<1x3072xf32, #tpu.memory_space<vmem>>
    %dma_wait3A_108 = tpu.memref_squeeze %dma_wait3A_107 : memref<1x3072xf32, #tpu.memory_space<vmem>> -> memref<3072xf32, #tpu.memory_space<vmem>>
    %dma_wait3A_109 = tpu.memref_slice %arg3[%add3A_51] : memref<786432xf32, #tpu.memory_space<hbm>> -> memref<3072xf32, #tpu.memory_space<hbm>>
    tpu.wait_dma2 semaphore(%arg10 : memref<!tpu.dma_semaphore, #tpu.memory_space<semaphore_mem>>) src(%dma_wait3A_109 : memref<3072xf32, #tpu.memory_space<hbm>>) dst(%dma_wait3A_108 : memref<3072xf32, #tpu.memory_space<vmem>>)
    %scan3A = arith.constant 0 : i32
    %scan3A_110 = arith.constant 192 : i32
    %scan3A_111 = arith.addi %scan3A, %scan3A_110 : i32
    %scan3A_112 = arith.constant 1 : i32
    %scan3A_113:16 = scf.for %scan3A_574 = %scan3A to %scan3A_111 step %scan3A_112 iter_args(%scan3A_575 = %broadcast_in_dim3A_3, %scan3A_576 = %broadcast_in_dim3A_5, %scan3A_577 = %broadcast_in_dim3A_7, %scan3A_578 = %broadcast_in_dim3A_9, %scan3A_579 = %broadcast_in_dim3A_11, %scan3A_580 = %broadcast_in_dim3A_13, %scan3A_581 = %broadcast_in_dim3A_15, %scan3A_582 = %broadcast_in_dim3A_17, %scan3A_583 = %broadcast_in_dim3A_19, %scan3A_584 = %broadcast_in_dim3A_21, %scan3A_585 = %broadcast_in_dim3A_23, %scan3A_586 = %broadcast_in_dim3A_25, %scan3A_587 = %broadcast_in_dim3A_27, %scan3A_588 = %broadcast_in_dim3A_29, %scan3A_589 = %broadcast_in_dim3A_31, %scan3A_590 = %broadcast_in_dim3A_33) -> (vector<16xf32>, vector<16xf32>, vector<16xf32>, vector<16xf32>, vector<16xf32>, vector<16xf32>, vector<16xf32>, vector<16xf32>, vector<16xf32>, vector<16xf32>, vector<16xf32>, vector<16xf32>, vector<16xf32>, vector<16xf32>, vector<16xf32>, vector<16xf32>)  : i32 {
      %mul3A_591 = arith.constant 16 : i32
      %mul3A_592 = arith.muli %scan3A_574, %mul3A_591 : i32
      %get3A = arith.constant 0 : i32
      %get3A_593 = arith.index_cast %get3A : i32 to index
      %get3A_594 = arith.index_cast %mul3A_592 : i32 to index
      %get3A_595 = tpu.vector_load %arg6[%get3A_593, %get3A_594] {strides = array<i32>} : memref<2x3072xf32, #tpu.memory_space<vmem>>, vector<1x16xf32>,
      %get3A_596 = vector.shape_cast %get3A_595 : vector<1x16xf32> to vector<16xf32>
      %mul3A_597 = arith.constant 16 : i32
      %mul3A_598 = arith.muli %scan3A_574, %mul3A_597 : i32
      %get3A_599 = arith.constant 0 : i32
      %get3A_600 = arith.constant 0 : i32
      %get3A_601 = arith.index_cast %get3A_599 : i32 to index
      %get3A_602 = arith.index_cast %get3A_600 : i32 to index
      %get3A_603 = arith.index_cast %mul3A_598 : i32 to index
      %get3A_604 = tpu.vector_load %arg5[%get3A_601, %get3A_602, %get3A_603] {strides = array<i32>} : memref<2x16x3072xf32, #tpu.memory_space<vmem>>, vector<1x1x16xf32>,
      %get3A_605 = vector.shape_cast %get3A_604 : vector<1x1x16xf32> to vector<16xf32>
      %mul3A_606 = arith.mulf %get3A_605, %get3A_596 : vector<16xf32>
      %add3A_607 = arith.addf %scan3A_575, %mul3A_606 : vector<16xf32>
      %mul3A_608 = arith.constant 16 : i32
      %mul3A_609 = arith.muli %scan3A_574, %mul3A_608 : i32
      %get3A_610 = arith.constant 0 : i32
      %get3A_611 = arith.constant 1 : i32
      %get3A_612 = arith.index_cast %get3A_610 : i32 to index
      %get3A_613 = arith.index_cast %get3A_611 : i32 to index
      %get3A_614 = arith.index_cast %mul3A_609 : i32 to index
      %get3A_615 = tpu.vector_load %arg5[%get3A_612, %get3A_613, %get3A_614] {strides = array<i32>} : memref<2x16x3072xf32, #tpu.memory_space<vmem>>, vector<1x1x16xf32>,
      %get3A_616 = vector.shape_cast %get3A_615 : vector<1x1x16xf32> to vector<16xf32>
      %mul3A_617 = arith.mulf %get3A_616, %get3A_596 : vector<16xf32>
      %add3A_618 = arith.addf %scan3A_576, %mul3A_617 : vector<16xf32>
      %mul3A_619 = arith.constant 16 : i32
      %mul3A_620 = arith.muli %scan3A_574, %mul3A_619 : i32
      %get3A_621 = arith.constant 0 : i32
      %get3A_622 = arith.constant 2 : i32
      %get3A_623 = arith.index_cast %get3A_621 : i32 to index
      %get3A_624 = arith.index_cast %get3A_622 : i32 to index
      %get3A_625 = arith.index_cast %mul3A_620 : i32 to index
      %get3A_626 = tpu.vector_load %arg5[%get3A_623, %get3A_624, %get3A_625] {strides = array<i32>} : memref<2x16x3072xf32, #tpu.memory_space<vmem>>, vector<1x1x16xf32>,
      %get3A_627 = vector.shape_cast %get3A_626 : vector<1x1x16xf32> to vector<16xf32>
      %mul3A_628 = arith.mulf %get3A_627, %get3A_596 : vector<16xf32>
      %add3A_629 = arith.addf %scan3A_577, %mul3A_628 : vector<16xf32>
      %mul3A_630 = arith.constant 16 : i32
      %mul3A_631 = arith.muli %scan3A_574, %mul3A_630 : i32
      %get3A_632 = arith.constant 0 : i32
      %get3A_633 = arith.constant 3 : i32
      %get3A_634 = arith.index_cast %get3A_632 : i32 to index
      %get3A_635 = arith.index_cast %get3A_633 : i32 to index
      %get3A_636 = arith.index_cast %mul3A_631 : i32 to index
      %get3A_637 = tpu.vector_load %arg5[%get3A_634, %get3A_635, %get3A_636] {strides = array<i32>} : memref<2x16x3072xf32, #tpu.memory_space<vmem>>, vector<1x1x16xf32>,
      %get3A_638 = vector.shape_cast %get3A_637 : vector<1x1x16xf32> to vector<16xf32>
      %mul3A_639 = arith.mulf %get3A_638, %get3A_596 : vector<16xf32>
      %add3A_640 = arith.addf %scan3A_578, %mul3A_639 : vector<16xf32>
      %mul3A_641 = arith.constant 16 : i32
      %mul3A_642 = arith.muli %scan3A_574, %mul3A_641 : i32
      %get3A_643 = arith.constant 0 : i32
      %get3A_644 = arith.constant 4 : i32
      %get3A_645 = arith.index_cast %get3A_643 : i32 to index
      %get3A_646 = arith.index_cast %get3A_644 : i32 to index
      %get3A_647 = arith.index_cast %mul3A_642 : i32 to index
      %get3A_648 = tpu.vector_load %arg5[%get3A_645, %get3A_646, %get3A_647] {strides = array<i32>} : memref<2x16x3072xf32, #tpu.memory_space<vmem>>, vector<1x1x16xf32>,
      %get3A_649 = vector.shape_cast %get3A_648 : vector<1x1x16xf32> to vector<16xf32>
      %mul3A_650 = arith.mulf %get3A_649, %get3A_596 : vector<16xf32>
      %add3A_651 = arith.addf %scan3A_579, %mul3A_650 : vector<16xf32>
      %mul3A_652 = arith.constant 16 : i32
      %mul3A_653 = arith.muli %scan3A_574, %mul3A_652 : i32
      %get3A_654 = arith.constant 0 : i32
      %get3A_655 = arith.constant 5 : i32
      %get3A_656 = arith.index_cast %get3A_654 : i32 to index
      %get3A_657 = arith.index_cast %get3A_655 : i32 to index
      %get3A_658 = arith.index_cast %mul3A_653 : i32 to index
      %get3A_659 = tpu.vector_load %arg5[%get3A_656, %get3A_657, %get3A_658] {strides = array<i32>} : memref<2x16x3072xf32, #tpu.memory_space<vmem>>, vector<1x1x16xf32>,
      %get3A_660 = vector.shape_cast %get3A_659 : vector<1x1x16xf32> to vector<16xf32>
      %mul3A_661 = arith.mulf %get3A_660, %get3A_596 : vector<16xf32>
      %add3A_662 = arith.addf %scan3A_580, %mul3A_661 : vector<16xf32>
      %mul3A_663 = arith.constant 16 : i32
      %mul3A_664 = arith.muli %scan3A_574, %mul3A_663 : i32
      %get3A_665 = arith.constant 0 : i32
      %get3A_666 = arith.constant 6 : i32
      %get3A_667 = arith.index_cast %get3A_665 : i32 to index
      %get3A_668 = arith.index_cast %get3A_666 : i32 to index
      %get3A_669 = arith.index_cast %mul3A_664 : i32 to index
      %get3A_670 = tpu.vector_load %arg5[%get3A_667, %get3A_668, %get3A_669] {strides = array<i32>} : memref<2x16x3072xf32, #tpu.memory_space<vmem>>, vector<1x1x16xf32>,
      %get3A_671 = vector.shape_cast %get3A_670 : vector<1x1x16xf32> to vector<16xf32>
      %mul3A_672 = arith.mulf %get3A_671, %get3A_596 : vector<16xf32>
      %add3A_673 = arith.addf %scan3A_581, %mul3A_672 : vector<16xf32>
      %mul3A_674 = arith.constant 16 : i32
      %mul3A_675 = arith.muli %scan3A_574, %mul3A_674 : i32
      %get3A_676 = arith.constant 0 : i32
      %get3A_677 = arith.constant 7 : i32
      %get3A_678 = arith.index_cast %get3A_676 : i32 to index
      %get3A_679 = arith.index_cast %get3A_677 : i32 to index
      %get3A_680 = arith.index_cast %mul3A_675 : i32 to index
      %get3A_681 = tpu.vector_load %arg5[%get3A_678, %get3A_679, %get3A_680] {strides = array<i32>} : memref<2x16x3072xf32, #tpu.memory_space<vmem>>, vector<1x1x16xf32>,
      %get3A_682 = vector.shape_cast %get3A_681 : vector<1x1x16xf32> to vector<16xf32>
      %mul3A_683 = arith.mulf %get3A_682, %get3A_596 : vector<16xf32>
      %add3A_684 = arith.addf %scan3A_582, %mul3A_683 : vector<16xf32>
      %mul3A_685 = arith.constant 16 : i32
      %mul3A_686 = arith.muli %scan3A_574, %mul3A_685 : i32
      %get3A_687 = arith.constant 0 : i32
      %get3A_688 = arith.constant 8 : i32
      %get3A_689 = arith.index_cast %get3A_687 : i32 to index
      %get3A_690 = arith.index_cast %get3A_688 : i32 to index
      %get3A_691 = arith.index_cast %mul3A_686 : i32 to index
      %get3A_692 = tpu.vector_load %arg5[%get3A_689, %get3A_690, %get3A_691] {strides = array<i32>} : memref<2x16x3072xf32, #tpu.memory_space<vmem>>, vector<1x1x16xf32>,
      %get3A_693 = vector.shape_cast %get3A_692 : vector<1x1x16xf32> to vector<16xf32>
      %mul3A_694 = arith.mulf %get3A_693, %get3A_596 : vector<16xf32>
      %add3A_695 = arith.addf %scan3A_583, %mul3A_694 : vector<16xf32>
      %mul3A_696 = arith.constant 16 : i32
      %mul3A_697 = arith.muli %scan3A_574, %mul3A_696 : i32
      %get3A_698 = arith.constant 0 : i32
      %get3A_699 = arith.constant 9 : i32
      %get3A_700 = arith.index_cast %get3A_698 : i32 to index
      %get3A_701 = arith.index_cast %get3A_699 : i32 to index
      %get3A_702 = arith.index_cast %mul3A_697 : i32 to index
      %get3A_703 = tpu.vector_load %arg5[%get3A_700, %get3A_701, %get3A_702] {strides = array<i32>} : memref<2x16x3072xf32, #tpu.memory_space<vmem>>, vector<1x1x16xf32>,
      %get3A_704 = vector.shape_cast %get3A_703 : vector<1x1x16xf32> to vector<16xf32>
      %mul3A_705 = arith.mulf %get3A_704, %get3A_596 : vector<16xf32>
      %add3A_706 = arith.addf %scan3A_584, %mul3A_705 : vector<16xf32>
      %mul3A_707 = arith.constant 16 : i32
      %mul3A_708 = arith.muli %scan3A_574, %mul3A_707 : i32
      %get3A_709 = arith.constant 0 : i32
      %get3A_710 = arith.constant 10 : i32
      %get3A_711 = arith.index_cast %get3A_709 : i32 to index
      %get3A_712 = arith.index_cast %get3A_710 : i32 to index
      %get3A_713 = arith.index_cast %mul3A_708 : i32 to index
      %get3A_714 = tpu.vector_load %arg5[%get3A_711, %get3A_712, %get3A_713] {strides = array<i32>} : memref<2x16x3072xf32, #tpu.memory_space<vmem>>, vector<1x1x16xf32>,
      %get3A_715 = vector.shape_cast %get3A_714 : vector<1x1x16xf32> to vector<16xf32>
      %mul3A_716 = arith.mulf %get3A_715, %get3A_596 : vector<16xf32>
      %add3A_717 = arith.addf %scan3A_585, %mul3A_716 : vector<16xf32>
      %mul3A_718 = arith.constant 16 : i32
      %mul3A_719 = arith.muli %scan3A_574, %mul3A_718 : i32
      %get3A_720 = arith.constant 0 : i32
      %get3A_721 = arith.constant 11 : i32
      %get3A_722 = arith.index_cast %get3A_720 : i32 to index
      %get3A_723 = arith.index_cast %get3A_721 : i32 to index
      %get3A_724 = arith.index_cast %mul3A_719 : i32 to index
      %get3A_725 = tpu.vector_load %arg5[%get3A_722, %get3A_723, %get3A_724] {strides = array<i32>} : memref<2x16x3072xf32, #tpu.memory_space<vmem>>, vector<1x1x16xf32>,
      %get3A_726 = vector.shape_cast %get3A_725 : vector<1x1x16xf32> to vector<16xf32>
      %mul3A_727 = arith.mulf %get3A_726, %get3A_596 : vector<16xf32>
      %add3A_728 = arith.addf %scan3A_586, %mul3A_727 : vector<16xf32>
      %mul3A_729 = arith.constant 16 : i32
      %mul3A_730 = arith.muli %scan3A_574, %mul3A_729 : i32
      %get3A_731 = arith.constant 0 : i32
      %get3A_732 = arith.constant 12 : i32
      %get3A_733 = arith.index_cast %get3A_731 : i32 to index
      %get3A_734 = arith.index_cast %get3A_732 : i32 to index
      %get3A_735 = arith.index_cast %mul3A_730 : i32 to index
      %get3A_736 = tpu.vector_load %arg5[%get3A_733, %get3A_734, %get3A_735] {strides = array<i32>} : memref<2x16x3072xf32, #tpu.memory_space<vmem>>, vector<1x1x16xf32>,
      %get3A_737 = vector.shape_cast %get3A_736 : vector<1x1x16xf32> to vector<16xf32>
      %mul3A_738 = arith.mulf %get3A_737, %get3A_596 : vector<16xf32>
      %add3A_739 = arith.addf %scan3A_587, %mul3A_738 : vector<16xf32>
      %mul3A_740 = arith.constant 16 : i32
      %mul3A_741 = arith.muli %scan3A_574, %mul3A_740 : i32
      %get3A_742 = arith.constant 0 : i32
      %get3A_743 = arith.constant 13 : i32
      %get3A_744 = arith.index_cast %get3A_742 : i32 to index
      %get3A_745 = arith.index_cast %get3A_743 : i32 to index
      %get3A_746 = arith.index_cast %mul3A_741 : i32 to index
      %get3A_747 = tpu.vector_load %arg5[%get3A_744, %get3A_745, %get3A_746] {strides = array<i32>} : memref<2x16x3072xf32, #tpu.memory_space<vmem>>, vector<1x1x16xf32>,
      %get3A_748 = vector.shape_cast %get3A_747 : vector<1x1x16xf32> to vector<16xf32>
      %mul3A_749 = arith.mulf %get3A_748, %get3A_596 : vector<16xf32>
      %add3A_750 = arith.addf %scan3A_588, %mul3A_749 : vector<16xf32>
      %mul3A_751 = arith.constant 16 : i32
      %mul3A_752 = arith.muli %scan3A_574, %mul3A_751 : i32
      %get3A_753 = arith.constant 0 : i32
      %get3A_754 = arith.constant 14 : i32
      %get3A_755 = arith.index_cast %get3A_753 : i32 to index
      %get3A_756 = arith.index_cast %get3A_754 : i32 to index
      %get3A_757 = arith.index_cast %mul3A_752 : i32 to index
      %get3A_758 = tpu.vector_load %arg5[%get3A_755, %get3A_756, %get3A_757] {strides = array<i32>} : memref<2x16x3072xf32, #tpu.memory_space<vmem>>, vector<1x1x16xf32>,
      %get3A_759 = vector.shape_cast %get3A_758 : vector<1x1x16xf32> to vector<16xf32>
      %mul3A_760 = arith.mulf %get3A_759, %get3A_596 : vector<16xf32>
      %add3A_761 = arith.addf %scan3A_589, %mul3A_760 : vector<16xf32>
      %mul3A_762 = arith.constant 16 : i32
      %mul3A_763 = arith.muli %scan3A_574, %mul3A_762 : i32
      %get3A_764 = arith.constant 0 : i32
      %get3A_765 = arith.constant 15 : i32
      %get3A_766 = arith.index_cast %get3A_764 : i32 to index
      %get3A_767 = arith.index_cast %get3A_765 : i32 to index
      %get3A_768 = arith.index_cast %mul3A_763 : i32 to index
      %get3A_769 = tpu.vector_load %arg5[%get3A_766, %get3A_767, %get3A_768] {strides = array<i32>} : memref<2x16x3072xf32, #tpu.memory_space<vmem>>, vector<1x1x16xf32>,
      %get3A_770 = vector.shape_cast %get3A_769 : vector<1x1x16xf32> to vector<16xf32>
      %mul3A_771 = arith.mulf %get3A_770, %get3A_596 : vector<16xf32>
      %add3A_772 = arith.addf %scan3A_590, %mul3A_771 : vector<16xf32>
      scf.yield %add3A_607, %add3A_618, %add3A_629, %add3A_640, %add3A_651, %add3A_662, %add3A_673, %add3A_684, %add3A_695, %add3A_706, %add3A_717, %add3A_728, %add3A_739, %add3A_750, %add3A_761, %add3A_772 : vector<16xf32>, vector<16xf32>, vector<16xf32>, vector<16xf32>, vector<16xf32>, vector<16xf32>, vector<16xf32>, vector<16xf32>, vector<16xf32>, vector<16xf32>, vector<16xf32>, vector<16xf32>, vector<16xf32>, vector<16xf32>, vector<16xf32>, vector<16xf32>
    }
    %scan3A_114 = arith.constant 192 : i32
    %add3A_115 = arith.constant 786432 : i32
    %add3A_116 = arith.addi %add3A_115, %mul3A_2 : i32
    %add3A_117 = arith.constant 6144 : i32
    %add3A_118 = arith.addi %add3A_116, %add3A_117 : i32
    %dma_start3A_119 = arith.constant 0 : i32
    %dma_start3A_120 = arith.constant 0 : i32
    %dma_start3A_121 = arith.constant 0 : i32
    %dma_start3A_122 = tpu.memref_slice %arg5[%dma_start3A_119, %dma_start3A_120, %dma_start3A_121] : memref<2x16x3072xf32, #tpu.memory_space<vmem>> -> memref<1x16x3072xf32, #tpu.memory_space<vmem>>
    %dma_start3A_123 = tpu.memref_squeeze %dma_start3A_122 : memref<1x16x3072xf32, #tpu.memory_space<vmem>> -> memref<16x3072xf32, #tpu.memory_space<vmem>>
    %dma_start3A_124 = arith.constant 0 : i32
    %dma_start3A_125 = tpu.memref_slice %arg2[%dma_start3A_124, %add3A_118] : memref<16x1572864xf32, #tpu.memory_space<hbm>> -> memref<16x3072xf32, #tpu.memory_space<hbm>>
    %dma_start3A_126 = arith.constant 0 : i32
    %dma_start3A_127 = arith.constant 0 : i32
    %dma_start3A_128 = tpu.memref_slice %arg5[%dma_start3A_119, %dma_start3A_126, %dma_start3A_127] : memref<2x16x3072xf32, #tpu.memory_space<vmem>> -> memref<1x16x3072xf32, #tpu.memory_space<vmem>>
    %dma_start3A_129 = tpu.memref_squeeze %dma_start3A_128 : memref<1x16x3072xf32, #tpu.memory_space<vmem>> -> memref<16x3072xf32, #tpu.memory_space<vmem>>
    %dma_start3A_130 = arith.constant 0 : i32
    %dma_start3A_131 = tpu.memref_slice %arg2[%dma_start3A_130, %add3A_118] : memref<16x1572864xf32, #tpu.memory_space<hbm>> -> memref<16x3072xf32, #tpu.memory_space<hbm>>
    tpu.enqueue_dma source(%dma_start3A_131 : memref<16x3072xf32, #tpu.memory_space<hbm>>) target(%dma_start3A_129 : memref<16x3072xf32, #tpu.memory_space<vmem>>) target_semaphore(%arg8 : memref<!tpu.dma_semaphore, #tpu.memory_space<semaphore_mem>>)
    %add3A_132 = arith.constant 6144 : i32
    %add3A_133 = arith.addi %mul3A_2, %add3A_132 : i32
    %dma_start3A_134 = arith.constant 0 : i32
    %dma_start3A_135 = arith.constant 0 : i32
    %dma_start3A_136 = tpu.memref_slice %arg6[%dma_start3A_134, %dma_start3A_135] : memref<2x3072xf32, #tpu.memory_space<vmem>> -> memref<1x3072xf32, #tpu.memory_space<vmem>>
    %dma_start3A_137 = tpu.memref_squeeze %dma_start3A_136 : memref<1x3072xf32, #tpu.memory_space<vmem>> -> memref<3072xf32, #tpu.memory_space<vmem>>
    %dma_start3A_138 = tpu.memref_slice %arg3[%add3A_133] : memref<786432xf32, #tpu.memory_space<hbm>> -> memref<3072xf32, #tpu.memory_space<hbm>>
    %dma_start3A_139 = arith.constant 0 : i32
    %dma_start3A_140 = tpu.memref_slice %arg6[%dma_start3A_134, %dma_start3A_139] : memref<2x3072xf32, #tpu.memory_space<vmem>> -> memref<1x3072xf32, #tpu.memory_space<vmem>>
    %dma_start3A_141 = tpu.memref_squeeze %dma_start3A_140 : memref<1x3072xf32, #tpu.memory_space<vmem>> -> memref<3072xf32, #tpu.memory_space<vmem>>
    %dma_start3A_142 = tpu.memref_slice %arg3[%add3A_133] : memref<786432xf32, #tpu.memory_space<hbm>> -> memref<3072xf32, #tpu.memory_space<hbm>>
    tpu.enqueue_dma source(%dma_start3A_142 : memref<3072xf32, #tpu.memory_space<hbm>>) target(%dma_start3A_141 : memref<3072xf32, #tpu.memory_space<vmem>>) target_semaphore(%arg10 : memref<!tpu.dma_semaphore, #tpu.memory_space<semaphore_mem>>)
    %dma_wait3A_143 = arith.constant 1 : i32
    %dma_wait3A_144 = arith.constant 0 : i32
    %dma_wait3A_145 = arith.constant 0 : i32
    %dma_wait3A_146 = tpu.memref_slice %arg5[%dma_wait3A_143, %dma_wait3A_144, %dma_wait3A_145] : memref<2x16x3072xf32, #tpu.memory_space<vmem>> -> memref<1x16x3072xf32, #tpu.memory_space<vmem>>
    %dma_wait3A_147 = tpu.memref_squeeze %dma_wait3A_146 : memref<1x16x3072xf32, #tpu.memory_space<vmem>> -> memref<16x3072xf32, #tpu.memory_space<vmem>>
    %dma_wait3A_148 = arith.constant 0 : i32
    %dma_wait3A_149 = tpu.memref_slice %arg2[%dma_wait3A_148, %add3A_64] : memref<16x1572864xf32, #tpu.memory_space<hbm>> -> memref<16x3072xf32, #tpu.memory_space<hbm>>
    %dma_wait3A_150 = arith.constant 0 : i32
    %dma_wait3A_151 = arith.constant 0 : i32
    %dma_wait3A_152 = tpu.memref_slice %arg5[%dma_wait3A_143, %dma_wait3A_150, %dma_wait3A_151] : memref<2x16x3072xf32, #tpu.memory_space<vmem>> -> memref<1x16x3072xf32, #tpu.memory_space<vmem>>
    %dma_wait3A_153 = tpu.memref_squeeze %dma_wait3A_152 : memref<1x16x3072xf32, #tpu.memory_space<vmem>> -> memref<16x3072xf32, #tpu.memory_space<vmem>>
    %dma_wait3A_154 = arith.constant 0 : i32
    %dma_wait3A_155 = tpu.memref_slice %arg2[%dma_wait3A_154, %add3A_64] : memref<16x1572864xf32, #tpu.memory_space<hbm>> -> memref<16x3072xf32, #tpu.memory_space<hbm>>
    tpu.wait_dma2 semaphore(%arg9 : memref<!tpu.dma_semaphore, #tpu.memory_space<semaphore_mem>>) src(%dma_wait3A_155 : memref<16x3072xf32, #tpu.memory_space<hbm>>) dst(%dma_wait3A_153 : memref<16x3072xf32, #tpu.memory_space<vmem>>)
    %dma_wait3A_156 = arith.constant 1 : i32
    %dma_wait3A_157 = arith.constant 0 : i32
    %dma_wait3A_158 = tpu.memref_slice %arg6[%dma_wait3A_156, %dma_wait3A_157] : memref<2x3072xf32, #tpu.memory_space<vmem>> -> memref<1x3072xf32, #tpu.memory_space<vmem>>
    %dma_wait3A_159 = tpu.memref_squeeze %dma_wait3A_158 : memref<1x3072xf32, #tpu.memory_space<vmem>> -> memref<3072xf32, #tpu.memory_space<vmem>>
    %dma_wait3A_160 = tpu.memref_slice %arg3[%add3A_79] : memref<786432xf32, #tpu.memory_space<hbm>> -> memref<3072xf32, #tpu.memory_space<hbm>>
    %dma_wait3A_161 = arith.constant 0 : i32
    %dma_wait3A_162 = tpu.memref_slice %arg6[%dma_wait3A_156, %dma_wait3A_161] : memref<2x3072xf32, #tpu.memory_space<vmem>> -> memref<1x3072xf32, #tpu.memory_space<vmem>>
    %dma_wait3A_163 = tpu.memref_squeeze %dma_wait3A_162 : memref<1x3072xf32, #tpu.memory_space<vmem>> -> memref<3072xf32, #tpu.memory_space<vmem>>
    %dma_wait3A_164 = tpu.memref_slice %arg3[%add3A_79] : memref<786432xf32, #tpu.memory_space<hbm>> -> memref<3072xf32, #tpu.memory_space<hbm>>
    tpu.wait_dma2 semaphore(%arg11 : memref<!tpu.dma_semaphore, #tpu.memory_space<semaphore_mem>>) src(%dma_wait3A_164 : memref<3072xf32, #tpu.memory_space<hbm>>) dst(%dma_wait3A_163 : memref<3072xf32, #tpu.memory_space<vmem>>)
    %scan3A_165 = arith.constant 0 : i32
    %scan3A_166 = arith.constant 192 : i32
    %scan3A_167 = arith.addi %scan3A_165, %scan3A_166 : i32
    %scan3A_168 = arith.constant 1 : i32
    %scan3A_169:16 = scf.for %scan3A_574 = %scan3A_165 to %scan3A_167 step %scan3A_168 iter_args(%scan3A_575 = %scan3A_113#0, %scan3A_576 = %scan3A_113#1, %scan3A_577 = %scan3A_113#2, %scan3A_578 = %scan3A_113#3, %scan3A_579 = %scan3A_113#4, %scan3A_580 = %scan3A_113#5, %scan3A_581 = %scan3A_113#6, %scan3A_582 = %scan3A_113#7, %scan3A_583 = %scan3A_113#8, %scan3A_584 = %scan3A_113#9, %scan3A_585 = %scan3A_113#10, %scan3A_586 = %scan3A_113#11, %scan3A_587 = %scan3A_113#12, %scan3A_588 = %scan3A_113#13, %scan3A_589 = %scan3A_113#14, %scan3A_590 = %scan3A_113#15) -> (vector<16xf32>, vector<16xf32>, vector<16xf32>, vector<16xf32>, vector<16xf32>, vector<16xf32>, vector<16xf32>, vector<16xf32>, vector<16xf32>, vector<16xf32>, vector<16xf32>, vector<16xf32>, vector<16xf32>, vector<16xf32>, vector<16xf32>, vector<16xf32>)  : i32 {
      %mul3A_591 = arith.constant 16 : i32
      %mul3A_592 = arith.muli %scan3A_574, %mul3A_591 : i32
      %get3A = arith.constant 1 : i32
      %get3A_593 = arith.index_cast %get3A : i32 to index
      %get3A_594 = arith.index_cast %mul3A_592 : i32 to index
      %get3A_595 = tpu.vector_load %arg6[%get3A_593, %get3A_594] {strides = array<i32>} : memref<2x3072xf32, #tpu.memory_space<vmem>>, vector<1x16xf32>,
      %get3A_596 = vector.shape_cast %get3A_595 : vector<1x16xf32> to vector<16xf32>
      %mul3A_597 = arith.constant 16 : i32
      %mul3A_598 = arith.muli %scan3A_574, %mul3A_597 : i32
      %get3A_599 = arith.constant 1 : i32
      %get3A_600 = arith.constant 0 : i32
      %get3A_601 = arith.index_cast %get3A_599 : i32 to index
      %get3A_602 = arith.index_cast %get3A_600 : i32 to index
      %get3A_603 = arith.index_cast %mul3A_598 : i32 to index
      %get3A_604 = tpu.vector_load %arg5[%get3A_601, %get3A_602, %get3A_603] {strides = array<i32>} : memref<2x16x3072xf32, #tpu.memory_space<vmem>>, vector<1x1x16xf32>,
      %get3A_605 = vector.shape_cast %get3A_604 : vector<1x1x16xf32> to vector<16xf32>
      %mul3A_606 = arith.mulf %get3A_605, %get3A_596 : vector<16xf32>
      %add3A_607 = arith.addf %scan3A_575, %mul3A_606 : vector<16xf32>
      %mul3A_608 = arith.constant 16 : i32
      %mul3A_609 = arith.muli %scan3A_574, %mul3A_608 : i32
      %get3A_610 = arith.constant 1 : i32
      %get3A_611 = arith.constant 1 : i32
      %get3A_612 = arith.index_cast %get3A_610 : i32 to index
      %get3A_613 = arith.index_cast %get3A_611 : i32 to index
      %get3A_614 = arith.index_cast %mul3A_609 : i32 to index
      %get3A_615 = tpu.vector_load %arg5[%get3A_612, %get3A_613, %get3A_614] {strides = array<i32>} : memref<2x16x3072xf32, #tpu.memory_space<vmem>>, vector<1x1x16xf32>,
      %get3A_616 = vector.shape_cast %get3A_615 : vector<1x1x16xf32> to vector<16xf32>
      %mul3A_617 = arith.mulf %get3A_616, %get3A_596 : vector<16xf32>
      %add3A_618 = arith.addf %scan3A_576, %mul3A_617 : vector<16xf32>
      %mul3A_619 = arith.constant 16 : i32
      %mul3A_620 = arith.muli %scan3A_574, %mul3A_619 : i32
      %get3A_621 = arith.constant 1 : i32
      %get3A_622 = arith.constant 2 : i32
      %get3A_623 = arith.index_cast %get3A_621 : i32 to index
      %get3A_624 = arith.index_cast %get3A_622 : i32 to index
      %get3A_625 = arith.index_cast %mul3A_620 : i32 to index
      %get3A_626 = tpu.vector_load %arg5[%get3A_623, %get3A_624, %get3A_625] {strides = array<i32>} : memref<2x16x3072xf32, #tpu.memory_space<vmem>>, vector<1x1x16xf32>,
      %get3A_627 = vector.shape_cast %get3A_626 : vector<1x1x16xf32> to vector<16xf32>
      %mul3A_628 = arith.mulf %get3A_627, %get3A_596 : vector<16xf32>
      %add3A_629 = arith.addf %scan3A_577, %mul3A_628 : vector<16xf32>
      %mul3A_630 = arith.constant 16 : i32
      %mul3A_631 = arith.muli %scan3A_574, %mul3A_630 : i32
      %get3A_632 = arith.constant 1 : i32
      %get3A_633 = arith.constant 3 : i32
      %get3A_634 = arith.index_cast %get3A_632 : i32 to index
      %get3A_635 = arith.index_cast %get3A_633 : i32 to index
      %get3A_636 = arith.index_cast %mul3A_631 : i32 to index
      %get3A_637 = tpu.vector_load %arg5[%get3A_634, %get3A_635, %get3A_636] {strides = array<i32>} : memref<2x16x3072xf32, #tpu.memory_space<vmem>>, vector<1x1x16xf32>,
      %get3A_638 = vector.shape_cast %get3A_637 : vector<1x1x16xf32> to vector<16xf32>
      %mul3A_639 = arith.mulf %get3A_638, %get3A_596 : vector<16xf32>
      %add3A_640 = arith.addf %scan3A_578, %mul3A_639 : vector<16xf32>
      %mul3A_641 = arith.constant 16 : i32
      %mul3A_642 = arith.muli %scan3A_574, %mul3A_641 : i32
      %get3A_643 = arith.constant 1 : i32
      %get3A_644 = arith.constant 4 : i32
      %get3A_645 = arith.index_cast %get3A_643 : i32 to index
      %get3A_646 = arith.index_cast %get3A_644 : i32 to index
      %get3A_647 = arith.index_cast %mul3A_642 : i32 to index
      %get3A_648 = tpu.vector_load %arg5[%get3A_645, %get3A_646, %get3A_647] {strides = array<i32>} : memref<2x16x3072xf32, #tpu.memory_space<vmem>>, vector<1x1x16xf32>,
      %get3A_649 = vector.shape_cast %get3A_648 : vector<1x1x16xf32> to vector<16xf32>
      %mul3A_650 = arith.mulf %get3A_649, %get3A_596 : vector<16xf32>
      %add3A_651 = arith.addf %scan3A_579, %mul3A_650 : vector<16xf32>
      %mul3A_652 = arith.constant 16 : i32
      %mul3A_653 = arith.muli %scan3A_574, %mul3A_652 : i32
      %get3A_654 = arith.constant 1 : i32
      %get3A_655 = arith.constant 5 : i32
      %get3A_656 = arith.index_cast %get3A_654 : i32 to index
      %get3A_657 = arith.index_cast %get3A_655 : i32 to index
      %get3A_658 = arith.index_cast %mul3A_653 : i32 to index
      %get3A_659 = tpu.vector_load %arg5[%get3A_656, %get3A_657, %get3A_658] {strides = array<i32>} : memref<2x16x3072xf32, #tpu.memory_space<vmem>>, vector<1x1x16xf32>,
      %get3A_660 = vector.shape_cast %get3A_659 : vector<1x1x16xf32> to vector<16xf32>
      %mul3A_661 = arith.mulf %get3A_660, %get3A_596 : vector<16xf32>
      %add3A_662 = arith.addf %scan3A_580, %mul3A_661 : vector<16xf32>
      %mul3A_663 = arith.constant 16 : i32
      %mul3A_664 = arith.muli %scan3A_574, %mul3A_663 : i32
      %get3A_665 = arith.constant 1 : i32
      %get3A_666 = arith.constant 6 : i32
      %get3A_667 = arith.index_cast %get3A_665 : i32 to index
      %get3A_668 = arith.index_cast %get3A_666 : i32 to index
      %get3A_669 = arith.index_cast %mul3A_664 : i32 to index
      %get3A_670 = tpu.vector_load %arg5[%get3A_667, %get3A_668, %get3A_669] {strides = array<i32>} : memref<2x16x3072xf32, #tpu.memory_space<vmem>>, vector<1x1x16xf32>,
      %get3A_671 = vector.shape_cast %get3A_670 : vector<1x1x16xf32> to vector<16xf32>
      %mul3A_672 = arith.mulf %get3A_671, %get3A_596 : vector<16xf32>
      %add3A_673 = arith.addf %scan3A_581, %mul3A_672 : vector<16xf32>
      %mul3A_674 = arith.constant 16 : i32
      %mul3A_675 = arith.muli %scan3A_574, %mul3A_674 : i32
      %get3A_676 = arith.constant 1 : i32
      %get3A_677 = arith.constant 7 : i32
      %get3A_678 = arith.index_cast %get3A_676 : i32 to index
      %get3A_679 = arith.index_cast %get3A_677 : i32 to index
      %get3A_680 = arith.index_cast %mul3A_675 : i32 to index
      %get3A_681 = tpu.vector_load %arg5[%get3A_678, %get3A_679, %get3A_680] {strides = array<i32>} : memref<2x16x3072xf32, #tpu.memory_space<vmem>>, vector<1x1x16xf32>,
      %get3A_682 = vector.shape_cast %get3A_681 : vector<1x1x16xf32> to vector<16xf32>
      %mul3A_683 = arith.mulf %get3A_682, %get3A_596 : vector<16xf32>
      %add3A_684 = arith.addf %scan3A_582, %mul3A_683 : vector<16xf32>
      %mul3A_685 = arith.constant 16 : i32
      %mul3A_686 = arith.muli %scan3A_574, %mul3A_685 : i32
      %get3A_687 = arith.constant 1 : i32
      %get3A_688 = arith.constant 8 : i32
      %get3A_689 = arith.index_cast %get3A_687 : i32 to index
      %get3A_690 = arith.index_cast %get3A_688 : i32 to index
      %get3A_691 = arith.index_cast %mul3A_686 : i32 to index
      %get3A_692 = tpu.vector_load %arg5[%get3A_689, %get3A_690, %get3A_691] {strides = array<i32>} : memref<2x16x3072xf32, #tpu.memory_space<vmem>>, vector<1x1x16xf32>,
      %get3A_693 = vector.shape_cast %get3A_692 : vector<1x1x16xf32> to vector<16xf32>
      %mul3A_694 = arith.mulf %get3A_693, %get3A_596 : vector<16xf32>
      %add3A_695 = arith.addf %scan3A_583, %mul3A_694 : vector<16xf32>
      %mul3A_696 = arith.constant 16 : i32
      %mul3A_697 = arith.muli %scan3A_574, %mul3A_696 : i32
      %get3A_698 = arith.constant 1 : i32
      %get3A_699 = arith.constant 9 : i32
      %get3A_700 = arith.index_cast %get3A_698 : i32 to index
      %get3A_701 = arith.index_cast %get3A_699 : i32 to index
      %get3A_702 = arith.index_cast %mul3A_697 : i32 to index
      %get3A_703 = tpu.vector_load %arg5[%get3A_700, %get3A_701, %get3A_702] {strides = array<i32>} : memref<2x16x3072xf32, #tpu.memory_space<vmem>>, vector<1x1x16xf32>,
      %get3A_704 = vector.shape_cast %get3A_703 : vector<1x1x16xf32> to vector<16xf32>
      %mul3A_705 = arith.mulf %get3A_704, %get3A_596 : vector<16xf32>
      %add3A_706 = arith.addf %scan3A_584, %mul3A_705 : vector<16xf32>
      %mul3A_707 = arith.constant 16 : i32
      %mul3A_708 = arith.muli %scan3A_574, %mul3A_707 : i32
      %get3A_709 = arith.constant 1 : i32
      %get3A_710 = arith.constant 10 : i32
      %get3A_711 = arith.index_cast %get3A_709 : i32 to index
      %get3A_712 = arith.index_cast %get3A_710 : i32 to index
      %get3A_713 = arith.index_cast %mul3A_708 : i32 to index
      %get3A_714 = tpu.vector_load %arg5[%get3A_711, %get3A_712, %get3A_713] {strides = array<i32>} : memref<2x16x3072xf32, #tpu.memory_space<vmem>>, vector<1x1x16xf32>,
      %get3A_715 = vector.shape_cast %get3A_714 : vector<1x1x16xf32> to vector<16xf32>
      %mul3A_716 = arith.mulf %get3A_715, %get3A_596 : vector<16xf32>
      %add3A_717 = arith.addf %scan3A_585, %mul3A_716 : vector<16xf32>
      %mul3A_718 = arith.constant 16 : i32
      %mul3A_719 = arith.muli %scan3A_574, %mul3A_718 : i32
      %get3A_720 = arith.constant 1 : i32
      %get3A_721 = arith.constant 11 : i32
      %get3A_722 = arith.index_cast %get3A_720 : i32 to index
      %get3A_723 = arith.index_cast %get3A_721 : i32 to index
      %get3A_724 = arith.index_cast %mul3A_719 : i32 to index
      %get3A_725 = tpu.vector_load %arg5[%get3A_722, %get3A_723, %get3A_724] {strides = array<i32>} : memref<2x16x3072xf32, #tpu.memory_space<vmem>>, vector<1x1x16xf32>,
      %get3A_726 = vector.shape_cast %get3A_725 : vector<1x1x16xf32> to vector<16xf32>
      %mul3A_727 = arith.mulf %get3A_726, %get3A_596 : vector<16xf32>
      %add3A_728 = arith.addf %scan3A_586, %mul3A_727 : vector<16xf32>
      %mul3A_729 = arith.constant 16 : i32
      %mul3A_730 = arith.muli %scan3A_574, %mul3A_729 : i32
      %get3A_731 = arith.constant 1 : i32
      %get3A_732 = arith.constant 12 : i32
      %get3A_733 = arith.index_cast %get3A_731 : i32 to index
      %get3A_734 = arith.index_cast %get3A_732 : i32 to index
      %get3A_735 = arith.index_cast %mul3A_730 : i32 to index
      %get3A_736 = tpu.vector_load %arg5[%get3A_733, %get3A_734, %get3A_735] {strides = array<i32>} : memref<2x16x3072xf32, #tpu.memory_space<vmem>>, vector<1x1x16xf32>,
      %get3A_737 = vector.shape_cast %get3A_736 : vector<1x1x16xf32> to vector<16xf32>
      %mul3A_738 = arith.mulf %get3A_737, %get3A_596 : vector<16xf32>
      %add3A_739 = arith.addf %scan3A_587, %mul3A_738 : vector<16xf32>
      %mul3A_740 = arith.constant 16 : i32
      %mul3A_741 = arith.muli %scan3A_574, %mul3A_740 : i32
      %get3A_742 = arith.constant 1 : i32
      %get3A_743 = arith.constant 13 : i32
      %get3A_744 = arith.index_cast %get3A_742 : i32 to index
      %get3A_745 = arith.index_cast %get3A_743 : i32 to index
      %get3A_746 = arith.index_cast %mul3A_741 : i32 to index
      %get3A_747 = tpu.vector_load %arg5[%get3A_744, %get3A_745, %get3A_746] {strides = array<i32>} : memref<2x16x3072xf32, #tpu.memory_space<vmem>>, vector<1x1x16xf32>,
      %get3A_748 = vector.shape_cast %get3A_747 : vector<1x1x16xf32> to vector<16xf32>
      %mul3A_749 = arith.mulf %get3A_748, %get3A_596 : vector<16xf32>
      %add3A_750 = arith.addf %scan3A_588, %mul3A_749 : vector<16xf32>
      %mul3A_751 = arith.constant 16 : i32
      %mul3A_752 = arith.muli %scan3A_574, %mul3A_751 : i32
      %get3A_753 = arith.constant 1 : i32
      %get3A_754 = arith.constant 14 : i32
      %get3A_755 = arith.index_cast %get3A_753 : i32 to index
      %get3A_756 = arith.index_cast %get3A_754 : i32 to index
      %get3A_757 = arith.index_cast %mul3A_752 : i32 to index
      %get3A_758 = tpu.vector_load %arg5[%get3A_755, %get3A_756, %get3A_757] {strides = array<i32>} : memref<2x16x3072xf32, #tpu.memory_space<vmem>>, vector<1x1x16xf32>,
      %get3A_759 = vector.shape_cast %get3A_758 : vector<1x1x16xf32> to vector<16xf32>
      %mul3A_760 = arith.mulf %get3A_759, %get3A_596 : vector<16xf32>
      %add3A_761 = arith.addf %scan3A_589, %mul3A_760 : vector<16xf32>
      %mul3A_762 = arith.constant 16 : i32
      %mul3A_763 = arith.muli %scan3A_574, %mul3A_762 : i32
      %get3A_764 = arith.constant 1 : i32
      %get3A_765 = arith.constant 15 : i32
      %get3A_766 = arith.index_cast %get3A_764 : i32 to index
      %get3A_767 = arith.index_cast %get3A_765 : i32 to index
      %get3A_768 = arith.index_cast %mul3A_763 : i32 to index
      %get3A_769 = tpu.vector_load %arg5[%get3A_766, %get3A_767, %get3A_768] {strides = array<i32>} : memref<2x16x3072xf32, #tpu.memory_space<vmem>>, vector<1x1x16xf32>,
      %get3A_770 = vector.shape_cast %get3A_769 : vector<1x1x16xf32> to vector<16xf32>
      %mul3A_771 = arith.mulf %get3A_770, %get3A_596 : vector<16xf32>
      %add3A_772 = arith.addf %scan3A_590, %mul3A_771 : vector<16xf32>
      scf.yield %add3A_607, %add3A_618, %add3A_629, %add3A_640, %add3A_651, %add3A_662, %add3A_673, %add3A_684, %add3A_695, %add3A_706, %add3A_717, %add3A_728, %add3A_739, %add3A_750, %add3A_761, %add3A_772 : vector<16xf32>, vector<16xf32>, vector<16xf32>, vector<16xf32>, vector<16xf32>, vector<16xf32>, vector<16xf32>, vector<16xf32>, vector<16xf32>, vector<16xf32>, vector<16xf32>, vector<16xf32>, vector<16xf32>, vector<16xf32>, vector<16xf32>, vector<16xf32>
    }
    %scan3A_170 = arith.constant 192 : i32
    %add3A_171 = arith.constant 786432 : i32
    %add3A_172 = arith.addi %add3A_171, %mul3A_2 : i32
    %add3A_173 = arith.constant 9216 : i32
    %add3A_174 = arith.addi %add3A_172, %add3A_173 : i32
    %dma_start3A_175 = arith.constant 1 : i32
    %dma_start3A_176 = arith.constant 0 : i32
    %dma_start3A_177 = arith.constant 0 : i32
    %dma_start3A_178 = tpu.memref_slice %arg5[%dma_start3A_175, %dma_start3A_176, %dma_start3A_177] : memref<2x16x3072xf32, #tpu.memory_space<vmem>> -> memref<1x16x3072xf32, #tpu.memory_space<vmem>>
    %dma_start3A_179 = tpu.memref_squeeze %dma_start3A_178 : memref<1x16x3072xf32, #tpu.memory_space<vmem>> -> memref<16x3072xf32, #tpu.memory_space<vmem>>
    %dma_start3A_180 = arith.constant 0 : i32
    %dma_start3A_181 = tpu.memref_slice %arg2[%dma_start3A_180, %add3A_174] : memref<16x1572864xf32, #tpu.memory_space<hbm>> -> memref<16x3072xf32, #tpu.memory_space<hbm>>
    %dma_start3A_182 = arith.constant 0 : i32
    %dma_start3A_183 = arith.constant 0 : i32
    %dma_start3A_184 = tpu.memref_slice %arg5[%dma_start3A_175, %dma_start3A_182, %dma_start3A_183] : memref<2x16x3072xf32, #tpu.memory_space<vmem>> -> memref<1x16x3072xf32, #tpu.memory_space<vmem>>
    %dma_start3A_185 = tpu.memref_squeeze %dma_start3A_184 : memref<1x16x3072xf32, #tpu.memory_space<vmem>> -> memref<16x3072xf32, #tpu.memory_space<vmem>>
    %dma_start3A_186 = arith.constant 0 : i32
    %dma_start3A_187 = tpu.memref_slice %arg2[%dma_start3A_186, %add3A_174] : memref<16x1572864xf32, #tpu.memory_space<hbm>> -> memref<16x3072xf32, #tpu.memory_space<hbm>>
    tpu.enqueue_dma source(%dma_start3A_187 : memref<16x3072xf32, #tpu.memory_space<hbm>>) target(%dma_start3A_185 : memref<16x3072xf32, #tpu.memory_space<vmem>>) target_semaphore(%arg9 : memref<!tpu.dma_semaphore, #tpu.memory_space<semaphore_mem>>)
    %add3A_188 = arith.constant 9216 : i32
    %add3A_189 = arith.addi %mul3A_2, %add3A_188 : i32
    %dma_start3A_190 = arith.constant 1 : i32
    %dma_start3A_191 = arith.constant 0 : i32
    %dma_start3A_192 = tpu.memref_slice %arg6[%dma_start3A_190, %dma_start3A_191] : memref<2x3072xf32, #tpu.memory_space<vmem>> -> memref<1x3072xf32, #tpu.memory_space<vmem>>
    %dma_start3A_193 = tpu.memref_squeeze %dma_start3A_192 : memref<1x3072xf32, #tpu.memory_space<vmem>> -> memref<3072xf32, #tpu.memory_space<vmem>>
    %dma_start3A_194 = tpu.memref_slice %arg3[%add3A_189] : memref<786432xf32, #tpu.memory_space<hbm>> -> memref<3072xf32, #tpu.memory_space<hbm>>
    %dma_start3A_195 = arith.constant 0 : i32
    %dma_start3A_196 = tpu.memref_slice %arg6[%dma_start3A_190, %dma_start3A_195] : memref<2x3072xf32, #tpu.memory_space<vmem>> -> memref<1x3072xf32, #tpu.memory_space<vmem>>
    %dma_start3A_197 = tpu.memref_squeeze %dma_start3A_196 : memref<1x3072xf32, #tpu.memory_space<vmem>> -> memref<3072xf32, #tpu.memory_space<vmem>>
    %dma_start3A_198 = tpu.memref_slice %arg3[%add3A_189] : memref<786432xf32, #tpu.memory_space<hbm>> -> memref<3072xf32, #tpu.memory_space<hbm>>
    tpu.enqueue_dma source(%dma_start3A_198 : memref<3072xf32, #tpu.memory_space<hbm>>) target(%dma_start3A_197 : memref<3072xf32, #tpu.memory_space<vmem>>) target_semaphore(%arg11 : memref<!tpu.dma_semaphore, #tpu.memory_space<semaphore_mem>>)
    %dma_wait3A_199 = arith.constant 0 : i32
    %dma_wait3A_200 = arith.constant 0 : i32
    %dma_wait3A_201 = arith.constant 0 : i32
    %dma_wait3A_202 = tpu.memref_slice %arg5[%dma_wait3A_199, %dma_wait3A_200, %dma_wait3A_201] : memref<2x16x3072xf32, #tpu.memory_space<vmem>> -> memref<1x16x3072xf32, #tpu.memory_space<vmem>>
    %dma_wait3A_203 = tpu.memref_squeeze %dma_wait3A_202 : memref<1x16x3072xf32, #tpu.memory_space<vmem>> -> memref<16x3072xf32, #tpu.memory_space<vmem>>
    %dma_wait3A_204 = arith.constant 0 : i32
    %dma_wait3A_205 = tpu.memref_slice %arg2[%dma_wait3A_204, %add3A_118] : memref<16x1572864xf32, #tpu.memory_space<hbm>> -> memref<16x3072xf32, #tpu.memory_space<hbm>>
    %dma_wait3A_206 = arith.constant 0 : i32
    %dma_wait3A_207 = arith.constant 0 : i32
    %dma_wait3A_208 = tpu.memref_slice %arg5[%dma_wait3A_199, %dma_wait3A_206, %dma_wait3A_207] : memref<2x16x3072xf32, #tpu.memory_space<vmem>> -> memref<1x16x3072xf32, #tpu.memory_space<vmem>>
    %dma_wait3A_209 = tpu.memref_squeeze %dma_wait3A_208 : memref<1x16x3072xf32, #tpu.memory_space<vmem>> -> memref<16x3072xf32, #tpu.memory_space<vmem>>
    %dma_wait3A_210 = arith.constant 0 : i32
    %dma_wait3A_211 = tpu.memref_slice %arg2[%dma_wait3A_210, %add3A_118] : memref<16x1572864xf32, #tpu.memory_space<hbm>> -> memref<16x3072xf32, #tpu.memory_space<hbm>>
    tpu.wait_dma2 semaphore(%arg8 : memref<!tpu.dma_semaphore, #tpu.memory_space<semaphore_mem>>) src(%dma_wait3A_211 : memref<16x3072xf32, #tpu.memory_space<hbm>>) dst(%dma_wait3A_209 : memref<16x3072xf32, #tpu.memory_space<vmem>>)
    %dma_wait3A_212 = arith.constant 0 : i32
    %dma_wait3A_213 = arith.constant 0 : i32
    %dma_wait3A_214 = tpu.memref_slice %arg6[%dma_wait3A_212, %dma_wait3A_213] : memref<2x3072xf32, #tpu.memory_space<vmem>> -> memref<1x3072xf32, #tpu.memory_space<vmem>>
    %dma_wait3A_215 = tpu.memref_squeeze %dma_wait3A_214 : memref<1x3072xf32, #tpu.memory_space<vmem>> -> memref<3072xf32, #tpu.memory_space<vmem>>
    %dma_wait3A_216 = tpu.memref_slice %arg3[%add3A_133] : memref<786432xf32, #tpu.memory_space<hbm>> -> memref<3072xf32, #tpu.memory_space<hbm>>
    %dma_wait3A_217 = arith.constant 0 : i32
    %dma_wait3A_218 = tpu.memref_slice %arg6[%dma_wait3A_212, %dma_wait3A_217] : memref<2x3072xf32, #tpu.memory_space<vmem>> -> memref<1x3072xf32, #tpu.memory_space<vmem>>
    %dma_wait3A_219 = tpu.memref_squeeze %dma_wait3A_218 : memref<1x3072xf32, #tpu.memory_space<vmem>> -> memref<3072xf32, #tpu.memory_space<vmem>>
    %dma_wait3A_220 = tpu.memref_slice %arg3[%add3A_133] : memref<786432xf32, #tpu.memory_space<hbm>> -> memref<3072xf32, #tpu.memory_space<hbm>>
    tpu.wait_dma2 semaphore(%arg10 : memref<!tpu.dma_semaphore, #tpu.memory_space<semaphore_mem>>) src(%dma_wait3A_220 : memref<3072xf32, #tpu.memory_space<hbm>>) dst(%dma_wait3A_219 : memref<3072xf32, #tpu.memory_space<vmem>>)
    %scan3A_221 = arith.constant 0 : i32
    %scan3A_222 = arith.constant 192 : i32
    %scan3A_223 = arith.addi %scan3A_221, %scan3A_222 : i32
    %scan3A_224 = arith.constant 1 : i32
    %scan3A_225:16 = scf.for %scan3A_574 = %scan3A_221 to %scan3A_223 step %scan3A_224 iter_args(%scan3A_575 = %scan3A_169#0, %scan3A_576 = %scan3A_169#1, %scan3A_577 = %scan3A_169#2, %scan3A_578 = %scan3A_169#3, %scan3A_579 = %scan3A_169#4, %scan3A_580 = %scan3A_169#5, %scan3A_581 = %scan3A_169#6, %scan3A_582 = %scan3A_169#7, %scan3A_583 = %scan3A_169#8, %scan3A_584 = %scan3A_169#9, %scan3A_585 = %scan3A_169#10, %scan3A_586 = %scan3A_169#11, %scan3A_587 = %scan3A_169#12, %scan3A_588 = %scan3A_169#13, %scan3A_589 = %scan3A_169#14, %scan3A_590 = %scan3A_169#15) -> (vector<16xf32>, vector<16xf32>, vector<16xf32>, vector<16xf32>, vector<16xf32>, vector<16xf32>, vector<16xf32>, vector<16xf32>, vector<16xf32>, vector<16xf32>, vector<16xf32>, vector<16xf32>, vector<16xf32>, vector<16xf32>, vector<16xf32>, vector<16xf32>)  : i32 {
      %mul3A_591 = arith.constant 16 : i32
      %mul3A_592 = arith.muli %scan3A_574, %mul3A_591 : i32
      %get3A = arith.constant 0 : i32
      %get3A_593 = arith.index_cast %get3A : i32 to index
      %get3A_594 = arith.index_cast %mul3A_592 : i32 to index
      %get3A_595 = tpu.vector_load %arg6[%get3A_593, %get3A_594] {strides = array<i32>} : memref<2x3072xf32, #tpu.memory_space<vmem>>, vector<1x16xf32>,
      %get3A_596 = vector.shape_cast %get3A_595 : vector<1x16xf32> to vector<16xf32>
      %mul3A_597 = arith.constant 16 : i32
      %mul3A_598 = arith.muli %scan3A_574, %mul3A_597 : i32
      %get3A_599 = arith.constant 0 : i32
      %get3A_600 = arith.constant 0 : i32
      %get3A_601 = arith.index_cast %get3A_599 : i32 to index
      %get3A_602 = arith.index_cast %get3A_600 : i32 to index
      %get3A_603 = arith.index_cast %mul3A_598 : i32 to index
      %get3A_604 = tpu.vector_load %arg5[%get3A_601, %get3A_602, %get3A_603] {strides = array<i32>} : memref<2x16x3072xf32, #tpu.memory_space<vmem>>, vector<1x1x16xf32>,
      %get3A_605 = vector.shape_cast %get3A_604 : vector<1x1x16xf32> to vector<16xf32>
      %mul3A_606 = arith.mulf %get3A_605, %get3A_596 : vector<16xf32>
      %add3A_607 = arith.addf %scan3A_575, %mul3A_606 : vector<16xf32>
      %mul3A_608 = arith.constant 16 : i32
      %mul3A_609 = arith.muli %scan3A_574, %mul3A_608 : i32
      %get3A_610 = arith.constant 0 : i32
      %get3A_611 = arith.constant 1 : i32
      %get3A_612 = arith.index_cast %get3A_610 : i32 to index
      %get3A_613 = arith.index_cast %get3A_611 : i32 to index
      %get3A_614 = arith.index_cast %mul3A_609 : i32 to index
      %get3A_615 = tpu.vector_load %arg5[%get3A_612, %get3A_613, %get3A_614] {strides = array<i32>} : memref<2x16x3072xf32, #tpu.memory_space<vmem>>, vector<1x1x16xf32>,
      %get3A_616 = vector.shape_cast %get3A_615 : vector<1x1x16xf32> to vector<16xf32>
      %mul3A_617 = arith.mulf %get3A_616, %get3A_596 : vector<16xf32>
      %add3A_618 = arith.addf %scan3A_576, %mul3A_617 : vector<16xf32>
      %mul3A_619 = arith.constant 16 : i32
      %mul3A_620 = arith.muli %scan3A_574, %mul3A_619 : i32
      %get3A_621 = arith.constant 0 : i32
      %get3A_622 = arith.constant 2 : i32
      %get3A_623 = arith.index_cast %get3A_621 : i32 to index
      %get3A_624 = arith.index_cast %get3A_622 : i32 to index
      %get3A_625 = arith.index_cast %mul3A_620 : i32 to index
      %get3A_626 = tpu.vector_load %arg5[%get3A_623, %get3A_624, %get3A_625] {strides = array<i32>} : memref<2x16x3072xf32, #tpu.memory_space<vmem>>, vector<1x1x16xf32>,
      %get3A_627 = vector.shape_cast %get3A_626 : vector<1x1x16xf32> to vector<16xf32>
      %mul3A_628 = arith.mulf %get3A_627, %get3A_596 : vector<16xf32>
      %add3A_629 = arith.addf %scan3A_577, %mul3A_628 : vector<16xf32>
      %mul3A_630 = arith.constant 16 : i32
      %mul3A_631 = arith.muli %scan3A_574, %mul3A_630 : i32
      %get3A_632 = arith.constant 0 : i32
      %get3A_633 = arith.constant 3 : i32
      %get3A_634 = arith.index_cast %get3A_632 : i32 to index
      %get3A_635 = arith.index_cast %get3A_633 : i32 to index
      %get3A_636 = arith.index_cast %mul3A_631 : i32 to index
      %get3A_637 = tpu.vector_load %arg5[%get3A_634, %get3A_635, %get3A_636] {strides = array<i32>} : memref<2x16x3072xf32, #tpu.memory_space<vmem>>, vector<1x1x16xf32>,
      %get3A_638 = vector.shape_cast %get3A_637 : vector<1x1x16xf32> to vector<16xf32>
      %mul3A_639 = arith.mulf %get3A_638, %get3A_596 : vector<16xf32>
      %add3A_640 = arith.addf %scan3A_578, %mul3A_639 : vector<16xf32>
      %mul3A_641 = arith.constant 16 : i32
      %mul3A_642 = arith.muli %scan3A_574, %mul3A_641 : i32
      %get3A_643 = arith.constant 0 : i32
      %get3A_644 = arith.constant 4 : i32
      %get3A_645 = arith.index_cast %get3A_643 : i32 to index
      %get3A_646 = arith.index_cast %get3A_644 : i32 to index
      %get3A_647 = arith.index_cast %mul3A_642 : i32 to index
      %get3A_648 = tpu.vector_load %arg5[%get3A_645, %get3A_646, %get3A_647] {strides = array<i32>} : memref<2x16x3072xf32, #tpu.memory_space<vmem>>, vector<1x1x16xf32>,
      %get3A_649 = vector.shape_cast %get3A_648 : vector<1x1x16xf32> to vector<16xf32>
      %mul3A_650 = arith.mulf %get3A_649, %get3A_596 : vector<16xf32>
      %add3A_651 = arith.addf %scan3A_579, %mul3A_650 : vector<16xf32>
      %mul3A_652 = arith.constant 16 : i32
      %mul3A_653 = arith.muli %scan3A_574, %mul3A_652 : i32
      %get3A_654 = arith.constant 0 : i32
      %get3A_655 = arith.constant 5 : i32
      %get3A_656 = arith.index_cast %get3A_654 : i32 to index
      %get3A_657 = arith.index_cast %get3A_655 : i32 to index
      %get3A_658 = arith.index_cast %mul3A_653 : i32 to index
      %get3A_659 = tpu.vector_load %arg5[%get3A_656, %get3A_657, %get3A_658] {strides = array<i32>} : memref<2x16x3072xf32, #tpu.memory_space<vmem>>, vector<1x1x16xf32>,
      %get3A_660 = vector.shape_cast %get3A_659 : vector<1x1x16xf32> to vector<16xf32>
      %mul3A_661 = arith.mulf %get3A_660, %get3A_596 : vector<16xf32>
      %add3A_662 = arith.addf %scan3A_580, %mul3A_661 : vector<16xf32>
      %mul3A_663 = arith.constant 16 : i32
      %mul3A_664 = arith.muli %scan3A_574, %mul3A_663 : i32
      %get3A_665 = arith.constant 0 : i32
      %get3A_666 = arith.constant 6 : i32
      %get3A_667 = arith.index_cast %get3A_665 : i32 to index
      %get3A_668 = arith.index_cast %get3A_666 : i32 to index
      %get3A_669 = arith.index_cast %mul3A_664 : i32 to index
      %get3A_670 = tpu.vector_load %arg5[%get3A_667, %get3A_668, %get3A_669] {strides = array<i32>} : memref<2x16x3072xf32, #tpu.memory_space<vmem>>, vector<1x1x16xf32>,
      %get3A_671 = vector.shape_cast %get3A_670 : vector<1x1x16xf32> to vector<16xf32>
      %mul3A_672 = arith.mulf %get3A_671, %get3A_596 : vector<16xf32>
      %add3A_673 = arith.addf %scan3A_581, %mul3A_672 : vector<16xf32>
      %mul3A_674 = arith.constant 16 : i32
      %mul3A_675 = arith.muli %scan3A_574, %mul3A_674 : i32
      %get3A_676 = arith.constant 0 : i32
      %get3A_677 = arith.constant 7 : i32
      %get3A_678 = arith.index_cast %get3A_676 : i32 to index
      %get3A_679 = arith.index_cast %get3A_677 : i32 to index
      %get3A_680 = arith.index_cast %mul3A_675 : i32 to index
      %get3A_681 = tpu.vector_load %arg5[%get3A_678, %get3A_679, %get3A_680] {strides = array<i32>} : memref<2x16x3072xf32, #tpu.memory_space<vmem>>, vector<1x1x16xf32>,
      %get3A_682 = vector.shape_cast %get3A_681 : vector<1x1x16xf32> to vector<16xf32>
      %mul3A_683 = arith.mulf %get3A_682, %get3A_596 : vector<16xf32>
      %add3A_684 = arith.addf %scan3A_582, %mul3A_683 : vector<16xf32>
      %mul3A_685 = arith.constant 16 : i32
      %mul3A_686 = arith.muli %scan3A_574, %mul3A_685 : i32
      %get3A_687 = arith.constant 0 : i32
      %get3A_688 = arith.constant 8 : i32
      %get3A_689 = arith.index_cast %get3A_687 : i32 to index
      %get3A_690 = arith.index_cast %get3A_688 : i32 to index
      %get3A_691 = arith.index_cast %mul3A_686 : i32 to index
      %get3A_692 = tpu.vector_load %arg5[%get3A_689, %get3A_690, %get3A_691] {strides = array<i32>} : memref<2x16x3072xf32, #tpu.memory_space<vmem>>, vector<1x1x16xf32>,
      %get3A_693 = vector.shape_cast %get3A_692 : vector<1x1x16xf32> to vector<16xf32>
      %mul3A_694 = arith.mulf %get3A_693, %get3A_596 : vector<16xf32>
      %add3A_695 = arith.addf %scan3A_583, %mul3A_694 : vector<16xf32>
      %mul3A_696 = arith.constant 16 : i32
      %mul3A_697 = arith.muli %scan3A_574, %mul3A_696 : i32
      %get3A_698 = arith.constant 0 : i32
      %get3A_699 = arith.constant 9 : i32
      %get3A_700 = arith.index_cast %get3A_698 : i32 to index
      %get3A_701 = arith.index_cast %get3A_699 : i32 to index
      %get3A_702 = arith.index_cast %mul3A_697 : i32 to index
      %get3A_703 = tpu.vector_load %arg5[%get3A_700, %get3A_701, %get3A_702] {strides = array<i32>} : memref<2x16x3072xf32, #tpu.memory_space<vmem>>, vector<1x1x16xf32>,
      %get3A_704 = vector.shape_cast %get3A_703 : vector<1x1x16xf32> to vector<16xf32>
      %mul3A_705 = arith.mulf %get3A_704, %get3A_596 : vector<16xf32>
      %add3A_706 = arith.addf %scan3A_584, %mul3A_705 : vector<16xf32>
      %mul3A_707 = arith.constant 16 : i32
      %mul3A_708 = arith.muli %scan3A_574, %mul3A_707 : i32
      %get3A_709 = arith.constant 0 : i32
      %get3A_710 = arith.constant 10 : i32
      %get3A_711 = arith.index_cast %get3A_709 : i32 to index
      %get3A_712 = arith.index_cast %get3A_710 : i32 to index
      %get3A_713 = arith.index_cast %mul3A_708 : i32 to index
      %get3A_714 = tpu.vector_load %arg5[%get3A_711, %get3A_712, %get3A_713] {strides = array<i32>} : memref<2x16x3072xf32, #tpu.memory_space<vmem>>, vector<1x1x16xf32>,
      %get3A_715 = vector.shape_cast %get3A_714 : vector<1x1x16xf32> to vector<16xf32>
      %mul3A_716 = arith.mulf %get3A_715, %get3A_596 : vector<16xf32>
      %add3A_717 = arith.addf %scan3A_585, %mul3A_716 : vector<16xf32>
      %mul3A_718 = arith.constant 16 : i32
      %mul3A_719 = arith.muli %scan3A_574, %mul3A_718 : i32
      %get3A_720 = arith.constant 0 : i32
      %get3A_721 = arith.constant 11 : i32
      %get3A_722 = arith.index_cast %get3A_720 : i32 to index
      %get3A_723 = arith.index_cast %get3A_721 : i32 to index
      %get3A_724 = arith.index_cast %mul3A_719 : i32 to index
      %get3A_725 = tpu.vector_load %arg5[%get3A_722, %get3A_723, %get3A_724] {strides = array<i32>} : memref<2x16x3072xf32, #tpu.memory_space<vmem>>, vector<1x1x16xf32>,
      %get3A_726 = vector.shape_cast %get3A_725 : vector<1x1x16xf32> to vector<16xf32>
      %mul3A_727 = arith.mulf %get3A_726, %get3A_596 : vector<16xf32>
      %add3A_728 = arith.addf %scan3A_586, %mul3A_727 : vector<16xf32>
      %mul3A_729 = arith.constant 16 : i32
      %mul3A_730 = arith.muli %scan3A_574, %mul3A_729 : i32
      %get3A_731 = arith.constant 0 : i32
      %get3A_732 = arith.constant 12 : i32
      %get3A_733 = arith.index_cast %get3A_731 : i32 to index
      %get3A_734 = arith.index_cast %get3A_732 : i32 to index
      %get3A_735 = arith.index_cast %mul3A_730 : i32 to index
      %get3A_736 = tpu.vector_load %arg5[%get3A_733, %get3A_734, %get3A_735] {strides = array<i32>} : memref<2x16x3072xf32, #tpu.memory_space<vmem>>, vector<1x1x16xf32>,
      %get3A_737 = vector.shape_cast %get3A_736 : vector<1x1x16xf32> to vector<16xf32>
      %mul3A_738 = arith.mulf %get3A_737, %get3A_596 : vector<16xf32>
      %add3A_739 = arith.addf %scan3A_587, %mul3A_738 : vector<16xf32>
      %mul3A_740 = arith.constant 16 : i32
      %mul3A_741 = arith.muli %scan3A_574, %mul3A_740 : i32
      %get3A_742 = arith.constant 0 : i32
      %get3A_743 = arith.constant 13 : i32
      %get3A_744 = arith.index_cast %get3A_742 : i32 to index
      %get3A_745 = arith.index_cast %get3A_743 : i32 to index
      %get3A_746 = arith.index_cast %mul3A_741 : i32 to index
      %get3A_747 = tpu.vector_load %arg5[%get3A_744, %get3A_745, %get3A_746] {strides = array<i32>} : memref<2x16x3072xf32, #tpu.memory_space<vmem>>, vector<1x1x16xf32>,
      %get3A_748 = vector.shape_cast %get3A_747 : vector<1x1x16xf32> to vector<16xf32>
      %mul3A_749 = arith.mulf %get3A_748, %get3A_596 : vector<16xf32>
      %add3A_750 = arith.addf %scan3A_588, %mul3A_749 : vector<16xf32>
      %mul3A_751 = arith.constant 16 : i32
      %mul3A_752 = arith.muli %scan3A_574, %mul3A_751 : i32
      %get3A_753 = arith.constant 0 : i32
      %get3A_754 = arith.constant 14 : i32
      %get3A_755 = arith.index_cast %get3A_753 : i32 to index
      %get3A_756 = arith.index_cast %get3A_754 : i32 to index
      %get3A_757 = arith.index_cast %mul3A_752 : i32 to index
      %get3A_758 = tpu.vector_load %arg5[%get3A_755, %get3A_756, %get3A_757] {strides = array<i32>} : memref<2x16x3072xf32, #tpu.memory_space<vmem>>, vector<1x1x16xf32>,
      %get3A_759 = vector.shape_cast %get3A_758 : vector<1x1x16xf32> to vector<16xf32>
      %mul3A_760 = arith.mulf %get3A_759, %get3A_596 : vector<16xf32>
      %add3A_761 = arith.addf %scan3A_589, %mul3A_760 : vector<16xf32>
      %mul3A_762 = arith.constant 16 : i32
      %mul3A_763 = arith.muli %scan3A_574, %mul3A_762 : i32
      %get3A_764 = arith.constant 0 : i32
      %get3A_765 = arith.constant 15 : i32
      %get3A_766 = arith.index_cast %get3A_764 : i32 to index
      %get3A_767 = arith.index_cast %get3A_765 : i32 to index
      %get3A_768 = arith.index_cast %mul3A_763 : i32 to index
      %get3A_769 = tpu.vector_load %arg5[%get3A_766, %get3A_767, %get3A_768] {strides = array<i32>} : memref<2x16x3072xf32, #tpu.memory_space<vmem>>, vector<1x1x16xf32>,
      %get3A_770 = vector.shape_cast %get3A_769 : vector<1x1x16xf32> to vector<16xf32>
      %mul3A_771 = arith.mulf %get3A_770, %get3A_596 : vector<16xf32>
      %add3A_772 = arith.addf %scan3A_590, %mul3A_771 : vector<16xf32>
      scf.yield %add3A_607, %add3A_618, %add3A_629, %add3A_640, %add3A_651, %add3A_662, %add3A_673, %add3A_684, %add3A_695, %add3A_706, %add3A_717, %add3A_728, %add3A_739, %add3A_750, %add3A_761, %add3A_772 : vector<16xf32>, vector<16xf32>, vector<16xf32>, vector<16xf32>, vector<16xf32>, vector<16xf32>, vector<16xf32>, vector<16xf32>, vector<16xf32>, vector<16xf32>, vector<16xf32>, vector<16xf32>, vector<16xf32>, vector<16xf32>, vector<16xf32>, vector<16xf32>
    }
    %scan3A_226 = arith.constant 192 : i32
    %add3A_227 = arith.constant 786432 : i32
    %add3A_228 = arith.addi %add3A_227, %mul3A_2 : i32
    %add3A_229 = arith.constant 12288 : i32
    %add3A_230 = arith.addi %add3A_228, %add3A_229 : i32
    %dma_start3A_231 = arith.constant 0 : i32
    %dma_start3A_232 = arith.constant 0 : i32
    %dma_start3A_233 = arith.constant 0 : i32
    %dma_start3A_234 = tpu.memref_slice %arg5[%dma_start3A_231, %dma_start3A_232, %dma_start3A_233] : memref<2x16x3072xf32, #tpu.memory_space<vmem>> -> memref<1x16x3072xf32, #tpu.memory_space<vmem>>
    %dma_start3A_235 = tpu.memref_squeeze %dma_start3A_234 : memref<1x16x3072xf32, #tpu.memory_space<vmem>> -> memref<16x3072xf32, #tpu.memory_space<vmem>>
    %dma_start3A_236 = arith.constant 0 : i32
    %dma_start3A_237 = tpu.memref_slice %arg2[%dma_start3A_236, %add3A_230] : memref<16x1572864xf32, #tpu.memory_space<hbm>> -> memref<16x3072xf32, #tpu.memory_space<hbm>>
    %dma_start3A_238 = arith.constant 0 : i32
    %dma_start3A_239 = arith.constant 0 : i32
    %dma_start3A_240 = tpu.memref_slice %arg5[%dma_start3A_231, %dma_start3A_238, %dma_start3A_239] : memref<2x16x3072xf32, #tpu.memory_space<vmem>> -> memref<1x16x3072xf32, #tpu.memory_space<vmem>>
    %dma_start3A_241 = tpu.memref_squeeze %dma_start3A_240 : memref<1x16x3072xf32, #tpu.memory_space<vmem>> -> memref<16x3072xf32, #tpu.memory_space<vmem>>
    %dma_start3A_242 = arith.constant 0 : i32
    %dma_start3A_243 = tpu.memref_slice %arg2[%dma_start3A_242, %add3A_230] : memref<16x1572864xf32, #tpu.memory_space<hbm>> -> memref<16x3072xf32, #tpu.memory_space<hbm>>
    tpu.enqueue_dma source(%dma_start3A_243 : memref<16x3072xf32, #tpu.memory_space<hbm>>) target(%dma_start3A_241 : memref<16x3072xf32, #tpu.memory_space<vmem>>) target_semaphore(%arg8 : memref<!tpu.dma_semaphore, #tpu.memory_space<semaphore_mem>>)
    %add3A_244 = arith.constant 12288 : i32
    %add3A_245 = arith.addi %mul3A_2, %add3A_244 : i32
    %dma_start3A_246 = arith.constant 0 : i32
    %dma_start3A_247 = arith.constant 0 : i32
    %dma_start3A_248 = tpu.memref_slice %arg6[%dma_start3A_246, %dma_start3A_247] : memref<2x3072xf32, #tpu.memory_space<vmem>> -> memref<1x3072xf32, #tpu.memory_space<vmem>>
    %dma_start3A_249 = tpu.memref_squeeze %dma_start3A_248 : memref<1x3072xf32, #tpu.memory_space<vmem>> -> memref<3072xf32, #tpu.memory_space<vmem>>
    %dma_start3A_250 = tpu.memref_slice %arg3[%add3A_245] : memref<786432xf32, #tpu.memory_space<hbm>> -> memref<3072xf32, #tpu.memory_space<hbm>>
    %dma_start3A_251 = arith.constant 0 : i32
    %dma_start3A_252 = tpu.memref_slice %arg6[%dma_start3A_246, %dma_start3A_251] : memref<2x3072xf32, #tpu.memory_space<vmem>> -> memref<1x3072xf32, #tpu.memory_space<vmem>>
    %dma_start3A_253 = tpu.memref_squeeze %dma_start3A_252 : memref<1x3072xf32, #tpu.memory_space<vmem>> -> memref<3072xf32, #tpu.memory_space<vmem>>
    %dma_start3A_254 = tpu.memref_slice %arg3[%add3A_245] : memref<786432xf32, #tpu.memory_space<hbm>> -> memref<3072xf32, #tpu.memory_space<hbm>>
    tpu.enqueue_dma source(%dma_start3A_254 : memref<3072xf32, #tpu.memory_space<hbm>>) target(%dma_start3A_253 : memref<3072xf32, #tpu.memory_space<vmem>>) target_semaphore(%arg10 : memref<!tpu.dma_semaphore, #tpu.memory_space<semaphore_mem>>)
    %dma_wait3A_255 = arith.constant 1 : i32
    %dma_wait3A_256 = arith.constant 0 : i32
    %dma_wait3A_257 = arith.constant 0 : i32
    %dma_wait3A_258 = tpu.memref_slice %arg5[%dma_wait3A_255, %dma_wait3A_256, %dma_wait3A_257] : memref<2x16x3072xf32, #tpu.memory_space<vmem>> -> memref<1x16x3072xf32, #tpu.memory_space<vmem>>
    %dma_wait3A_259 = tpu.memref_squeeze %dma_wait3A_258 : memref<1x16x3072xf32, #tpu.memory_space<vmem>> -> memref<16x3072xf32, #tpu.memory_space<vmem>>
    %dma_wait3A_260 = arith.constant 0 : i32
    %dma_wait3A_261 = tpu.memref_slice %arg2[%dma_wait3A_260, %add3A_174] : memref<16x1572864xf32, #tpu.memory_space<hbm>> -> memref<16x3072xf32, #tpu.memory_space<hbm>>
    %dma_wait3A_262 = arith.constant 0 : i32
    %dma_wait3A_263 = arith.constant 0 : i32
    %dma_wait3A_264 = tpu.memref_slice %arg5[%dma_wait3A_255, %dma_wait3A_262, %dma_wait3A_263] : memref<2x16x3072xf32, #tpu.memory_space<vmem>> -> memref<1x16x3072xf32, #tpu.memory_space<vmem>>
    %dma_wait3A_265 = tpu.memref_squeeze %dma_wait3A_264 : memref<1x16x3072xf32, #tpu.memory_space<vmem>> -> memref<16x3072xf32, #tpu.memory_space<vmem>>
    %dma_wait3A_266 = arith.constant 0 : i32
    %dma_wait3A_267 = tpu.memref_slice %arg2[%dma_wait3A_266, %add3A_174] : memref<16x1572864xf32, #tpu.memory_space<hbm>> -> memref<16x3072xf32, #tpu.memory_space<hbm>>
    tpu.wait_dma2 semaphore(%arg9 : memref<!tpu.dma_semaphore, #tpu.memory_space<semaphore_mem>>) src(%dma_wait3A_267 : memref<16x3072xf32, #tpu.memory_space<hbm>>) dst(%dma_wait3A_265 : memref<16x3072xf32, #tpu.memory_space<vmem>>)
    %dma_wait3A_268 = arith.constant 1 : i32
    %dma_wait3A_269 = arith.constant 0 : i32
    %dma_wait3A_270 = tpu.memref_slice %arg6[%dma_wait3A_268, %dma_wait3A_269] : memref<2x3072xf32, #tpu.memory_space<vmem>> -> memref<1x3072xf32, #tpu.memory_space<vmem>>
    %dma_wait3A_271 = tpu.memref_squeeze %dma_wait3A_270 : memref<1x3072xf32, #tpu.memory_space<vmem>> -> memref<3072xf32, #tpu.memory_space<vmem>>
    %dma_wait3A_272 = tpu.memref_slice %arg3[%add3A_189] : memref<786432xf32, #tpu.memory_space<hbm>> -> memref<3072xf32, #tpu.memory_space<hbm>>
    %dma_wait3A_273 = arith.constant 0 : i32
    %dma_wait3A_274 = tpu.memref_slice %arg6[%dma_wait3A_268, %dma_wait3A_273] : memref<2x3072xf32, #tpu.memory_space<vmem>> -> memref<1x3072xf32, #tpu.memory_space<vmem>>
    %dma_wait3A_275 = tpu.memref_squeeze %dma_wait3A_274 : memref<1x3072xf32, #tpu.memory_space<vmem>> -> memref<3072xf32, #tpu.memory_space<vmem>>
    %dma_wait3A_276 = tpu.memref_slice %arg3[%add3A_189] : memref<786432xf32, #tpu.memory_space<hbm>> -> memref<3072xf32, #tpu.memory_space<hbm>>
    tpu.wait_dma2 semaphore(%arg11 : memref<!tpu.dma_semaphore, #tpu.memory_space<semaphore_mem>>) src(%dma_wait3A_276 : memref<3072xf32, #tpu.memory_space<hbm>>) dst(%dma_wait3A_275 : memref<3072xf32, #tpu.memory_space<vmem>>)
    %scan3A_277 = arith.constant 0 : i32
    %scan3A_278 = arith.constant 192 : i32
    %scan3A_279 = arith.addi %scan3A_277, %scan3A_278 : i32
    %scan3A_280 = arith.constant 1 : i32
    %scan3A_281:16 = scf.for %scan3A_574 = %scan3A_277 to %scan3A_279 step %scan3A_280 iter_args(%scan3A_575 = %scan3A_225#0, %scan3A_576 = %scan3A_225#1, %scan3A_577 = %scan3A_225#2, %scan3A_578 = %scan3A_225#3, %scan3A_579 = %scan3A_225#4, %scan3A_580 = %scan3A_225#5, %scan3A_581 = %scan3A_225#6, %scan3A_582 = %scan3A_225#7, %scan3A_583 = %scan3A_225#8, %scan3A_584 = %scan3A_225#9, %scan3A_585 = %scan3A_225#10, %scan3A_586 = %scan3A_225#11, %scan3A_587 = %scan3A_225#12, %scan3A_588 = %scan3A_225#13, %scan3A_589 = %scan3A_225#14, %scan3A_590 = %scan3A_225#15) -> (vector<16xf32>, vector<16xf32>, vector<16xf32>, vector<16xf32>, vector<16xf32>, vector<16xf32>, vector<16xf32>, vector<16xf32>, vector<16xf32>, vector<16xf32>, vector<16xf32>, vector<16xf32>, vector<16xf32>, vector<16xf32>, vector<16xf32>, vector<16xf32>)  : i32 {
      %mul3A_591 = arith.constant 16 : i32
      %mul3A_592 = arith.muli %scan3A_574, %mul3A_591 : i32
      %get3A = arith.constant 1 : i32
      %get3A_593 = arith.index_cast %get3A : i32 to index
      %get3A_594 = arith.index_cast %mul3A_592 : i32 to index
      %get3A_595 = tpu.vector_load %arg6[%get3A_593, %get3A_594] {strides = array<i32>} : memref<2x3072xf32, #tpu.memory_space<vmem>>, vector<1x16xf32>,
      %get3A_596 = vector.shape_cast %get3A_595 : vector<1x16xf32> to vector<16xf32>
      %mul3A_597 = arith.constant 16 : i32
      %mul3A_598 = arith.muli %scan3A_574, %mul3A_597 : i32
      %get3A_599 = arith.constant 1 : i32
      %get3A_600 = arith.constant 0 : i32
      %get3A_601 = arith.index_cast %get3A_599 : i32 to index
      %get3A_602 = arith.index_cast %get3A_600 : i32 to index
      %get3A_603 = arith.index_cast %mul3A_598 : i32 to index
      %get3A_604 = tpu.vector_load %arg5[%get3A_601, %get3A_602, %get3A_603] {strides = array<i32>} : memref<2x16x3072xf32, #tpu.memory_space<vmem>>, vector<1x1x16xf32>,
      %get3A_605 = vector.shape_cast %get3A_604 : vector<1x1x16xf32> to vector<16xf32>
      %mul3A_606 = arith.mulf %get3A_605, %get3A_596 : vector<16xf32>
      %add3A_607 = arith.addf %scan3A_575, %mul3A_606 : vector<16xf32>
      %mul3A_608 = arith.constant 16 : i32
      %mul3A_609 = arith.muli %scan3A_574, %mul3A_608 : i32
      %get3A_610 = arith.constant 1 : i32
      %get3A_611 = arith.constant 1 : i32
      %get3A_612 = arith.index_cast %get3A_610 : i32 to index
      %get3A_613 = arith.index_cast %get3A_611 : i32 to index
      %get3A_614 = arith.index_cast %mul3A_609 : i32 to index
      %get3A_615 = tpu.vector_load %arg5[%get3A_612, %get3A_613, %get3A_614] {strides = array<i32>} : memref<2x16x3072xf32, #tpu.memory_space<vmem>>, vector<1x1x16xf32>,
      %get3A_616 = vector.shape_cast %get3A_615 : vector<1x1x16xf32> to vector<16xf32>
      %mul3A_617 = arith.mulf %get3A_616, %get3A_596 : vector<16xf32>
      %add3A_618 = arith.addf %scan3A_576, %mul3A_617 : vector<16xf32>
      %mul3A_619 = arith.constant 16 : i32
      %mul3A_620 = arith.muli %scan3A_574, %mul3A_619 : i32
      %get3A_621 = arith.constant 1 : i32
      %get3A_622 = arith.constant 2 : i32
      %get3A_623 = arith.index_cast %get3A_621 : i32 to index
      %get3A_624 = arith.index_cast %get3A_622 : i32 to index
      %get3A_625 = arith.index_cast %mul3A_620 : i32 to index
      %get3A_626 = tpu.vector_load %arg5[%get3A_623, %get3A_624, %get3A_625] {strides = array<i32>} : memref<2x16x3072xf32, #tpu.memory_space<vmem>>, vector<1x1x16xf32>,
      %get3A_627 = vector.shape_cast %get3A_626 : vector<1x1x16xf32> to vector<16xf32>
      %mul3A_628 = arith.mulf %get3A_627, %get3A_596 : vector<16xf32>
      %add3A_629 = arith.addf %scan3A_577, %mul3A_628 : vector<16xf32>
      %mul3A_630 = arith.constant 16 : i32
      %mul3A_631 = arith.muli %scan3A_574, %mul3A_630 : i32
      %get3A_632 = arith.constant 1 : i32
      %get3A_633 = arith.constant 3 : i32
      %get3A_634 = arith.index_cast %get3A_632 : i32 to index
      %get3A_635 = arith.index_cast %get3A_633 : i32 to index
      %get3A_636 = arith.index_cast %mul3A_631 : i32 to index
      %get3A_637 = tpu.vector_load %arg5[%get3A_634, %get3A_635, %get3A_636] {strides = array<i32>} : memref<2x16x3072xf32, #tpu.memory_space<vmem>>, vector<1x1x16xf32>,
      %get3A_638 = vector.shape_cast %get3A_637 : vector<1x1x16xf32> to vector<16xf32>
      %mul3A_639 = arith.mulf %get3A_638, %get3A_596 : vector<16xf32>
      %add3A_640 = arith.addf %scan3A_578, %mul3A_639 : vector<16xf32>
      %mul3A_641 = arith.constant 16 : i32
      %mul3A_642 = arith.muli %scan3A_574, %mul3A_641 : i32
      %get3A_643 = arith.constant 1 : i32
      %get3A_644 = arith.constant 4 : i32
      %get3A_645 = arith.index_cast %get3A_643 : i32 to index
      %get3A_646 = arith.index_cast %get3A_644 : i32 to index
      %get3A_647 = arith.index_cast %mul3A_642 : i32 to index
      %get3A_648 = tpu.vector_load %arg5[%get3A_645, %get3A_646, %get3A_647] {strides = array<i32>} : memref<2x16x3072xf32, #tpu.memory_space<vmem>>, vector<1x1x16xf32>,
      %get3A_649 = vector.shape_cast %get3A_648 : vector<1x1x16xf32> to vector<16xf32>
      %mul3A_650 = arith.mulf %get3A_649, %get3A_596 : vector<16xf32>
      %add3A_651 = arith.addf %scan3A_579, %mul3A_650 : vector<16xf32>
      %mul3A_652 = arith.constant 16 : i32
      %mul3A_653 = arith.muli %scan3A_574, %mul3A_652 : i32
      %get3A_654 = arith.constant 1 : i32
      %get3A_655 = arith.constant 5 : i32
      %get3A_656 = arith.index_cast %get3A_654 : i32 to index
      %get3A_657 = arith.index_cast %get3A_655 : i32 to index
      %get3A_658 = arith.index_cast %mul3A_653 : i32 to index
      %get3A_659 = tpu.vector_load %arg5[%get3A_656, %get3A_657, %get3A_658] {strides = array<i32>} : memref<2x16x3072xf32, #tpu.memory_space<vmem>>, vector<1x1x16xf32>,
      %get3A_660 = vector.shape_cast %get3A_659 : vector<1x1x16xf32> to vector<16xf32>
      %mul3A_661 = arith.mulf %get3A_660, %get3A_596 : vector<16xf32>
      %add3A_662 = arith.addf %scan3A_580, %mul3A_661 : vector<16xf32>
      %mul3A_663 = arith.constant 16 : i32
      %mul3A_664 = arith.muli %scan3A_574, %mul3A_663 : i32
      %get3A_665 = arith.constant 1 : i32
      %get3A_666 = arith.constant 6 : i32
      %get3A_667 = arith.index_cast %get3A_665 : i32 to index
      %get3A_668 = arith.index_cast %get3A_666 : i32 to index
      %get3A_669 = arith.index_cast %mul3A_664 : i32 to index
      %get3A_670 = tpu.vector_load %arg5[%get3A_667, %get3A_668, %get3A_669] {strides = array<i32>} : memref<2x16x3072xf32, #tpu.memory_space<vmem>>, vector<1x1x16xf32>,
      %get3A_671 = vector.shape_cast %get3A_670 : vector<1x1x16xf32> to vector<16xf32>
      %mul3A_672 = arith.mulf %get3A_671, %get3A_596 : vector<16xf32>
      %add3A_673 = arith.addf %scan3A_581, %mul3A_672 : vector<16xf32>
      %mul3A_674 = arith.constant 16 : i32
      %mul3A_675 = arith.muli %scan3A_574, %mul3A_674 : i32
      %get3A_676 = arith.constant 1 : i32
      %get3A_677 = arith.constant 7 : i32
      %get3A_678 = arith.index_cast %get3A_676 : i32 to index
      %get3A_679 = arith.index_cast %get3A_677 : i32 to index
      %get3A_680 = arith.index_cast %mul3A_675 : i32 to index
      %get3A_681 = tpu.vector_load %arg5[%get3A_678, %get3A_679, %get3A_680] {strides = array<i32>} : memref<2x16x3072xf32, #tpu.memory_space<vmem>>, vector<1x1x16xf32>,
      %get3A_682 = vector.shape_cast %get3A_681 : vector<1x1x16xf32> to vector<16xf32>
      %mul3A_683 = arith.mulf %get3A_682, %get3A_596 : vector<16xf32>
      %add3A_684 = arith.addf %scan3A_582, %mul3A_683 : vector<16xf32>
      %mul3A_685 = arith.constant 16 : i32
      %mul3A_686 = arith.muli %scan3A_574, %mul3A_685 : i32
      %get3A_687 = arith.constant 1 : i32
      %get3A_688 = arith.constant 8 : i32
      %get3A_689 = arith.index_cast %get3A_687 : i32 to index
      %get3A_690 = arith.index_cast %get3A_688 : i32 to index
      %get3A_691 = arith.index_cast %mul3A_686 : i32 to index
      %get3A_692 = tpu.vector_load %arg5[%get3A_689, %get3A_690, %get3A_691] {strides = array<i32>} : memref<2x16x3072xf32, #tpu.memory_space<vmem>>, vector<1x1x16xf32>,
      %get3A_693 = vector.shape_cast %get3A_692 : vector<1x1x16xf32> to vector<16xf32>
      %mul3A_694 = arith.mulf %get3A_693, %get3A_596 : vector<16xf32>
      %add3A_695 = arith.addf %scan3A_583, %mul3A_694 : vector<16xf32>
      %mul3A_696 = arith.constant 16 : i32
      %mul3A_697 = arith.muli %scan3A_574, %mul3A_696 : i32
      %get3A_698 = arith.constant 1 : i32
      %get3A_699 = arith.constant 9 : i32
      %get3A_700 = arith.index_cast %get3A_698 : i32 to index
      %get3A_701 = arith.index_cast %get3A_699 : i32 to index
      %get3A_702 = arith.index_cast %mul3A_697 : i32 to index
      %get3A_703 = tpu.vector_load %arg5[%get3A_700, %get3A_701, %get3A_702] {strides = array<i32>} : memref<2x16x3072xf32, #tpu.memory_space<vmem>>, vector<1x1x16xf32>,
      %get3A_704 = vector.shape_cast %get3A_703 : vector<1x1x16xf32> to vector<16xf32>
      %mul3A_705 = arith.mulf %get3A_704, %get3A_596 : vector<16xf32>
      %add3A_706 = arith.addf %scan3A_584, %mul3A_705 : vector<16xf32>
      %mul3A_707 = arith.constant 16 : i32
      %mul3A_708 = arith.muli %scan3A_574, %mul3A_707 : i32
      %get3A_709 = arith.constant 1 : i32
      %get3A_710 = arith.constant 10 : i32
      %get3A_711 = arith.index_cast %get3A_709 : i32 to index
      %get3A_712 = arith.index_cast %get3A_710 : i32 to index
      %get3A_713 = arith.index_cast %mul3A_708 : i32 to index
      %get3A_714 = tpu.vector_load %arg5[%get3A_711, %get3A_712, %get3A_713] {strides = array<i32>} : memref<2x16x3072xf32, #tpu.memory_space<vmem>>, vector<1x1x16xf32>,
      %get3A_715 = vector.shape_cast %get3A_714 : vector<1x1x16xf32> to vector<16xf32>
      %mul3A_716 = arith.mulf %get3A_715, %get3A_596 : vector<16xf32>
      %add3A_717 = arith.addf %scan3A_585, %mul3A_716 : vector<16xf32>
      %mul3A_718 = arith.constant 16 : i32
      %mul3A_719 = arith.muli %scan3A_574, %mul3A_718 : i32
      %get3A_720 = arith.constant 1 : i32
      %get3A_721 = arith.constant 11 : i32
      %get3A_722 = arith.index_cast %get3A_720 : i32 to index
      %get3A_723 = arith.index_cast %get3A_721 : i32 to index
      %get3A_724 = arith.index_cast %mul3A_719 : i32 to index
      %get3A_725 = tpu.vector_load %arg5[%get3A_722, %get3A_723, %get3A_724] {strides = array<i32>} : memref<2x16x3072xf32, #tpu.memory_space<vmem>>, vector<1x1x16xf32>,
      %get3A_726 = vector.shape_cast %get3A_725 : vector<1x1x16xf32> to vector<16xf32>
      %mul3A_727 = arith.mulf %get3A_726, %get3A_596 : vector<16xf32>
      %add3A_728 = arith.addf %scan3A_586, %mul3A_727 : vector<16xf32>
      %mul3A_729 = arith.constant 16 : i32
      %mul3A_730 = arith.muli %scan3A_574, %mul3A_729 : i32
      %get3A_731 = arith.constant 1 : i32
      %get3A_732 = arith.constant 12 : i32
      %get3A_733 = arith.index_cast %get3A_731 : i32 to index
      %get3A_734 = arith.index_cast %get3A_732 : i32 to index
      %get3A_735 = arith.index_cast %mul3A_730 : i32 to index
      %get3A_736 = tpu.vector_load %arg5[%get3A_733, %get3A_734, %get3A_735] {strides = array<i32>} : memref<2x16x3072xf32, #tpu.memory_space<vmem>>, vector<1x1x16xf32>,
      %get3A_737 = vector.shape_cast %get3A_736 : vector<1x1x16xf32> to vector<16xf32>
      %mul3A_738 = arith.mulf %get3A_737, %get3A_596 : vector<16xf32>
      %add3A_739 = arith.addf %scan3A_587, %mul3A_738 : vector<16xf32>
      %mul3A_740 = arith.constant 16 : i32
      %mul3A_741 = arith.muli %scan3A_574, %mul3A_740 : i32
      %get3A_742 = arith.constant 1 : i32
      %get3A_743 = arith.constant 13 : i32
      %get3A_744 = arith.index_cast %get3A_742 : i32 to index
      %get3A_745 = arith.index_cast %get3A_743 : i32 to index
      %get3A_746 = arith.index_cast %mul3A_741 : i32 to index
      %get3A_747 = tpu.vector_load %arg5[%get3A_744, %get3A_745, %get3A_746] {strides = array<i32>} : memref<2x16x3072xf32, #tpu.memory_space<vmem>>, vector<1x1x16xf32>,
      %get3A_748 = vector.shape_cast %get3A_747 : vector<1x1x16xf32> to vector<16xf32>
      %mul3A_749 = arith.mulf %get3A_748, %get3A_596 : vector<16xf32>
      %add3A_750 = arith.addf %scan3A_588, %mul3A_749 : vector<16xf32>
      %mul3A_751 = arith.constant 16 : i32
      %mul3A_752 = arith.muli %scan3A_574, %mul3A_751 : i32
      %get3A_753 = arith.constant 1 : i32
      %get3A_754 = arith.constant 14 : i32
      %get3A_755 = arith.index_cast %get3A_753 : i32 to index
      %get3A_756 = arith.index_cast %get3A_754 : i32 to index
      %get3A_757 = arith.index_cast %mul3A_752 : i32 to index
      %get3A_758 = tpu.vector_load %arg5[%get3A_755, %get3A_756, %get3A_757] {strides = array<i32>} : memref<2x16x3072xf32, #tpu.memory_space<vmem>>, vector<1x1x16xf32>,
      %get3A_759 = vector.shape_cast %get3A_758 : vector<1x1x16xf32> to vector<16xf32>
      %mul3A_760 = arith.mulf %get3A_759, %get3A_596 : vector<16xf32>
      %add3A_761 = arith.addf %scan3A_589, %mul3A_760 : vector<16xf32>
      %mul3A_762 = arith.constant 16 : i32
      %mul3A_763 = arith.muli %scan3A_574, %mul3A_762 : i32
      %get3A_764 = arith.constant 1 : i32
      %get3A_765 = arith.constant 15 : i32
      %get3A_766 = arith.index_cast %get3A_764 : i32 to index
      %get3A_767 = arith.index_cast %get3A_765 : i32 to index
      %get3A_768 = arith.index_cast %mul3A_763 : i32 to index
      %get3A_769 = tpu.vector_load %arg5[%get3A_766, %get3A_767, %get3A_768] {strides = array<i32>} : memref<2x16x3072xf32, #tpu.memory_space<vmem>>, vector<1x1x16xf32>,
      %get3A_770 = vector.shape_cast %get3A_769 : vector<1x1x16xf32> to vector<16xf32>
      %mul3A_771 = arith.mulf %get3A_770, %get3A_596 : vector<16xf32>
      %add3A_772 = arith.addf %scan3A_590, %mul3A_771 : vector<16xf32>
      scf.yield %add3A_607, %add3A_618, %add3A_629, %add3A_640, %add3A_651, %add3A_662, %add3A_673, %add3A_684, %add3A_695, %add3A_706, %add3A_717, %add3A_728, %add3A_739, %add3A_750, %add3A_761, %add3A_772 : vector<16xf32>, vector<16xf32>, vector<16xf32>, vector<16xf32>, vector<16xf32>, vector<16xf32>, vector<16xf32>, vector<16xf32>, vector<16xf32>, vector<16xf32>, vector<16xf32>, vector<16xf32>, vector<16xf32>, vector<16xf32>, vector<16xf32>, vector<16xf32>
    }
    %scan3A_282 = arith.constant 192 : i32
    %add3A_283 = arith.constant 786432 : i32
    %add3A_284 = arith.addi %add3A_283, %mul3A_2 : i32
    %add3A_285 = arith.constant 15360 : i32
    %add3A_286 = arith.addi %add3A_284, %add3A_285 : i32
    %dma_start3A_287 = arith.constant 1 : i32
    %dma_start3A_288 = arith.constant 0 : i32
    %dma_start3A_289 = arith.constant 0 : i32
    %dma_start3A_290 = tpu.memref_slice %arg5[%dma_start3A_287, %dma_start3A_288, %dma_start3A_289] : memref<2x16x3072xf32, #tpu.memory_space<vmem>> -> memref<1x16x3072xf32, #tpu.memory_space<vmem>>
    %dma_start3A_291 = tpu.memref_squeeze %dma_start3A_290 : memref<1x16x3072xf32, #tpu.memory_space<vmem>> -> memref<16x3072xf32, #tpu.memory_space<vmem>>
    %dma_start3A_292 = arith.constant 0 : i32
    %dma_start3A_293 = tpu.memref_slice %arg2[%dma_start3A_292, %add3A_286] : memref<16x1572864xf32, #tpu.memory_space<hbm>> -> memref<16x3072xf32, #tpu.memory_space<hbm>>
    %dma_start3A_294 = arith.constant 0 : i32
    %dma_start3A_295 = arith.constant 0 : i32
    %dma_start3A_296 = tpu.memref_slice %arg5[%dma_start3A_287, %dma_start3A_294, %dma_start3A_295] : memref<2x16x3072xf32, #tpu.memory_space<vmem>> -> memref<1x16x3072xf32, #tpu.memory_space<vmem>>
    %dma_start3A_297 = tpu.memref_squeeze %dma_start3A_296 : memref<1x16x3072xf32, #tpu.memory_space<vmem>> -> memref<16x3072xf32, #tpu.memory_space<vmem>>
    %dma_start3A_298 = arith.constant 0 : i32
    %dma_start3A_299 = tpu.memref_slice %arg2[%dma_start3A_298, %add3A_286] : memref<16x1572864xf32, #tpu.memory_space<hbm>> -> memref<16x3072xf32, #tpu.memory_space<hbm>>
    tpu.enqueue_dma source(%dma_start3A_299 : memref<16x3072xf32, #tpu.memory_space<hbm>>) target(%dma_start3A_297 : memref<16x3072xf32, #tpu.memory_space<vmem>>) target_semaphore(%arg9 : memref<!tpu.dma_semaphore, #tpu.memory_space<semaphore_mem>>)
    %add3A_300 = arith.constant 15360 : i32
    %add3A_301 = arith.addi %mul3A_2, %add3A_300 : i32
    %dma_start3A_302 = arith.constant 1 : i32
    %dma_start3A_303 = arith.constant 0 : i32
    %dma_start3A_304 = tpu.memref_slice %arg6[%dma_start3A_302, %dma_start3A_303] : memref<2x3072xf32, #tpu.memory_space<vmem>> -> memref<1x3072xf32, #tpu.memory_space<vmem>>
    %dma_start3A_305 = tpu.memref_squeeze %dma_start3A_304 : memref<1x3072xf32, #tpu.memory_space<vmem>> -> memref<3072xf32, #tpu.memory_space<vmem>>
    %dma_start3A_306 = tpu.memref_slice %arg3[%add3A_301] : memref<786432xf32, #tpu.memory_space<hbm>> -> memref<3072xf32, #tpu.memory_space<hbm>>
    %dma_start3A_307 = arith.constant 0 : i32
    %dma_start3A_308 = tpu.memref_slice %arg6[%dma_start3A_302, %dma_start3A_307] : memref<2x3072xf32, #tpu.memory_space<vmem>> -> memref<1x3072xf32, #tpu.memory_space<vmem>>
    %dma_start3A_309 = tpu.memref_squeeze %dma_start3A_308 : memref<1x3072xf32, #tpu.memory_space<vmem>> -> memref<3072xf32, #tpu.memory_space<vmem>>
    %dma_start3A_310 = tpu.memref_slice %arg3[%add3A_301] : memref<786432xf32, #tpu.memory_space<hbm>> -> memref<3072xf32, #tpu.memory_space<hbm>>
    tpu.enqueue_dma source(%dma_start3A_310 : memref<3072xf32, #tpu.memory_space<hbm>>) target(%dma_start3A_309 : memref<3072xf32, #tpu.memory_space<vmem>>) target_semaphore(%arg11 : memref<!tpu.dma_semaphore, #tpu.memory_space<semaphore_mem>>)
    %dma_wait3A_311 = arith.constant 0 : i32
    %dma_wait3A_312 = arith.constant 0 : i32
    %dma_wait3A_313 = arith.constant 0 : i32
    %dma_wait3A_314 = tpu.memref_slice %arg5[%dma_wait3A_311, %dma_wait3A_312, %dma_wait3A_313] : memref<2x16x3072xf32, #tpu.memory_space<vmem>> -> memref<1x16x3072xf32, #tpu.memory_space<vmem>>
    %dma_wait3A_315 = tpu.memref_squeeze %dma_wait3A_314 : memref<1x16x3072xf32, #tpu.memory_space<vmem>> -> memref<16x3072xf32, #tpu.memory_space<vmem>>
    %dma_wait3A_316 = arith.constant 0 : i32
    %dma_wait3A_317 = tpu.memref_slice %arg2[%dma_wait3A_316, %add3A_230] : memref<16x1572864xf32, #tpu.memory_space<hbm>> -> memref<16x3072xf32, #tpu.memory_space<hbm>>
    %dma_wait3A_318 = arith.constant 0 : i32
    %dma_wait3A_319 = arith.constant 0 : i32
    %dma_wait3A_320 = tpu.memref_slice %arg5[%dma_wait3A_311, %dma_wait3A_318, %dma_wait3A_319] : memref<2x16x3072xf32, #tpu.memory_space<vmem>> -> memref<1x16x3072xf32, #tpu.memory_space<vmem>>
    %dma_wait3A_321 = tpu.memref_squeeze %dma_wait3A_320 : memref<1x16x3072xf32, #tpu.memory_space<vmem>> -> memref<16x3072xf32, #tpu.memory_space<vmem>>
    %dma_wait3A_322 = arith.constant 0 : i32
    %dma_wait3A_323 = tpu.memref_slice %arg2[%dma_wait3A_322, %add3A_230] : memref<16x1572864xf32, #tpu.memory_space<hbm>> -> memref<16x3072xf32, #tpu.memory_space<hbm>>
    tpu.wait_dma2 semaphore(%arg8 : memref<!tpu.dma_semaphore, #tpu.memory_space<semaphore_mem>>) src(%dma_wait3A_323 : memref<16x3072xf32, #tpu.memory_space<hbm>>) dst(%dma_wait3A_321 : memref<16x3072xf32, #tpu.memory_space<vmem>>)
    %dma_wait3A_324 = arith.constant 0 : i32
    %dma_wait3A_325 = arith.constant 0 : i32
    %dma_wait3A_326 = tpu.memref_slice %arg6[%dma_wait3A_324, %dma_wait3A_325] : memref<2x3072xf32, #tpu.memory_space<vmem>> -> memref<1x3072xf32, #tpu.memory_space<vmem>>
    %dma_wait3A_327 = tpu.memref_squeeze %dma_wait3A_326 : memref<1x3072xf32, #tpu.memory_space<vmem>> -> memref<3072xf32, #tpu.memory_space<vmem>>
    %dma_wait3A_328 = tpu.memref_slice %arg3[%add3A_245] : memref<786432xf32, #tpu.memory_space<hbm>> -> memref<3072xf32, #tpu.memory_space<hbm>>
    %dma_wait3A_329 = arith.constant 0 : i32
    %dma_wait3A_330 = tpu.memref_slice %arg6[%dma_wait3A_324, %dma_wait3A_329] : memref<2x3072xf32, #tpu.memory_space<vmem>> -> memref<1x3072xf32, #tpu.memory_space<vmem>>
    %dma_wait3A_331 = tpu.memref_squeeze %dma_wait3A_330 : memref<1x3072xf32, #tpu.memory_space<vmem>> -> memref<3072xf32, #tpu.memory_space<vmem>>
    %dma_wait3A_332 = tpu.memref_slice %arg3[%add3A_245] : memref<786432xf32, #tpu.memory_space<hbm>> -> memref<3072xf32, #tpu.memory_space<hbm>>
    tpu.wait_dma2 semaphore(%arg10 : memref<!tpu.dma_semaphore, #tpu.memory_space<semaphore_mem>>) src(%dma_wait3A_332 : memref<3072xf32, #tpu.memory_space<hbm>>) dst(%dma_wait3A_331 : memref<3072xf32, #tpu.memory_space<vmem>>)
    %scan3A_333 = arith.constant 0 : i32
    %scan3A_334 = arith.constant 192 : i32
    %scan3A_335 = arith.addi %scan3A_333, %scan3A_334 : i32
    %scan3A_336 = arith.constant 1 : i32
    %scan3A_337:16 = scf.for %scan3A_574 = %scan3A_333 to %scan3A_335 step %scan3A_336 iter_args(%scan3A_575 = %scan3A_281#0, %scan3A_576 = %scan3A_281#1, %scan3A_577 = %scan3A_281#2, %scan3A_578 = %scan3A_281#3, %scan3A_579 = %scan3A_281#4, %scan3A_580 = %scan3A_281#5, %scan3A_581 = %scan3A_281#6, %scan3A_582 = %scan3A_281#7, %scan3A_583 = %scan3A_281#8, %scan3A_584 = %scan3A_281#9, %scan3A_585 = %scan3A_281#10, %scan3A_586 = %scan3A_281#11, %scan3A_587 = %scan3A_281#12, %scan3A_588 = %scan3A_281#13, %scan3A_589 = %scan3A_281#14, %scan3A_590 = %scan3A_281#15) -> (vector<16xf32>, vector<16xf32>, vector<16xf32>, vector<16xf32>, vector<16xf32>, vector<16xf32>, vector<16xf32>, vector<16xf32>, vector<16xf32>, vector<16xf32>, vector<16xf32>, vector<16xf32>, vector<16xf32>, vector<16xf32>, vector<16xf32>, vector<16xf32>)  : i32 {
      %mul3A_591 = arith.constant 16 : i32
      %mul3A_592 = arith.muli %scan3A_574, %mul3A_591 : i32
      %get3A = arith.constant 0 : i32
      %get3A_593 = arith.index_cast %get3A : i32 to index
      %get3A_594 = arith.index_cast %mul3A_592 : i32 to index
      %get3A_595 = tpu.vector_load %arg6[%get3A_593, %get3A_594] {strides = array<i32>} : memref<2x3072xf32, #tpu.memory_space<vmem>>, vector<1x16xf32>,
      %get3A_596 = vector.shape_cast %get3A_595 : vector<1x16xf32> to vector<16xf32>
      %mul3A_597 = arith.constant 16 : i32
      %mul3A_598 = arith.muli %scan3A_574, %mul3A_597 : i32
      %get3A_599 = arith.constant 0 : i32
      %get3A_600 = arith.constant 0 : i32
      %get3A_601 = arith.index_cast %get3A_599 : i32 to index
      %get3A_602 = arith.index_cast %get3A_600 : i32 to index
      %get3A_603 = arith.index_cast %mul3A_598 : i32 to index
      %get3A_604 = tpu.vector_load %arg5[%get3A_601, %get3A_602, %get3A_603] {strides = array<i32>} : memref<2x16x3072xf32, #tpu.memory_space<vmem>>, vector<1x1x16xf32>,
      %get3A_605 = vector.shape_cast %get3A_604 : vector<1x1x16xf32> to vector<16xf32>
      %mul3A_606 = arith.mulf %get3A_605, %get3A_596 : vector<16xf32>
      %add3A_607 = arith.addf %scan3A_575, %mul3A_606 : vector<16xf32>
      %mul3A_608 = arith.constant 16 : i32
      %mul3A_609 = arith.muli %scan3A_574, %mul3A_608 : i32
      %get3A_610 = arith.constant 0 : i32
      %get3A_611 = arith.constant 1 : i32
      %get3A_612 = arith.index_cast %get3A_610 : i32 to index
      %get3A_613 = arith.index_cast %get3A_611 : i32 to index
      %get3A_614 = arith.index_cast %mul3A_609 : i32 to index
      %get3A_615 = tpu.vector_load %arg5[%get3A_612, %get3A_613, %get3A_614] {strides = array<i32>} : memref<2x16x3072xf32, #tpu.memory_space<vmem>>, vector<1x1x16xf32>,
      %get3A_616 = vector.shape_cast %get3A_615 : vector<1x1x16xf32> to vector<16xf32>
      %mul3A_617 = arith.mulf %get3A_616, %get3A_596 : vector<16xf32>
      %add3A_618 = arith.addf %scan3A_576, %mul3A_617 : vector<16xf32>
      %mul3A_619 = arith.constant 16 : i32
      %mul3A_620 = arith.muli %scan3A_574, %mul3A_619 : i32
      %get3A_621 = arith.constant 0 : i32
      %get3A_622 = arith.constant 2 : i32
      %get3A_623 = arith.index_cast %get3A_621 : i32 to index
      %get3A_624 = arith.index_cast %get3A_622 : i32 to index
      %get3A_625 = arith.index_cast %mul3A_620 : i32 to index
      %get3A_626 = tpu.vector_load %arg5[%get3A_623, %get3A_624, %get3A_625] {strides = array<i32>} : memref<2x16x3072xf32, #tpu.memory_space<vmem>>, vector<1x1x16xf32>,
      %get3A_627 = vector.shape_cast %get3A_626 : vector<1x1x16xf32> to vector<16xf32>
      %mul3A_628 = arith.mulf %get3A_627, %get3A_596 : vector<16xf32>
      %add3A_629 = arith.addf %scan3A_577, %mul3A_628 : vector<16xf32>
      %mul3A_630 = arith.constant 16 : i32
      %mul3A_631 = arith.muli %scan3A_574, %mul3A_630 : i32
      %get3A_632 = arith.constant 0 : i32
      %get3A_633 = arith.constant 3 : i32
      %get3A_634 = arith.index_cast %get3A_632 : i32 to index
      %get3A_635 = arith.index_cast %get3A_633 : i32 to index
      %get3A_636 = arith.index_cast %mul3A_631 : i32 to index
      %get3A_637 = tpu.vector_load %arg5[%get3A_634, %get3A_635, %get3A_636] {strides = array<i32>} : memref<2x16x3072xf32, #tpu.memory_space<vmem>>, vector<1x1x16xf32>,
      %get3A_638 = vector.shape_cast %get3A_637 : vector<1x1x16xf32> to vector<16xf32>
      %mul3A_639 = arith.mulf %get3A_638, %get3A_596 : vector<16xf32>
      %add3A_640 = arith.addf %scan3A_578, %mul3A_639 : vector<16xf32>
      %mul3A_641 = arith.constant 16 : i32
      %mul3A_642 = arith.muli %scan3A_574, %mul3A_641 : i32
      %get3A_643 = arith.constant 0 : i32
      %get3A_644 = arith.constant 4 : i32
      %get3A_645 = arith.index_cast %get3A_643 : i32 to index
      %get3A_646 = arith.index_cast %get3A_644 : i32 to index
      %get3A_647 = arith.index_cast %mul3A_642 : i32 to index
      %get3A_648 = tpu.vector_load %arg5[%get3A_645, %get3A_646, %get3A_647] {strides = array<i32>} : memref<2x16x3072xf32, #tpu.memory_space<vmem>>, vector<1x1x16xf32>,
      %get3A_649 = vector.shape_cast %get3A_648 : vector<1x1x16xf32> to vector<16xf32>
      %mul3A_650 = arith.mulf %get3A_649, %get3A_596 : vector<16xf32>
      %add3A_651 = arith.addf %scan3A_579, %mul3A_650 : vector<16xf32>
      %mul3A_652 = arith.constant 16 : i32
      %mul3A_653 = arith.muli %scan3A_574, %mul3A_652 : i32
      %get3A_654 = arith.constant 0 : i32
      %get3A_655 = arith.constant 5 : i32
      %get3A_656 = arith.index_cast %get3A_654 : i32 to index
      %get3A_657 = arith.index_cast %get3A_655 : i32 to index
      %get3A_658 = arith.index_cast %mul3A_653 : i32 to index
      %get3A_659 = tpu.vector_load %arg5[%get3A_656, %get3A_657, %get3A_658] {strides = array<i32>} : memref<2x16x3072xf32, #tpu.memory_space<vmem>>, vector<1x1x16xf32>,
      %get3A_660 = vector.shape_cast %get3A_659 : vector<1x1x16xf32> to vector<16xf32>
      %mul3A_661 = arith.mulf %get3A_660, %get3A_596 : vector<16xf32>
      %add3A_662 = arith.addf %scan3A_580, %mul3A_661 : vector<16xf32>
      %mul3A_663 = arith.constant 16 : i32
      %mul3A_664 = arith.muli %scan3A_574, %mul3A_663 : i32
      %get3A_665 = arith.constant 0 : i32
      %get3A_666 = arith.constant 6 : i32
      %get3A_667 = arith.index_cast %get3A_665 : i32 to index
      %get3A_668 = arith.index_cast %get3A_666 : i32 to index
      %get3A_669 = arith.index_cast %mul3A_664 : i32 to index
      %get3A_670 = tpu.vector_load %arg5[%get3A_667, %get3A_668, %get3A_669] {strides = array<i32>} : memref<2x16x3072xf32, #tpu.memory_space<vmem>>, vector<1x1x16xf32>,
      %get3A_671 = vector.shape_cast %get3A_670 : vector<1x1x16xf32> to vector<16xf32>
      %mul3A_672 = arith.mulf %get3A_671, %get3A_596 : vector<16xf32>
      %add3A_673 = arith.addf %scan3A_581, %mul3A_672 : vector<16xf32>
      %mul3A_674 = arith.constant 16 : i32
      %mul3A_675 = arith.muli %scan3A_574, %mul3A_674 : i32
      %get3A_676 = arith.constant 0 : i32
      %get3A_677 = arith.constant 7 : i32
      %get3A_678 = arith.index_cast %get3A_676 : i32 to index
      %get3A_679 = arith.index_cast %get3A_677 : i32 to index
      %get3A_680 = arith.index_cast %mul3A_675 : i32 to index
      %get3A_681 = tpu.vector_load %arg5[%get3A_678, %get3A_679, %get3A_680] {strides = array<i32>} : memref<2x16x3072xf32, #tpu.memory_space<vmem>>, vector<1x1x16xf32>,
      %get3A_682 = vector.shape_cast %get3A_681 : vector<1x1x16xf32> to vector<16xf32>
      %mul3A_683 = arith.mulf %get3A_682, %get3A_596 : vector<16xf32>
      %add3A_684 = arith.addf %scan3A_582, %mul3A_683 : vector<16xf32>
      %mul3A_685 = arith.constant 16 : i32
      %mul3A_686 = arith.muli %scan3A_574, %mul3A_685 : i32
      %get3A_687 = arith.constant 0 : i32
      %get3A_688 = arith.constant 8 : i32
      %get3A_689 = arith.index_cast %get3A_687 : i32 to index
      %get3A_690 = arith.index_cast %get3A_688 : i32 to index
      %get3A_691 = arith.index_cast %mul3A_686 : i32 to index
      %get3A_692 = tpu.vector_load %arg5[%get3A_689, %get3A_690, %get3A_691] {strides = array<i32>} : memref<2x16x3072xf32, #tpu.memory_space<vmem>>, vector<1x1x16xf32>,
      %get3A_693 = vector.shape_cast %get3A_692 : vector<1x1x16xf32> to vector<16xf32>
      %mul3A_694 = arith.mulf %get3A_693, %get3A_596 : vector<16xf32>
      %add3A_695 = arith.addf %scan3A_583, %mul3A_694 : vector<16xf32>
      %mul3A_696 = arith.constant 16 : i32
      %mul3A_697 = arith.muli %scan3A_574, %mul3A_696 : i32
      %get3A_698 = arith.constant 0 : i32
      %get3A_699 = arith.constant 9 : i32
      %get3A_700 = arith.index_cast %get3A_698 : i32 to index
      %get3A_701 = arith.index_cast %get3A_699 : i32 to index
      %get3A_702 = arith.index_cast %mul3A_697 : i32 to index
      %get3A_703 = tpu.vector_load %arg5[%get3A_700, %get3A_701, %get3A_702] {strides = array<i32>} : memref<2x16x3072xf32, #tpu.memory_space<vmem>>, vector<1x1x16xf32>,
      %get3A_704 = vector.shape_cast %get3A_703 : vector<1x1x16xf32> to vector<16xf32>
      %mul3A_705 = arith.mulf %get3A_704, %get3A_596 : vector<16xf32>
      %add3A_706 = arith.addf %scan3A_584, %mul3A_705 : vector<16xf32>
      %mul3A_707 = arith.constant 16 : i32
      %mul3A_708 = arith.muli %scan3A_574, %mul3A_707 : i32
      %get3A_709 = arith.constant 0 : i32
      %get3A_710 = arith.constant 10 : i32
      %get3A_711 = arith.index_cast %get3A_709 : i32 to index
      %get3A_712 = arith.index_cast %get3A_710 : i32 to index
      %get3A_713 = arith.index_cast %mul3A_708 : i32 to index
      %get3A_714 = tpu.vector_load %arg5[%get3A_711, %get3A_712, %get3A_713] {strides = array<i32>} : memref<2x16x3072xf32, #tpu.memory_space<vmem>>, vector<1x1x16xf32>,
      %get3A_715 = vector.shape_cast %get3A_714 : vector<1x1x16xf32> to vector<16xf32>
      %mul3A_716 = arith.mulf %get3A_715, %get3A_596 : vector<16xf32>
      %add3A_717 = arith.addf %scan3A_585, %mul3A_716 : vector<16xf32>
      %mul3A_718 = arith.constant 16 : i32
      %mul3A_719 = arith.muli %scan3A_574, %mul3A_718 : i32
      %get3A_720 = arith.constant 0 : i32
      %get3A_721 = arith.constant 11 : i32
      %get3A_722 = arith.index_cast %get3A_720 : i32 to index
      %get3A_723 = arith.index_cast %get3A_721 : i32 to index
      %get3A_724 = arith.index_cast %mul3A_719 : i32 to index
      %get3A_725 = tpu.vector_load %arg5[%get3A_722, %get3A_723, %get3A_724] {strides = array<i32>} : memref<2x16x3072xf32, #tpu.memory_space<vmem>>, vector<1x1x16xf32>,
      %get3A_726 = vector.shape_cast %get3A_725 : vector<1x1x16xf32> to vector<16xf32>
      %mul3A_727 = arith.mulf %get3A_726, %get3A_596 : vector<16xf32>
      %add3A_728 = arith.addf %scan3A_586, %mul3A_727 : vector<16xf32>
      %mul3A_729 = arith.constant 16 : i32
      %mul3A_730 = arith.muli %scan3A_574, %mul3A_729 : i32
      %get3A_731 = arith.constant 0 : i32
      %get3A_732 = arith.constant 12 : i32
      %get3A_733 = arith.index_cast %get3A_731 : i32 to index
      %get3A_734 = arith.index_cast %get3A_732 : i32 to index
      %get3A_735 = arith.index_cast %mul3A_730 : i32 to index
      %get3A_736 = tpu.vector_load %arg5[%get3A_733, %get3A_734, %get3A_735] {strides = array<i32>} : memref<2x16x3072xf32, #tpu.memory_space<vmem>>, vector<1x1x16xf32>,
      %get3A_737 = vector.shape_cast %get3A_736 : vector<1x1x16xf32> to vector<16xf32>
      %mul3A_738 = arith.mulf %get3A_737, %get3A_596 : vector<16xf32>
      %add3A_739 = arith.addf %scan3A_587, %mul3A_738 : vector<16xf32>
      %mul3A_740 = arith.constant 16 : i32
      %mul3A_741 = arith.muli %scan3A_574, %mul3A_740 : i32
      %get3A_742 = arith.constant 0 : i32
      %get3A_743 = arith.constant 13 : i32
      %get3A_744 = arith.index_cast %get3A_742 : i32 to index
      %get3A_745 = arith.index_cast %get3A_743 : i32 to index
      %get3A_746 = arith.index_cast %mul3A_741 : i32 to index
      %get3A_747 = tpu.vector_load %arg5[%get3A_744, %get3A_745, %get3A_746] {strides = array<i32>} : memref<2x16x3072xf32, #tpu.memory_space<vmem>>, vector<1x1x16xf32>,
      %get3A_748 = vector.shape_cast %get3A_747 : vector<1x1x16xf32> to vector<16xf32>
      %mul3A_749 = arith.mulf %get3A_748, %get3A_596 : vector<16xf32>
      %add3A_750 = arith.addf %scan3A_588, %mul3A_749 : vector<16xf32>
      %mul3A_751 = arith.constant 16 : i32
      %mul3A_752 = arith.muli %scan3A_574, %mul3A_751 : i32
      %get3A_753 = arith.constant 0 : i32
      %get3A_754 = arith.constant 14 : i32
      %get3A_755 = arith.index_cast %get3A_753 : i32 to index
      %get3A_756 = arith.index_cast %get3A_754 : i32 to index
      %get3A_757 = arith.index_cast %mul3A_752 : i32 to index
      %get3A_758 = tpu.vector_load %arg5[%get3A_755, %get3A_756, %get3A_757] {strides = array<i32>} : memref<2x16x3072xf32, #tpu.memory_space<vmem>>, vector<1x1x16xf32>,
      %get3A_759 = vector.shape_cast %get3A_758 : vector<1x1x16xf32> to vector<16xf32>
      %mul3A_760 = arith.mulf %get3A_759, %get3A_596 : vector<16xf32>
      %add3A_761 = arith.addf %scan3A_589, %mul3A_760 : vector<16xf32>
      %mul3A_762 = arith.constant 16 : i32
      %mul3A_763 = arith.muli %scan3A_574, %mul3A_762 : i32
      %get3A_764 = arith.constant 0 : i32
      %get3A_765 = arith.constant 15 : i32
      %get3A_766 = arith.index_cast %get3A_764 : i32 to index
      %get3A_767 = arith.index_cast %get3A_765 : i32 to index
      %get3A_768 = arith.index_cast %mul3A_763 : i32 to index
      %get3A_769 = tpu.vector_load %arg5[%get3A_766, %get3A_767, %get3A_768] {strides = array<i32>} : memref<2x16x3072xf32, #tpu.memory_space<vmem>>, vector<1x1x16xf32>,
      %get3A_770 = vector.shape_cast %get3A_769 : vector<1x1x16xf32> to vector<16xf32>
      %mul3A_771 = arith.mulf %get3A_770, %get3A_596 : vector<16xf32>
      %add3A_772 = arith.addf %scan3A_590, %mul3A_771 : vector<16xf32>
      scf.yield %add3A_607, %add3A_618, %add3A_629, %add3A_640, %add3A_651, %add3A_662, %add3A_673, %add3A_684, %add3A_695, %add3A_706, %add3A_717, %add3A_728, %add3A_739, %add3A_750, %add3A_761, %add3A_772 : vector<16xf32>, vector<16xf32>, vector<16xf32>, vector<16xf32>, vector<16xf32>, vector<16xf32>, vector<16xf32>, vector<16xf32>, vector<16xf32>, vector<16xf32>, vector<16xf32>, vector<16xf32>, vector<16xf32>, vector<16xf32>, vector<16xf32>, vector<16xf32>
    }
    %scan3A_338 = arith.constant 192 : i32
    %add3A_339 = arith.constant 786432 : i32
    %add3A_340 = arith.addi %add3A_339, %mul3A_2 : i32
    %add3A_341 = arith.constant 18432 : i32
    %add3A_342 = arith.addi %add3A_340, %add3A_341 : i32
    %dma_start3A_343 = arith.constant 0 : i32
    %dma_start3A_344 = arith.constant 0 : i32
    %dma_start3A_345 = arith.constant 0 : i32
    %dma_start3A_346 = tpu.memref_slice %arg5[%dma_start3A_343, %dma_start3A_344, %dma_start3A_345] : memref<2x16x3072xf32, #tpu.memory_space<vmem>> -> memref<1x16x3072xf32, #tpu.memory_space<vmem>>
    %dma_start3A_347 = tpu.memref_squeeze %dma_start3A_346 : memref<1x16x3072xf32, #tpu.memory_space<vmem>> -> memref<16x3072xf32, #tpu.memory_space<vmem>>
    %dma_start3A_348 = arith.constant 0 : i32
    %dma_start3A_349 = tpu.memref_slice %arg2[%dma_start3A_348, %add3A_342] : memref<16x1572864xf32, #tpu.memory_space<hbm>> -> memref<16x3072xf32, #tpu.memory_space<hbm>>
    %dma_start3A_350 = arith.constant 0 : i32
    %dma_start3A_351 = arith.constant 0 : i32
    %dma_start3A_352 = tpu.memref_slice %arg5[%dma_start3A_343, %dma_start3A_350, %dma_start3A_351] : memref<2x16x3072xf32, #tpu.memory_space<vmem>> -> memref<1x16x3072xf32, #tpu.memory_space<vmem>>
    %dma_start3A_353 = tpu.memref_squeeze %dma_start3A_352 : memref<1x16x3072xf32, #tpu.memory_space<vmem>> -> memref<16x3072xf32, #tpu.memory_space<vmem>>
    %dma_start3A_354 = arith.constant 0 : i32
    %dma_start3A_355 = tpu.memref_slice %arg2[%dma_start3A_354, %add3A_342] : memref<16x1572864xf32, #tpu.memory_space<hbm>> -> memref<16x3072xf32, #tpu.memory_space<hbm>>
    tpu.enqueue_dma source(%dma_start3A_355 : memref<16x3072xf32, #tpu.memory_space<hbm>>) target(%dma_start3A_353 : memref<16x3072xf32, #tpu.memory_space<vmem>>) target_semaphore(%arg8 : memref<!tpu.dma_semaphore, #tpu.memory_space<semaphore_mem>>)
    %add3A_356 = arith.constant 18432 : i32
    %add3A_357 = arith.addi %mul3A_2, %add3A_356 : i32
    %dma_start3A_358 = arith.constant 0 : i32
    %dma_start3A_359 = arith.constant 0 : i32
    %dma_start3A_360 = tpu.memref_slice %arg6[%dma_start3A_358, %dma_start3A_359] : memref<2x3072xf32, #tpu.memory_space<vmem>> -> memref<1x3072xf32, #tpu.memory_space<vmem>>
    %dma_start3A_361 = tpu.memref_squeeze %dma_start3A_360 : memref<1x3072xf32, #tpu.memory_space<vmem>> -> memref<3072xf32, #tpu.memory_space<vmem>>
    %dma_start3A_362 = tpu.memref_slice %arg3[%add3A_357] : memref<786432xf32, #tpu.memory_space<hbm>> -> memref<3072xf32, #tpu.memory_space<hbm>>
    %dma_start3A_363 = arith.constant 0 : i32
    %dma_start3A_364 = tpu.memref_slice %arg6[%dma_start3A_358, %dma_start3A_363] : memref<2x3072xf32, #tpu.memory_space<vmem>> -> memref<1x3072xf32, #tpu.memory_space<vmem>>
    %dma_start3A_365 = tpu.memref_squeeze %dma_start3A_364 : memref<1x3072xf32, #tpu.memory_space<vmem>> -> memref<3072xf32, #tpu.memory_space<vmem>>
    %dma_start3A_366 = tpu.memref_slice %arg3[%add3A_357] : memref<786432xf32, #tpu.memory_space<hbm>> -> memref<3072xf32, #tpu.memory_space<hbm>>
    tpu.enqueue_dma source(%dma_start3A_366 : memref<3072xf32, #tpu.memory_space<hbm>>) target(%dma_start3A_365 : memref<3072xf32, #tpu.memory_space<vmem>>) target_semaphore(%arg10 : memref<!tpu.dma_semaphore, #tpu.memory_space<semaphore_mem>>)
    %dma_wait3A_367 = arith.constant 1 : i32
    %dma_wait3A_368 = arith.constant 0 : i32
    %dma_wait3A_369 = arith.constant 0 : i32
    %dma_wait3A_370 = tpu.memref_slice %arg5[%dma_wait3A_367, %dma_wait3A_368, %dma_wait3A_369] : memref<2x16x3072xf32, #tpu.memory_space<vmem>> -> memref<1x16x3072xf32, #tpu.memory_space<vmem>>
    %dma_wait3A_371 = tpu.memref_squeeze %dma_wait3A_370 : memref<1x16x3072xf32, #tpu.memory_space<vmem>> -> memref<16x3072xf32, #tpu.memory_space<vmem>>
    %dma_wait3A_372 = arith.constant 0 : i32
    %dma_wait3A_373 = tpu.memref_slice %arg2[%dma_wait3A_372, %add3A_286] : memref<16x1572864xf32, #tpu.memory_space<hbm>> -> memref<16x3072xf32, #tpu.memory_space<hbm>>
    %dma_wait3A_374 = arith.constant 0 : i32
    %dma_wait3A_375 = arith.constant 0 : i32
    %dma_wait3A_376 = tpu.memref_slice %arg5[%dma_wait3A_367, %dma_wait3A_374, %dma_wait3A_375] : memref<2x16x3072xf32, #tpu.memory_space<vmem>> -> memref<1x16x3072xf32, #tpu.memory_space<vmem>>
    %dma_wait3A_377 = tpu.memref_squeeze %dma_wait3A_376 : memref<1x16x3072xf32, #tpu.memory_space<vmem>> -> memref<16x3072xf32, #tpu.memory_space<vmem>>
    %dma_wait3A_378 = arith.constant 0 : i32
    %dma_wait3A_379 = tpu.memref_slice %arg2[%dma_wait3A_378, %add3A_286] : memref<16x1572864xf32, #tpu.memory_space<hbm>> -> memref<16x3072xf32, #tpu.memory_space<hbm>>
    tpu.wait_dma2 semaphore(%arg9 : memref<!tpu.dma_semaphore, #tpu.memory_space<semaphore_mem>>) src(%dma_wait3A_379 : memref<16x3072xf32, #tpu.memory_space<hbm>>) dst(%dma_wait3A_377 : memref<16x3072xf32, #tpu.memory_space<vmem>>)
    %dma_wait3A_380 = arith.constant 1 : i32
    %dma_wait3A_381 = arith.constant 0 : i32
    %dma_wait3A_382 = tpu.memref_slice %arg6[%dma_wait3A_380, %dma_wait3A_381] : memref<2x3072xf32, #tpu.memory_space<vmem>> -> memref<1x3072xf32, #tpu.memory_space<vmem>>
    %dma_wait3A_383 = tpu.memref_squeeze %dma_wait3A_382 : memref<1x3072xf32, #tpu.memory_space<vmem>> -> memref<3072xf32, #tpu.memory_space<vmem>>
    %dma_wait3A_384 = tpu.memref_slice %arg3[%add3A_301] : memref<786432xf32, #tpu.memory_space<hbm>> -> memref<3072xf32, #tpu.memory_space<hbm>>
    %dma_wait3A_385 = arith.constant 0 : i32
    %dma_wait3A_386 = tpu.memref_slice %arg6[%dma_wait3A_380, %dma_wait3A_385] : memref<2x3072xf32, #tpu.memory_space<vmem>> -> memref<1x3072xf32, #tpu.memory_space<vmem>>
    %dma_wait3A_387 = tpu.memref_squeeze %dma_wait3A_386 : memref<1x3072xf32, #tpu.memory_space<vmem>> -> memref<3072xf32, #tpu.memory_space<vmem>>
    %dma_wait3A_388 = tpu.memref_slice %arg3[%add3A_301] : memref<786432xf32, #tpu.memory_space<hbm>> -> memref<3072xf32, #tpu.memory_space<hbm>>
    tpu.wait_dma2 semaphore(%arg11 : memref<!tpu.dma_semaphore, #tpu.memory_space<semaphore_mem>>) src(%dma_wait3A_388 : memref<3072xf32, #tpu.memory_space<hbm>>) dst(%dma_wait3A_387 : memref<3072xf32, #tpu.memory_space<vmem>>)
    %scan3A_389 = arith.constant 0 : i32
    %scan3A_390 = arith.constant 192 : i32
    %scan3A_391 = arith.addi %scan3A_389, %scan3A_390 : i32
    %scan3A_392 = arith.constant 1 : i32
    %scan3A_393:16 = scf.for %scan3A_574 = %scan3A_389 to %scan3A_391 step %scan3A_392 iter_args(%scan3A_575 = %scan3A_337#0, %scan3A_576 = %scan3A_337#1, %scan3A_577 = %scan3A_337#2, %scan3A_578 = %scan3A_337#3, %scan3A_579 = %scan3A_337#4, %scan3A_580 = %scan3A_337#5, %scan3A_581 = %scan3A_337#6, %scan3A_582 = %scan3A_337#7, %scan3A_583 = %scan3A_337#8, %scan3A_584 = %scan3A_337#9, %scan3A_585 = %scan3A_337#10, %scan3A_586 = %scan3A_337#11, %scan3A_587 = %scan3A_337#12, %scan3A_588 = %scan3A_337#13, %scan3A_589 = %scan3A_337#14, %scan3A_590 = %scan3A_337#15) -> (vector<16xf32>, vector<16xf32>, vector<16xf32>, vector<16xf32>, vector<16xf32>, vector<16xf32>, vector<16xf32>, vector<16xf32>, vector<16xf32>, vector<16xf32>, vector<16xf32>, vector<16xf32>, vector<16xf32>, vector<16xf32>, vector<16xf32>, vector<16xf32>)  : i32 {
      %mul3A_591 = arith.constant 16 : i32
      %mul3A_592 = arith.muli %scan3A_574, %mul3A_591 : i32
      %get3A = arith.constant 1 : i32
      %get3A_593 = arith.index_cast %get3A : i32 to index
      %get3A_594 = arith.index_cast %mul3A_592 : i32 to index
      %get3A_595 = tpu.vector_load %arg6[%get3A_593, %get3A_594] {strides = array<i32>} : memref<2x3072xf32, #tpu.memory_space<vmem>>, vector<1x16xf32>,
      %get3A_596 = vector.shape_cast %get3A_595 : vector<1x16xf32> to vector<16xf32>
      %mul3A_597 = arith.constant 16 : i32
      %mul3A_598 = arith.muli %scan3A_574, %mul3A_597 : i32
      %get3A_599 = arith.constant 1 : i32
      %get3A_600 = arith.constant 0 : i32
      %get3A_601 = arith.index_cast %get3A_599 : i32 to index
      %get3A_602 = arith.index_cast %get3A_600 : i32 to index
      %get3A_603 = arith.index_cast %mul3A_598 : i32 to index
      %get3A_604 = tpu.vector_load %arg5[%get3A_601, %get3A_602, %get3A_603] {strides = array<i32>} : memref<2x16x3072xf32, #tpu.memory_space<vmem>>, vector<1x1x16xf32>,
      %get3A_605 = vector.shape_cast %get3A_604 : vector<1x1x16xf32> to vector<16xf32>
      %mul3A_606 = arith.mulf %get3A_605, %get3A_596 : vector<16xf32>
      %add3A_607 = arith.addf %scan3A_575, %mul3A_606 : vector<16xf32>
      %mul3A_608 = arith.constant 16 : i32
      %mul3A_609 = arith.muli %scan3A_574, %mul3A_608 : i32
      %get3A_610 = arith.constant 1 : i32
      %get3A_611 = arith.constant 1 : i32
      %get3A_612 = arith.index_cast %get3A_610 : i32 to index
      %get3A_613 = arith.index_cast %get3A_611 : i32 to index
      %get3A_614 = arith.index_cast %mul3A_609 : i32 to index
      %get3A_615 = tpu.vector_load %arg5[%get3A_612, %get3A_613, %get3A_614] {strides = array<i32>} : memref<2x16x3072xf32, #tpu.memory_space<vmem>>, vector<1x1x16xf32>,
      %get3A_616 = vector.shape_cast %get3A_615 : vector<1x1x16xf32> to vector<16xf32>
      %mul3A_617 = arith.mulf %get3A_616, %get3A_596 : vector<16xf32>
      %add3A_618 = arith.addf %scan3A_576, %mul3A_617 : vector<16xf32>
      %mul3A_619 = arith.constant 16 : i32
      %mul3A_620 = arith.muli %scan3A_574, %mul3A_619 : i32
      %get3A_621 = arith.constant 1 : i32
      %get3A_622 = arith.constant 2 : i32
      %get3A_623 = arith.index_cast %get3A_621 : i32 to index
      %get3A_624 = arith.index_cast %get3A_622 : i32 to index
      %get3A_625 = arith.index_cast %mul3A_620 : i32 to index
      %get3A_626 = tpu.vector_load %arg5[%get3A_623, %get3A_624, %get3A_625] {strides = array<i32>} : memref<2x16x3072xf32, #tpu.memory_space<vmem>>, vector<1x1x16xf32>,
      %get3A_627 = vector.shape_cast %get3A_626 : vector<1x1x16xf32> to vector<16xf32>
      %mul3A_628 = arith.mulf %get3A_627, %get3A_596 : vector<16xf32>
      %add3A_629 = arith.addf %scan3A_577, %mul3A_628 : vector<16xf32>
      %mul3A_630 = arith.constant 16 : i32
      %mul3A_631 = arith.muli %scan3A_574, %mul3A_630 : i32
      %get3A_632 = arith.constant 1 : i32
      %get3A_633 = arith.constant 3 : i32
      %get3A_634 = arith.index_cast %get3A_632 : i32 to index
      %get3A_635 = arith.index_cast %get3A_633 : i32 to index
      %get3A_636 = arith.index_cast %mul3A_631 : i32 to index
      %get3A_637 = tpu.vector_load %arg5[%get3A_634, %get3A_635, %get3A_636] {strides = array<i32>} : memref<2x16x3072xf32, #tpu.memory_space<vmem>>, vector<1x1x16xf32>,
      %get3A_638 = vector.shape_cast %get3A_637 : vector<1x1x16xf32> to vector<16xf32>
      %mul3A_639 = arith.mulf %get3A_638, %get3A_596 : vector<16xf32>
      %add3A_640 = arith.addf %scan3A_578, %mul3A_639 : vector<16xf32>
      %mul3A_641 = arith.constant 16 : i32
      %mul3A_642 = arith.muli %scan3A_574, %mul3A_641 : i32
      %get3A_643 = arith.constant 1 : i32
      %get3A_644 = arith.constant 4 : i32
      %get3A_645 = arith.index_cast %get3A_643 : i32 to index
      %get3A_646 = arith.index_cast %get3A_644 : i32 to index
      %get3A_647 = arith.index_cast %mul3A_642 : i32 to index
      %get3A_648 = tpu.vector_load %arg5[%get3A_645, %get3A_646, %get3A_647] {strides = array<i32>} : memref<2x16x3072xf32, #tpu.memory_space<vmem>>, vector<1x1x16xf32>,
      %get3A_649 = vector.shape_cast %get3A_648 : vector<1x1x16xf32> to vector<16xf32>
      %mul3A_650 = arith.mulf %get3A_649, %get3A_596 : vector<16xf32>
      %add3A_651 = arith.addf %scan3A_579, %mul3A_650 : vector<16xf32>
      %mul3A_652 = arith.constant 16 : i32
      %mul3A_653 = arith.muli %scan3A_574, %mul3A_652 : i32
      %get3A_654 = arith.constant 1 : i32
      %get3A_655 = arith.constant 5 : i32
      %get3A_656 = arith.index_cast %get3A_654 : i32 to index
      %get3A_657 = arith.index_cast %get3A_655 : i32 to index
      %get3A_658 = arith.index_cast %mul3A_653 : i32 to index
      %get3A_659 = tpu.vector_load %arg5[%get3A_656, %get3A_657, %get3A_658] {strides = array<i32>} : memref<2x16x3072xf32, #tpu.memory_space<vmem>>, vector<1x1x16xf32>,
      %get3A_660 = vector.shape_cast %get3A_659 : vector<1x1x16xf32> to vector<16xf32>
      %mul3A_661 = arith.mulf %get3A_660, %get3A_596 : vector<16xf32>
      %add3A_662 = arith.addf %scan3A_580, %mul3A_661 : vector<16xf32>
      %mul3A_663 = arith.constant 16 : i32
      %mul3A_664 = arith.muli %scan3A_574, %mul3A_663 : i32
      %get3A_665 = arith.constant 1 : i32
      %get3A_666 = arith.constant 6 : i32
      %get3A_667 = arith.index_cast %get3A_665 : i32 to index
      %get3A_668 = arith.index_cast %get3A_666 : i32 to index
      %get3A_669 = arith.index_cast %mul3A_664 : i32 to index
      %get3A_670 = tpu.vector_load %arg5[%get3A_667, %get3A_668, %get3A_669] {strides = array<i32>} : memref<2x16x3072xf32, #tpu.memory_space<vmem>>, vector<1x1x16xf32>,
      %get3A_671 = vector.shape_cast %get3A_670 : vector<1x1x16xf32> to vector<16xf32>
      %mul3A_672 = arith.mulf %get3A_671, %get3A_596 : vector<16xf32>
      %add3A_673 = arith.addf %scan3A_581, %mul3A_672 : vector<16xf32>
      %mul3A_674 = arith.constant 16 : i32
      %mul3A_675 = arith.muli %scan3A_574, %mul3A_674 : i32
      %get3A_676 = arith.constant 1 : i32
      %get3A_677 = arith.constant 7 : i32
      %get3A_678 = arith.index_cast %get3A_676 : i32 to index
      %get3A_679 = arith.index_cast %get3A_677 : i32 to index
      %get3A_680 = arith.index_cast %mul3A_675 : i32 to index
      %get3A_681 = tpu.vector_load %arg5[%get3A_678, %get3A_679, %get3A_680] {strides = array<i32>} : memref<2x16x3072xf32, #tpu.memory_space<vmem>>, vector<1x1x16xf32>,
      %get3A_682 = vector.shape_cast %get3A_681 : vector<1x1x16xf32> to vector<16xf32>
      %mul3A_683 = arith.mulf %get3A_682, %get3A_596 : vector<16xf32>
      %add3A_684 = arith.addf %scan3A_582, %mul3A_683 : vector<16xf32>
      %mul3A_685 = arith.constant 16 : i32
      %mul3A_686 = arith.muli %scan3A_574, %mul3A_685 : i32
      %get3A_687 = arith.constant 1 : i32
      %get3A_688 = arith.constant 8 : i32
      %get3A_689 = arith.index_cast %get3A_687 : i32 to index
      %get3A_690 = arith.index_cast %get3A_688 : i32 to index
      %get3A_691 = arith.index_cast %mul3A_686 : i32 to index
      %get3A_692 = tpu.vector_load %arg5[%get3A_689, %get3A_690, %get3A_691] {strides = array<i32>} : memref<2x16x3072xf32, #tpu.memory_space<vmem>>, vector<1x1x16xf32>,
      %get3A_693 = vector.shape_cast %get3A_692 : vector<1x1x16xf32> to vector<16xf32>
      %mul3A_694 = arith.mulf %get3A_693, %get3A_596 : vector<16xf32>
      %add3A_695 = arith.addf %scan3A_583, %mul3A_694 : vector<16xf32>
      %mul3A_696 = arith.constant 16 : i32
      %mul3A_697 = arith.muli %scan3A_574, %mul3A_696 : i32
      %get3A_698 = arith.constant 1 : i32
      %get3A_699 = arith.constant 9 : i32
      %get3A_700 = arith.index_cast %get3A_698 : i32 to index
      %get3A_701 = arith.index_cast %get3A_699 : i32 to index
      %get3A_702 = arith.index_cast %mul3A_697 : i32 to index
      %get3A_703 = tpu.vector_load %arg5[%get3A_700, %get3A_701, %get3A_702] {strides = array<i32>} : memref<2x16x3072xf32, #tpu.memory_space<vmem>>, vector<1x1x16xf32>,
      %get3A_704 = vector.shape_cast %get3A_703 : vector<1x1x16xf32> to vector<16xf32>
      %mul3A_705 = arith.mulf %get3A_704, %get3A_596 : vector<16xf32>
      %add3A_706 = arith.addf %scan3A_584, %mul3A_705 : vector<16xf32>
      %mul3A_707 = arith.constant 16 : i32
      %mul3A_708 = arith.muli %scan3A_574, %mul3A_707 : i32
      %get3A_709 = arith.constant 1 : i32
      %get3A_710 = arith.constant 10 : i32
      %get3A_711 = arith.index_cast %get3A_709 : i32 to index
      %get3A_712 = arith.index_cast %get3A_710 : i32 to index
      %get3A_713 = arith.index_cast %mul3A_708 : i32 to index
      %get3A_714 = tpu.vector_load %arg5[%get3A_711, %get3A_712, %get3A_713] {strides = array<i32>} : memref<2x16x3072xf32, #tpu.memory_space<vmem>>, vector<1x1x16xf32>,
      %get3A_715 = vector.shape_cast %get3A_714 : vector<1x1x16xf32> to vector<16xf32>
      %mul3A_716 = arith.mulf %get3A_715, %get3A_596 : vector<16xf32>
      %add3A_717 = arith.addf %scan3A_585, %mul3A_716 : vector<16xf32>
      %mul3A_718 = arith.constant 16 : i32
      %mul3A_719 = arith.muli %scan3A_574, %mul3A_718 : i32
      %get3A_720 = arith.constant 1 : i32
      %get3A_721 = arith.constant 11 : i32
      %get3A_722 = arith.index_cast %get3A_720 : i32 to index
      %get3A_723 = arith.index_cast %get3A_721 : i32 to index
      %get3A_724 = arith.index_cast %mul3A_719 : i32 to index
      %get3A_725 = tpu.vector_load %arg5[%get3A_722, %get3A_723, %get3A_724] {strides = array<i32>} : memref<2x16x3072xf32, #tpu.memory_space<vmem>>, vector<1x1x16xf32>,
      %get3A_726 = vector.shape_cast %get3A_725 : vector<1x1x16xf32> to vector<16xf32>
      %mul3A_727 = arith.mulf %get3A_726, %get3A_596 : vector<16xf32>
      %add3A_728 = arith.addf %scan3A_586, %mul3A_727 : vector<16xf32>
      %mul3A_729 = arith.constant 16 : i32
      %mul3A_730 = arith.muli %scan3A_574, %mul3A_729 : i32
      %get3A_731 = arith.constant 1 : i32
      %get3A_732 = arith.constant 12 : i32
      %get3A_733 = arith.index_cast %get3A_731 : i32 to index
      %get3A_734 = arith.index_cast %get3A_732 : i32 to index
      %get3A_735 = arith.index_cast %mul3A_730 : i32 to index
      %get3A_736 = tpu.vector_load %arg5[%get3A_733, %get3A_734, %get3A_735] {strides = array<i32>} : memref<2x16x3072xf32, #tpu.memory_space<vmem>>, vector<1x1x16xf32>,
      %get3A_737 = vector.shape_cast %get3A_736 : vector<1x1x16xf32> to vector<16xf32>
      %mul3A_738 = arith.mulf %get3A_737, %get3A_596 : vector<16xf32>
      %add3A_739 = arith.addf %scan3A_587, %mul3A_738 : vector<16xf32>
      %mul3A_740 = arith.constant 16 : i32
      %mul3A_741 = arith.muli %scan3A_574, %mul3A_740 : i32
      %get3A_742 = arith.constant 1 : i32
      %get3A_743 = arith.constant 13 : i32
      %get3A_744 = arith.index_cast %get3A_742 : i32 to index
      %get3A_745 = arith.index_cast %get3A_743 : i32 to index
      %get3A_746 = arith.index_cast %mul3A_741 : i32 to index
      %get3A_747 = tpu.vector_load %arg5[%get3A_744, %get3A_745, %get3A_746] {strides = array<i32>} : memref<2x16x3072xf32, #tpu.memory_space<vmem>>, vector<1x1x16xf32>,
      %get3A_748 = vector.shape_cast %get3A_747 : vector<1x1x16xf32> to vector<16xf32>
      %mul3A_749 = arith.mulf %get3A_748, %get3A_596 : vector<16xf32>
      %add3A_750 = arith.addf %scan3A_588, %mul3A_749 : vector<16xf32>
      %mul3A_751 = arith.constant 16 : i32
      %mul3A_752 = arith.muli %scan3A_574, %mul3A_751 : i32
      %get3A_753 = arith.constant 1 : i32
      %get3A_754 = arith.constant 14 : i32
      %get3A_755 = arith.index_cast %get3A_753 : i32 to index
      %get3A_756 = arith.index_cast %get3A_754 : i32 to index
      %get3A_757 = arith.index_cast %mul3A_752 : i32 to index
      %get3A_758 = tpu.vector_load %arg5[%get3A_755, %get3A_756, %get3A_757] {strides = array<i32>} : memref<2x16x3072xf32, #tpu.memory_space<vmem>>, vector<1x1x16xf32>,
      %get3A_759 = vector.shape_cast %get3A_758 : vector<1x1x16xf32> to vector<16xf32>
      %mul3A_760 = arith.mulf %get3A_759, %get3A_596 : vector<16xf32>
      %add3A_761 = arith.addf %scan3A_589, %mul3A_760 : vector<16xf32>
      %mul3A_762 = arith.constant 16 : i32
      %mul3A_763 = arith.muli %scan3A_574, %mul3A_762 : i32
      %get3A_764 = arith.constant 1 : i32
      %get3A_765 = arith.constant 15 : i32
      %get3A_766 = arith.index_cast %get3A_764 : i32 to index
      %get3A_767 = arith.index_cast %get3A_765 : i32 to index
      %get3A_768 = arith.index_cast %mul3A_763 : i32 to index
      %get3A_769 = tpu.vector_load %arg5[%get3A_766, %get3A_767, %get3A_768] {strides = array<i32>} : memref<2x16x3072xf32, #tpu.memory_space<vmem>>, vector<1x1x16xf32>,
      %get3A_770 = vector.shape_cast %get3A_769 : vector<1x1x16xf32> to vector<16xf32>
      %mul3A_771 = arith.mulf %get3A_770, %get3A_596 : vector<16xf32>
      %add3A_772 = arith.addf %scan3A_590, %mul3A_771 : vector<16xf32>
      scf.yield %add3A_607, %add3A_618, %add3A_629, %add3A_640, %add3A_651, %add3A_662, %add3A_673, %add3A_684, %add3A_695, %add3A_706, %add3A_717, %add3A_728, %add3A_739, %add3A_750, %add3A_761, %add3A_772 : vector<16xf32>, vector<16xf32>, vector<16xf32>, vector<16xf32>, vector<16xf32>, vector<16xf32>, vector<16xf32>, vector<16xf32>, vector<16xf32>, vector<16xf32>, vector<16xf32>, vector<16xf32>, vector<16xf32>, vector<16xf32>, vector<16xf32>, vector<16xf32>
    }
    %scan3A_394 = arith.constant 192 : i32
    %add3A_395 = arith.constant 786432 : i32
    %add3A_396 = arith.addi %add3A_395, %mul3A_2 : i32
    %add3A_397 = arith.constant 21504 : i32
    %add3A_398 = arith.addi %add3A_396, %add3A_397 : i32
    %dma_start3A_399 = arith.constant 1 : i32
    %dma_start3A_400 = arith.constant 0 : i32
    %dma_start3A_401 = arith.constant 0 : i32
    %dma_start3A_402 = tpu.memref_slice %arg5[%dma_start3A_399, %dma_start3A_400, %dma_start3A_401] : memref<2x16x3072xf32, #tpu.memory_space<vmem>> -> memref<1x16x3072xf32, #tpu.memory_space<vmem>>
    %dma_start3A_403 = tpu.memref_squeeze %dma_start3A_402 : memref<1x16x3072xf32, #tpu.memory_space<vmem>> -> memref<16x3072xf32, #tpu.memory_space<vmem>>
    %dma_start3A_404 = arith.constant 0 : i32
    %dma_start3A_405 = tpu.memref_slice %arg2[%dma_start3A_404, %add3A_398] : memref<16x1572864xf32, #tpu.memory_space<hbm>> -> memref<16x3072xf32, #tpu.memory_space<hbm>>
    %dma_start3A_406 = arith.constant 0 : i32
    %dma_start3A_407 = arith.constant 0 : i32
    %dma_start3A_408 = tpu.memref_slice %arg5[%dma_start3A_399, %dma_start3A_406, %dma_start3A_407] : memref<2x16x3072xf32, #tpu.memory_space<vmem>> -> memref<1x16x3072xf32, #tpu.memory_space<vmem>>
    %dma_start3A_409 = tpu.memref_squeeze %dma_start3A_408 : memref<1x16x3072xf32, #tpu.memory_space<vmem>> -> memref<16x3072xf32, #tpu.memory_space<vmem>>
    %dma_start3A_410 = arith.constant 0 : i32
    %dma_start3A_411 = tpu.memref_slice %arg2[%dma_start3A_410, %add3A_398] : memref<16x1572864xf32, #tpu.memory_space<hbm>> -> memref<16x3072xf32, #tpu.memory_space<hbm>>
    tpu.enqueue_dma source(%dma_start3A_411 : memref<16x3072xf32, #tpu.memory_space<hbm>>) target(%dma_start3A_409 : memref<16x3072xf32, #tpu.memory_space<vmem>>) target_semaphore(%arg9 : memref<!tpu.dma_semaphore, #tpu.memory_space<semaphore_mem>>)
    %add3A_412 = arith.constant 21504 : i32
    %add3A_413 = arith.addi %mul3A_2, %add3A_412 : i32
    %dma_start3A_414 = arith.constant 1 : i32
    %dma_start3A_415 = arith.constant 0 : i32
    %dma_start3A_416 = tpu.memref_slice %arg6[%dma_start3A_414, %dma_start3A_415] : memref<2x3072xf32, #tpu.memory_space<vmem>> -> memref<1x3072xf32, #tpu.memory_space<vmem>>
    %dma_start3A_417 = tpu.memref_squeeze %dma_start3A_416 : memref<1x3072xf32, #tpu.memory_space<vmem>> -> memref<3072xf32, #tpu.memory_space<vmem>>
    %dma_start3A_418 = tpu.memref_slice %arg3[%add3A_413] : memref<786432xf32, #tpu.memory_space<hbm>> -> memref<3072xf32, #tpu.memory_space<hbm>>
    %dma_start3A_419 = arith.constant 0 : i32
    %dma_start3A_420 = tpu.memref_slice %arg6[%dma_start3A_414, %dma_start3A_419] : memref<2x3072xf32, #tpu.memory_space<vmem>> -> memref<1x3072xf32, #tpu.memory_space<vmem>>
    %dma_start3A_421 = tpu.memref_squeeze %dma_start3A_420 : memref<1x3072xf32, #tpu.memory_space<vmem>> -> memref<3072xf32, #tpu.memory_space<vmem>>
    %dma_start3A_422 = tpu.memref_slice %arg3[%add3A_413] : memref<786432xf32, #tpu.memory_space<hbm>> -> memref<3072xf32, #tpu.memory_space<hbm>>
    tpu.enqueue_dma source(%dma_start3A_422 : memref<3072xf32, #tpu.memory_space<hbm>>) target(%dma_start3A_421 : memref<3072xf32, #tpu.memory_space<vmem>>) target_semaphore(%arg11 : memref<!tpu.dma_semaphore, #tpu.memory_space<semaphore_mem>>)
    %dma_wait3A_423 = arith.constant 0 : i32
    %dma_wait3A_424 = arith.constant 0 : i32
    %dma_wait3A_425 = arith.constant 0 : i32
    %dma_wait3A_426 = tpu.memref_slice %arg5[%dma_wait3A_423, %dma_wait3A_424, %dma_wait3A_425] : memref<2x16x3072xf32, #tpu.memory_space<vmem>> -> memref<1x16x3072xf32, #tpu.memory_space<vmem>>
    %dma_wait3A_427 = tpu.memref_squeeze %dma_wait3A_426 : memref<1x16x3072xf32, #tpu.memory_space<vmem>> -> memref<16x3072xf32, #tpu.memory_space<vmem>>
    %dma_wait3A_428 = arith.constant 0 : i32
    %dma_wait3A_429 = tpu.memref_slice %arg2[%dma_wait3A_428, %add3A_342] : memref<16x1572864xf32, #tpu.memory_space<hbm>> -> memref<16x3072xf32, #tpu.memory_space<hbm>>
    %dma_wait3A_430 = arith.constant 0 : i32
    %dma_wait3A_431 = arith.constant 0 : i32
    %dma_wait3A_432 = tpu.memref_slice %arg5[%dma_wait3A_423, %dma_wait3A_430, %dma_wait3A_431] : memref<2x16x3072xf32, #tpu.memory_space<vmem>> -> memref<1x16x3072xf32, #tpu.memory_space<vmem>>
    %dma_wait3A_433 = tpu.memref_squeeze %dma_wait3A_432 : memref<1x16x3072xf32, #tpu.memory_space<vmem>> -> memref<16x3072xf32, #tpu.memory_space<vmem>>
    %dma_wait3A_434 = arith.constant 0 : i32
    %dma_wait3A_435 = tpu.memref_slice %arg2[%dma_wait3A_434, %add3A_342] : memref<16x1572864xf32, #tpu.memory_space<hbm>> -> memref<16x3072xf32, #tpu.memory_space<hbm>>
    tpu.wait_dma2 semaphore(%arg8 : memref<!tpu.dma_semaphore, #tpu.memory_space<semaphore_mem>>) src(%dma_wait3A_435 : memref<16x3072xf32, #tpu.memory_space<hbm>>) dst(%dma_wait3A_433 : memref<16x3072xf32, #tpu.memory_space<vmem>>)
    %dma_wait3A_436 = arith.constant 0 : i32
    %dma_wait3A_437 = arith.constant 0 : i32
    %dma_wait3A_438 = tpu.memref_slice %arg6[%dma_wait3A_436, %dma_wait3A_437] : memref<2x3072xf32, #tpu.memory_space<vmem>> -> memref<1x3072xf32, #tpu.memory_space<vmem>>
    %dma_wait3A_439 = tpu.memref_squeeze %dma_wait3A_438 : memref<1x3072xf32, #tpu.memory_space<vmem>> -> memref<3072xf32, #tpu.memory_space<vmem>>
    %dma_wait3A_440 = tpu.memref_slice %arg3[%add3A_357] : memref<786432xf32, #tpu.memory_space<hbm>> -> memref<3072xf32, #tpu.memory_space<hbm>>
    %dma_wait3A_441 = arith.constant 0 : i32
    %dma_wait3A_442 = tpu.memref_slice %arg6[%dma_wait3A_436, %dma_wait3A_441] : memref<2x3072xf32, #tpu.memory_space<vmem>> -> memref<1x3072xf32, #tpu.memory_space<vmem>>
    %dma_wait3A_443 = tpu.memref_squeeze %dma_wait3A_442 : memref<1x3072xf32, #tpu.memory_space<vmem>> -> memref<3072xf32, #tpu.memory_space<vmem>>
    %dma_wait3A_444 = tpu.memref_slice %arg3[%add3A_357] : memref<786432xf32, #tpu.memory_space<hbm>> -> memref<3072xf32, #tpu.memory_space<hbm>>
    tpu.wait_dma2 semaphore(%arg10 : memref<!tpu.dma_semaphore, #tpu.memory_space<semaphore_mem>>) src(%dma_wait3A_444 : memref<3072xf32, #tpu.memory_space<hbm>>) dst(%dma_wait3A_443 : memref<3072xf32, #tpu.memory_space<vmem>>)
    %scan3A_445 = arith.constant 0 : i32
    %scan3A_446 = arith.constant 192 : i32
    %scan3A_447 = arith.addi %scan3A_445, %scan3A_446 : i32
    %scan3A_448 = arith.constant 1 : i32
    %scan3A_449:16 = scf.for %scan3A_574 = %scan3A_445 to %scan3A_447 step %scan3A_448 iter_args(%scan3A_575 = %scan3A_393#0, %scan3A_576 = %scan3A_393#1, %scan3A_577 = %scan3A_393#2, %scan3A_578 = %scan3A_393#3, %scan3A_579 = %scan3A_393#4, %scan3A_580 = %scan3A_393#5, %scan3A_581 = %scan3A_393#6, %scan3A_582 = %scan3A_393#7, %scan3A_583 = %scan3A_393#8, %scan3A_584 = %scan3A_393#9, %scan3A_585 = %scan3A_393#10, %scan3A_586 = %scan3A_393#11, %scan3A_587 = %scan3A_393#12, %scan3A_588 = %scan3A_393#13, %scan3A_589 = %scan3A_393#14, %scan3A_590 = %scan3A_393#15) -> (vector<16xf32>, vector<16xf32>, vector<16xf32>, vector<16xf32>, vector<16xf32>, vector<16xf32>, vector<16xf32>, vector<16xf32>, vector<16xf32>, vector<16xf32>, vector<16xf32>, vector<16xf32>, vector<16xf32>, vector<16xf32>, vector<16xf32>, vector<16xf32>)  : i32 {
      %mul3A_591 = arith.constant 16 : i32
      %mul3A_592 = arith.muli %scan3A_574, %mul3A_591 : i32
      %get3A = arith.constant 0 : i32
      %get3A_593 = arith.index_cast %get3A : i32 to index
      %get3A_594 = arith.index_cast %mul3A_592 : i32 to index
      %get3A_595 = tpu.vector_load %arg6[%get3A_593, %get3A_594] {strides = array<i32>} : memref<2x3072xf32, #tpu.memory_space<vmem>>, vector<1x16xf32>,
      %get3A_596 = vector.shape_cast %get3A_595 : vector<1x16xf32> to vector<16xf32>
      %mul3A_597 = arith.constant 16 : i32
      %mul3A_598 = arith.muli %scan3A_574, %mul3A_597 : i32
      %get3A_599 = arith.constant 0 : i32
      %get3A_600 = arith.constant 0 : i32
      %get3A_601 = arith.index_cast %get3A_599 : i32 to index
      %get3A_602 = arith.index_cast %get3A_600 : i32 to index
      %get3A_603 = arith.index_cast %mul3A_598 : i32 to index
      %get3A_604 = tpu.vector_load %arg5[%get3A_601, %get3A_602, %get3A_603] {strides = array<i32>} : memref<2x16x3072xf32, #tpu.memory_space<vmem>>, vector<1x1x16xf32>,
      %get3A_605 = vector.shape_cast %get3A_604 : vector<1x1x16xf32> to vector<16xf32>
      %mul3A_606 = arith.mulf %get3A_605, %get3A_596 : vector<16xf32>
      %add3A_607 = arith.addf %scan3A_575, %mul3A_606 : vector<16xf32>
      %mul3A_608 = arith.constant 16 : i32
      %mul3A_609 = arith.muli %scan3A_574, %mul3A_608 : i32
      %get3A_610 = arith.constant 0 : i32
      %get3A_611 = arith.constant 1 : i32
      %get3A_612 = arith.index_cast %get3A_610 : i32 to index
      %get3A_613 = arith.index_cast %get3A_611 : i32 to index
      %get3A_614 = arith.index_cast %mul3A_609 : i32 to index
      %get3A_615 = tpu.vector_load %arg5[%get3A_612, %get3A_613, %get3A_614] {strides = array<i32>} : memref<2x16x3072xf32, #tpu.memory_space<vmem>>, vector<1x1x16xf32>,
      %get3A_616 = vector.shape_cast %get3A_615 : vector<1x1x16xf32> to vector<16xf32>
      %mul3A_617 = arith.mulf %get3A_616, %get3A_596 : vector<16xf32>
      %add3A_618 = arith.addf %scan3A_576, %mul3A_617 : vector<16xf32>
      %mul3A_619 = arith.constant 16 : i32
      %mul3A_620 = arith.muli %scan3A_574, %mul3A_619 : i32
      %get3A_621 = arith.constant 0 : i32
      %get3A_622 = arith.constant 2 : i32
      %get3A_623 = arith.index_cast %get3A_621 : i32 to index
      %get3A_624 = arith.index_cast %get3A_622 : i32 to index
      %get3A_625 = arith.index_cast %mul3A_620 : i32 to index
      %get3A_626 = tpu.vector_load %arg5[%get3A_623, %get3A_624, %get3A_625] {strides = array<i32>} : memref<2x16x3072xf32, #tpu.memory_space<vmem>>, vector<1x1x16xf32>,
      %get3A_627 = vector.shape_cast %get3A_626 : vector<1x1x16xf32> to vector<16xf32>
      %mul3A_628 = arith.mulf %get3A_627, %get3A_596 : vector<16xf32>
      %add3A_629 = arith.addf %scan3A_577, %mul3A_628 : vector<16xf32>
      %mul3A_630 = arith.constant 16 : i32
      %mul3A_631 = arith.muli %scan3A_574, %mul3A_630 : i32
      %get3A_632 = arith.constant 0 : i32
      %get3A_633 = arith.constant 3 : i32
      %get3A_634 = arith.index_cast %get3A_632 : i32 to index
      %get3A_635 = arith.index_cast %get3A_633 : i32 to index
      %get3A_636 = arith.index_cast %mul3A_631 : i32 to index
      %get3A_637 = tpu.vector_load %arg5[%get3A_634, %get3A_635, %get3A_636] {strides = array<i32>} : memref<2x16x3072xf32, #tpu.memory_space<vmem>>, vector<1x1x16xf32>,
      %get3A_638 = vector.shape_cast %get3A_637 : vector<1x1x16xf32> to vector<16xf32>
      %mul3A_639 = arith.mulf %get3A_638, %get3A_596 : vector<16xf32>
      %add3A_640 = arith.addf %scan3A_578, %mul3A_639 : vector<16xf32>
      %mul3A_641 = arith.constant 16 : i32
      %mul3A_642 = arith.muli %scan3A_574, %mul3A_641 : i32
      %get3A_643 = arith.constant 0 : i32
      %get3A_644 = arith.constant 4 : i32
      %get3A_645 = arith.index_cast %get3A_643 : i32 to index
      %get3A_646 = arith.index_cast %get3A_644 : i32 to index
      %get3A_647 = arith.index_cast %mul3A_642 : i32 to index
      %get3A_648 = tpu.vector_load %arg5[%get3A_645, %get3A_646, %get3A_647] {strides = array<i32>} : memref<2x16x3072xf32, #tpu.memory_space<vmem>>, vector<1x1x16xf32>,
      %get3A_649 = vector.shape_cast %get3A_648 : vector<1x1x16xf32> to vector<16xf32>
      %mul3A_650 = arith.mulf %get3A_649, %get3A_596 : vector<16xf32>
      %add3A_651 = arith.addf %scan3A_579, %mul3A_650 : vector<16xf32>
      %mul3A_652 = arith.constant 16 : i32
      %mul3A_653 = arith.muli %scan3A_574, %mul3A_652 : i32
      %get3A_654 = arith.constant 0 : i32
      %get3A_655 = arith.constant 5 : i32
      %get3A_656 = arith.index_cast %get3A_654 : i32 to index
      %get3A_657 = arith.index_cast %get3A_655 : i32 to index
      %get3A_658 = arith.index_cast %mul3A_653 : i32 to index
      %get3A_659 = tpu.vector_load %arg5[%get3A_656, %get3A_657, %get3A_658] {strides = array<i32>} : memref<2x16x3072xf32, #tpu.memory_space<vmem>>, vector<1x1x16xf32>,
      %get3A_660 = vector.shape_cast %get3A_659 : vector<1x1x16xf32> to vector<16xf32>
      %mul3A_661 = arith.mulf %get3A_660, %get3A_596 : vector<16xf32>
      %add3A_662 = arith.addf %scan3A_580, %mul3A_661 : vector<16xf32>
      %mul3A_663 = arith.constant 16 : i32
      %mul3A_664 = arith.muli %scan3A_574, %mul3A_663 : i32
      %get3A_665 = arith.constant 0 : i32
      %get3A_666 = arith.constant 6 : i32
      %get3A_667 = arith.index_cast %get3A_665 : i32 to index
      %get3A_668 = arith.index_cast %get3A_666 : i32 to index
      %get3A_669 = arith.index_cast %mul3A_664 : i32 to index
      %get3A_670 = tpu.vector_load %arg5[%get3A_667, %get3A_668, %get3A_669] {strides = array<i32>} : memref<2x16x3072xf32, #tpu.memory_space<vmem>>, vector<1x1x16xf32>,
      %get3A_671 = vector.shape_cast %get3A_670 : vector<1x1x16xf32> to vector<16xf32>
      %mul3A_672 = arith.mulf %get3A_671, %get3A_596 : vector<16xf32>
      %add3A_673 = arith.addf %scan3A_581, %mul3A_672 : vector<16xf32>
      %mul3A_674 = arith.constant 16 : i32
      %mul3A_675 = arith.muli %scan3A_574, %mul3A_674 : i32
      %get3A_676 = arith.constant 0 : i32
      %get3A_677 = arith.constant 7 : i32
      %get3A_678 = arith.index_cast %get3A_676 : i32 to index
      %get3A_679 = arith.index_cast %get3A_677 : i32 to index
      %get3A_680 = arith.index_cast %mul3A_675 : i32 to index
      %get3A_681 = tpu.vector_load %arg5[%get3A_678, %get3A_679, %get3A_680] {strides = array<i32>} : memref<2x16x3072xf32, #tpu.memory_space<vmem>>, vector<1x1x16xf32>,
      %get3A_682 = vector.shape_cast %get3A_681 : vector<1x1x16xf32> to vector<16xf32>
      %mul3A_683 = arith.mulf %get3A_682, %get3A_596 : vector<16xf32>
      %add3A_684 = arith.addf %scan3A_582, %mul3A_683 : vector<16xf32>
      %mul3A_685 = arith.constant 16 : i32
      %mul3A_686 = arith.muli %scan3A_574, %mul3A_685 : i32
      %get3A_687 = arith.constant 0 : i32
      %get3A_688 = arith.constant 8 : i32
      %get3A_689 = arith.index_cast %get3A_687 : i32 to index
      %get3A_690 = arith.index_cast %get3A_688 : i32 to index
      %get3A_691 = arith.index_cast %mul3A_686 : i32 to index
      %get3A_692 = tpu.vector_load %arg5[%get3A_689, %get3A_690, %get3A_691] {strides = array<i32>} : memref<2x16x3072xf32, #tpu.memory_space<vmem>>, vector<1x1x16xf32>,
      %get3A_693 = vector.shape_cast %get3A_692 : vector<1x1x16xf32> to vector<16xf32>
      %mul3A_694 = arith.mulf %get3A_693, %get3A_596 : vector<16xf32>
      %add3A_695 = arith.addf %scan3A_583, %mul3A_694 : vector<16xf32>
      %mul3A_696 = arith.constant 16 : i32
      %mul3A_697 = arith.muli %scan3A_574, %mul3A_696 : i32
      %get3A_698 = arith.constant 0 : i32
      %get3A_699 = arith.constant 9 : i32
      %get3A_700 = arith.index_cast %get3A_698 : i32 to index
      %get3A_701 = arith.index_cast %get3A_699 : i32 to index
      %get3A_702 = arith.index_cast %mul3A_697 : i32 to index
      %get3A_703 = tpu.vector_load %arg5[%get3A_700, %get3A_701, %get3A_702] {strides = array<i32>} : memref<2x16x3072xf32, #tpu.memory_space<vmem>>, vector<1x1x16xf32>,
      %get3A_704 = vector.shape_cast %get3A_703 : vector<1x1x16xf32> to vector<16xf32>
      %mul3A_705 = arith.mulf %get3A_704, %get3A_596 : vector<16xf32>
      %add3A_706 = arith.addf %scan3A_584, %mul3A_705 : vector<16xf32>
      %mul3A_707 = arith.constant 16 : i32
      %mul3A_708 = arith.muli %scan3A_574, %mul3A_707 : i32
      %get3A_709 = arith.constant 0 : i32
      %get3A_710 = arith.constant 10 : i32
      %get3A_711 = arith.index_cast %get3A_709 : i32 to index
      %get3A_712 = arith.index_cast %get3A_710 : i32 to index
      %get3A_713 = arith.index_cast %mul3A_708 : i32 to index
      %get3A_714 = tpu.vector_load %arg5[%get3A_711, %get3A_712, %get3A_713] {strides = array<i32>} : memref<2x16x3072xf32, #tpu.memory_space<vmem>>, vector<1x1x16xf32>,
      %get3A_715 = vector.shape_cast %get3A_714 : vector<1x1x16xf32> to vector<16xf32>
      %mul3A_716 = arith.mulf %get3A_715, %get3A_596 : vector<16xf32>
      %add3A_717 = arith.addf %scan3A_585, %mul3A_716 : vector<16xf32>
      %mul3A_718 = arith.constant 16 : i32
      %mul3A_719 = arith.muli %scan3A_574, %mul3A_718 : i32
      %get3A_720 = arith.constant 0 : i32
      %get3A_721 = arith.constant 11 : i32
      %get3A_722 = arith.index_cast %get3A_720 : i32 to index
      %get3A_723 = arith.index_cast %get3A_721 : i32 to index
      %get3A_724 = arith.index_cast %mul3A_719 : i32 to index
      %get3A_725 = tpu.vector_load %arg5[%get3A_722, %get3A_723, %get3A_724] {strides = array<i32>} : memref<2x16x3072xf32, #tpu.memory_space<vmem>>, vector<1x1x16xf32>,
      %get3A_726 = vector.shape_cast %get3A_725 : vector<1x1x16xf32> to vector<16xf32>
      %mul3A_727 = arith.mulf %get3A_726, %get3A_596 : vector<16xf32>
      %add3A_728 = arith.addf %scan3A_586, %mul3A_727 : vector<16xf32>
      %mul3A_729 = arith.constant 16 : i32
      %mul3A_730 = arith.muli %scan3A_574, %mul3A_729 : i32
      %get3A_731 = arith.constant 0 : i32
      %get3A_732 = arith.constant 12 : i32
      %get3A_733 = arith.index_cast %get3A_731 : i32 to index
      %get3A_734 = arith.index_cast %get3A_732 : i32 to index
      %get3A_735 = arith.index_cast %mul3A_730 : i32 to index
      %get3A_736 = tpu.vector_load %arg5[%get3A_733, %get3A_734, %get3A_735] {strides = array<i32>} : memref<2x16x3072xf32, #tpu.memory_space<vmem>>, vector<1x1x16xf32>,
      %get3A_737 = vector.shape_cast %get3A_736 : vector<1x1x16xf32> to vector<16xf32>
      %mul3A_738 = arith.mulf %get3A_737, %get3A_596 : vector<16xf32>
      %add3A_739 = arith.addf %scan3A_587, %mul3A_738 : vector<16xf32>
      %mul3A_740 = arith.constant 16 : i32
      %mul3A_741 = arith.muli %scan3A_574, %mul3A_740 : i32
      %get3A_742 = arith.constant 0 : i32
      %get3A_743 = arith.constant 13 : i32
      %get3A_744 = arith.index_cast %get3A_742 : i32 to index
      %get3A_745 = arith.index_cast %get3A_743 : i32 to index
      %get3A_746 = arith.index_cast %mul3A_741 : i32 to index
      %get3A_747 = tpu.vector_load %arg5[%get3A_744, %get3A_745, %get3A_746] {strides = array<i32>} : memref<2x16x3072xf32, #tpu.memory_space<vmem>>, vector<1x1x16xf32>,
      %get3A_748 = vector.shape_cast %get3A_747 : vector<1x1x16xf32> to vector<16xf32>
      %mul3A_749 = arith.mulf %get3A_748, %get3A_596 : vector<16xf32>
      %add3A_750 = arith.addf %scan3A_588, %mul3A_749 : vector<16xf32>
      %mul3A_751 = arith.constant 16 : i32
      %mul3A_752 = arith.muli %scan3A_574, %mul3A_751 : i32
      %get3A_753 = arith.constant 0 : i32
      %get3A_754 = arith.constant 14 : i32
      %get3A_755 = arith.index_cast %get3A_753 : i32 to index
      %get3A_756 = arith.index_cast %get3A_754 : i32 to index
      %get3A_757 = arith.index_cast %mul3A_752 : i32 to index
      %get3A_758 = tpu.vector_load %arg5[%get3A_755, %get3A_756, %get3A_757] {strides = array<i32>} : memref<2x16x3072xf32, #tpu.memory_space<vmem>>, vector<1x1x16xf32>,
      %get3A_759 = vector.shape_cast %get3A_758 : vector<1x1x16xf32> to vector<16xf32>
      %mul3A_760 = arith.mulf %get3A_759, %get3A_596 : vector<16xf32>
      %add3A_761 = arith.addf %scan3A_589, %mul3A_760 : vector<16xf32>
      %mul3A_762 = arith.constant 16 : i32
      %mul3A_763 = arith.muli %scan3A_574, %mul3A_762 : i32
      %get3A_764 = arith.constant 0 : i32
      %get3A_765 = arith.constant 15 : i32
      %get3A_766 = arith.index_cast %get3A_764 : i32 to index
      %get3A_767 = arith.index_cast %get3A_765 : i32 to index
      %get3A_768 = arith.index_cast %mul3A_763 : i32 to index
      %get3A_769 = tpu.vector_load %arg5[%get3A_766, %get3A_767, %get3A_768] {strides = array<i32>} : memref<2x16x3072xf32, #tpu.memory_space<vmem>>, vector<1x1x16xf32>,
      %get3A_770 = vector.shape_cast %get3A_769 : vector<1x1x16xf32> to vector<16xf32>
      %mul3A_771 = arith.mulf %get3A_770, %get3A_596 : vector<16xf32>
      %add3A_772 = arith.addf %scan3A_590, %mul3A_771 : vector<16xf32>
      scf.yield %add3A_607, %add3A_618, %add3A_629, %add3A_640, %add3A_651, %add3A_662, %add3A_673, %add3A_684, %add3A_695, %add3A_706, %add3A_717, %add3A_728, %add3A_739, %add3A_750, %add3A_761, %add3A_772 : vector<16xf32>, vector<16xf32>, vector<16xf32>, vector<16xf32>, vector<16xf32>, vector<16xf32>, vector<16xf32>, vector<16xf32>, vector<16xf32>, vector<16xf32>, vector<16xf32>, vector<16xf32>, vector<16xf32>, vector<16xf32>, vector<16xf32>, vector<16xf32>
    }
    %scan3A_450 = arith.constant 192 : i32
    %dma_wait3A_451 = arith.constant 1 : i32
    %dma_wait3A_452 = arith.constant 0 : i32
    %dma_wait3A_453 = arith.constant 0 : i32
    %dma_wait3A_454 = tpu.memref_slice %arg5[%dma_wait3A_451, %dma_wait3A_452, %dma_wait3A_453] : memref<2x16x3072xf32, #tpu.memory_space<vmem>> -> memref<1x16x3072xf32, #tpu.memory_space<vmem>>
    %dma_wait3A_455 = tpu.memref_squeeze %dma_wait3A_454 : memref<1x16x3072xf32, #tpu.memory_space<vmem>> -> memref<16x3072xf32, #tpu.memory_space<vmem>>
    %dma_wait3A_456 = arith.constant 0 : i32
    %dma_wait3A_457 = tpu.memref_slice %arg2[%dma_wait3A_456, %add3A_398] : memref<16x1572864xf32, #tpu.memory_space<hbm>> -> memref<16x3072xf32, #tpu.memory_space<hbm>>
    %dma_wait3A_458 = arith.constant 0 : i32
    %dma_wait3A_459 = arith.constant 0 : i32
    %dma_wait3A_460 = tpu.memref_slice %arg5[%dma_wait3A_451, %dma_wait3A_458, %dma_wait3A_459] : memref<2x16x3072xf32, #tpu.memory_space<vmem>> -> memref<1x16x3072xf32, #tpu.memory_space<vmem>>
    %dma_wait3A_461 = tpu.memref_squeeze %dma_wait3A_460 : memref<1x16x3072xf32, #tpu.memory_space<vmem>> -> memref<16x3072xf32, #tpu.memory_space<vmem>>
    %dma_wait3A_462 = arith.constant 0 : i32
    %dma_wait3A_463 = tpu.memref_slice %arg2[%dma_wait3A_462, %add3A_398] : memref<16x1572864xf32, #tpu.memory_space<hbm>> -> memref<16x3072xf32, #tpu.memory_space<hbm>>
    tpu.wait_dma2 semaphore(%arg9 : memref<!tpu.dma_semaphore, #tpu.memory_space<semaphore_mem>>) src(%dma_wait3A_463 : memref<16x3072xf32, #tpu.memory_space<hbm>>) dst(%dma_wait3A_461 : memref<16x3072xf32, #tpu.memory_space<vmem>>)
    %dma_wait3A_464 = arith.constant 1 : i32
    %dma_wait3A_465 = arith.constant 0 : i32
    %dma_wait3A_466 = tpu.memref_slice %arg6[%dma_wait3A_464, %dma_wait3A_465] : memref<2x3072xf32, #tpu.memory_space<vmem>> -> memref<1x3072xf32, #tpu.memory_space<vmem>>
    %dma_wait3A_467 = tpu.memref_squeeze %dma_wait3A_466 : memref<1x3072xf32, #tpu.memory_space<vmem>> -> memref<3072xf32, #tpu.memory_space<vmem>>
    %dma_wait3A_468 = tpu.memref_slice %arg3[%add3A_413] : memref<786432xf32, #tpu.memory_space<hbm>> -> memref<3072xf32, #tpu.memory_space<hbm>>
    %dma_wait3A_469 = arith.constant 0 : i32
    %dma_wait3A_470 = tpu.memref_slice %arg6[%dma_wait3A_464, %dma_wait3A_469] : memref<2x3072xf32, #tpu.memory_space<vmem>> -> memref<1x3072xf32, #tpu.memory_space<vmem>>
    %dma_wait3A_471 = tpu.memref_squeeze %dma_wait3A_470 : memref<1x3072xf32, #tpu.memory_space<vmem>> -> memref<3072xf32, #tpu.memory_space<vmem>>
    %dma_wait3A_472 = tpu.memref_slice %arg3[%add3A_413] : memref<786432xf32, #tpu.memory_space<hbm>> -> memref<3072xf32, #tpu.memory_space<hbm>>
    tpu.wait_dma2 semaphore(%arg11 : memref<!tpu.dma_semaphore, #tpu.memory_space<semaphore_mem>>) src(%dma_wait3A_472 : memref<3072xf32, #tpu.memory_space<hbm>>) dst(%dma_wait3A_471 : memref<3072xf32, #tpu.memory_space<vmem>>)
    %scan3A_473 = arith.constant 0 : i32
    %scan3A_474 = arith.constant 192 : i32
    %scan3A_475 = arith.addi %scan3A_473, %scan3A_474 : i32
    %scan3A_476 = arith.constant 1 : i32
    %scan3A_477:16 = scf.for %scan3A_574 = %scan3A_473 to %scan3A_475 step %scan3A_476 iter_args(%scan3A_575 = %scan3A_449#0, %scan3A_576 = %scan3A_449#1, %scan3A_577 = %scan3A_449#2, %scan3A_578 = %scan3A_449#3, %scan3A_579 = %scan3A_449#4, %scan3A_580 = %scan3A_449#5, %scan3A_581 = %scan3A_449#6, %scan3A_582 = %scan3A_449#7, %scan3A_583 = %scan3A_449#8, %scan3A_584 = %scan3A_449#9, %scan3A_585 = %scan3A_449#10, %scan3A_586 = %scan3A_449#11, %scan3A_587 = %scan3A_449#12, %scan3A_588 = %scan3A_449#13, %scan3A_589 = %scan3A_449#14, %scan3A_590 = %scan3A_449#15) -> (vector<16xf32>, vector<16xf32>, vector<16xf32>, vector<16xf32>, vector<16xf32>, vector<16xf32>, vector<16xf32>, vector<16xf32>, vector<16xf32>, vector<16xf32>, vector<16xf32>, vector<16xf32>, vector<16xf32>, vector<16xf32>, vector<16xf32>, vector<16xf32>)  : i32 {
      %mul3A_591 = arith.constant 16 : i32
      %mul3A_592 = arith.muli %scan3A_574, %mul3A_591 : i32
      %get3A = arith.constant 1 : i32
      %get3A_593 = arith.index_cast %get3A : i32 to index
      %get3A_594 = arith.index_cast %mul3A_592 : i32 to index
      %get3A_595 = tpu.vector_load %arg6[%get3A_593, %get3A_594] {strides = array<i32>} : memref<2x3072xf32, #tpu.memory_space<vmem>>, vector<1x16xf32>,
      %get3A_596 = vector.shape_cast %get3A_595 : vector<1x16xf32> to vector<16xf32>
      %mul3A_597 = arith.constant 16 : i32
      %mul3A_598 = arith.muli %scan3A_574, %mul3A_597 : i32
      %get3A_599 = arith.constant 1 : i32
      %get3A_600 = arith.constant 0 : i32
      %get3A_601 = arith.index_cast %get3A_599 : i32 to index
      %get3A_602 = arith.index_cast %get3A_600 : i32 to index
      %get3A_603 = arith.index_cast %mul3A_598 : i32 to index
      %get3A_604 = tpu.vector_load %arg5[%get3A_601, %get3A_602, %get3A_603] {strides = array<i32>} : memref<2x16x3072xf32, #tpu.memory_space<vmem>>, vector<1x1x16xf32>,
      %get3A_605 = vector.shape_cast %get3A_604 : vector<1x1x16xf32> to vector<16xf32>
      %mul3A_606 = arith.mulf %get3A_605, %get3A_596 : vector<16xf32>
      %add3A_607 = arith.addf %scan3A_575, %mul3A_606 : vector<16xf32>
      %mul3A_608 = arith.constant 16 : i32
      %mul3A_609 = arith.muli %scan3A_574, %mul3A_608 : i32
      %get3A_610 = arith.constant 1 : i32
      %get3A_611 = arith.constant 1 : i32
      %get3A_612 = arith.index_cast %get3A_610 : i32 to index
      %get3A_613 = arith.index_cast %get3A_611 : i32 to index
      %get3A_614 = arith.index_cast %mul3A_609 : i32 to index
      %get3A_615 = tpu.vector_load %arg5[%get3A_612, %get3A_613, %get3A_614] {strides = array<i32>} : memref<2x16x3072xf32, #tpu.memory_space<vmem>>, vector<1x1x16xf32>,
      %get3A_616 = vector.shape_cast %get3A_615 : vector<1x1x16xf32> to vector<16xf32>
      %mul3A_617 = arith.mulf %get3A_616, %get3A_596 : vector<16xf32>
      %add3A_618 = arith.addf %scan3A_576, %mul3A_617 : vector<16xf32>
      %mul3A_619 = arith.constant 16 : i32
      %mul3A_620 = arith.muli %scan3A_574, %mul3A_619 : i32
      %get3A_621 = arith.constant 1 : i32
      %get3A_622 = arith.constant 2 : i32
      %get3A_623 = arith.index_cast %get3A_621 : i32 to index
      %get3A_624 = arith.index_cast %get3A_622 : i32 to index
      %get3A_625 = arith.index_cast %mul3A_620 : i32 to index
      %get3A_626 = tpu.vector_load %arg5[%get3A_623, %get3A_624, %get3A_625] {strides = array<i32>} : memref<2x16x3072xf32, #tpu.memory_space<vmem>>, vector<1x1x16xf32>,
      %get3A_627 = vector.shape_cast %get3A_626 : vector<1x1x16xf32> to vector<16xf32>
      %mul3A_628 = arith.mulf %get3A_627, %get3A_596 : vector<16xf32>
      %add3A_629 = arith.addf %scan3A_577, %mul3A_628 : vector<16xf32>
      %mul3A_630 = arith.constant 16 : i32
      %mul3A_631 = arith.muli %scan3A_574, %mul3A_630 : i32
      %get3A_632 = arith.constant 1 : i32
      %get3A_633 = arith.constant 3 : i32
      %get3A_634 = arith.index_cast %get3A_632 : i32 to index
      %get3A_635 = arith.index_cast %get3A_633 : i32 to index
      %get3A_636 = arith.index_cast %mul3A_631 : i32 to index
      %get3A_637 = tpu.vector_load %arg5[%get3A_634, %get3A_635, %get3A_636] {strides = array<i32>} : memref<2x16x3072xf32, #tpu.memory_space<vmem>>, vector<1x1x16xf32>,
      %get3A_638 = vector.shape_cast %get3A_637 : vector<1x1x16xf32> to vector<16xf32>
      %mul3A_639 = arith.mulf %get3A_638, %get3A_596 : vector<16xf32>
      %add3A_640 = arith.addf %scan3A_578, %mul3A_639 : vector<16xf32>
      %mul3A_641 = arith.constant 16 : i32
      %mul3A_642 = arith.muli %scan3A_574, %mul3A_641 : i32
      %get3A_643 = arith.constant 1 : i32
      %get3A_644 = arith.constant 4 : i32
      %get3A_645 = arith.index_cast %get3A_643 : i32 to index
      %get3A_646 = arith.index_cast %get3A_644 : i32 to index
      %get3A_647 = arith.index_cast %mul3A_642 : i32 to index
      %get3A_648 = tpu.vector_load %arg5[%get3A_645, %get3A_646, %get3A_647] {strides = array<i32>} : memref<2x16x3072xf32, #tpu.memory_space<vmem>>, vector<1x1x16xf32>,
      %get3A_649 = vector.shape_cast %get3A_648 : vector<1x1x16xf32> to vector<16xf32>
      %mul3A_650 = arith.mulf %get3A_649, %get3A_596 : vector<16xf32>
      %add3A_651 = arith.addf %scan3A_579, %mul3A_650 : vector<16xf32>
      %mul3A_652 = arith.constant 16 : i32
      %mul3A_653 = arith.muli %scan3A_574, %mul3A_652 : i32
      %get3A_654 = arith.constant 1 : i32
      %get3A_655 = arith.constant 5 : i32
      %get3A_656 = arith.index_cast %get3A_654 : i32 to index
      %get3A_657 = arith.index_cast %get3A_655 : i32 to index
      %get3A_658 = arith.index_cast %mul3A_653 : i32 to index
      %get3A_659 = tpu.vector_load %arg5[%get3A_656, %get3A_657, %get3A_658] {strides = array<i32>} : memref<2x16x3072xf32, #tpu.memory_space<vmem>>, vector<1x1x16xf32>,
      %get3A_660 = vector.shape_cast %get3A_659 : vector<1x1x16xf32> to vector<16xf32>
      %mul3A_661 = arith.mulf %get3A_660, %get3A_596 : vector<16xf32>
      %add3A_662 = arith.addf %scan3A_580, %mul3A_661 : vector<16xf32>
      %mul3A_663 = arith.constant 16 : i32
      %mul3A_664 = arith.muli %scan3A_574, %mul3A_663 : i32
      %get3A_665 = arith.constant 1 : i32
      %get3A_666 = arith.constant 6 : i32
      %get3A_667 = arith.index_cast %get3A_665 : i32 to index
      %get3A_668 = arith.index_cast %get3A_666 : i32 to index
      %get3A_669 = arith.index_cast %mul3A_664 : i32 to index
      %get3A_670 = tpu.vector_load %arg5[%get3A_667, %get3A_668, %get3A_669] {strides = array<i32>} : memref<2x16x3072xf32, #tpu.memory_space<vmem>>, vector<1x1x16xf32>,
      %get3A_671 = vector.shape_cast %get3A_670 : vector<1x1x16xf32> to vector<16xf32>
      %mul3A_672 = arith.mulf %get3A_671, %get3A_596 : vector<16xf32>
      %add3A_673 = arith.addf %scan3A_581, %mul3A_672 : vector<16xf32>
      %mul3A_674 = arith.constant 16 : i32
      %mul3A_675 = arith.muli %scan3A_574, %mul3A_674 : i32
      %get3A_676 = arith.constant 1 : i32
      %get3A_677 = arith.constant 7 : i32
      %get3A_678 = arith.index_cast %get3A_676 : i32 to index
      %get3A_679 = arith.index_cast %get3A_677 : i32 to index
      %get3A_680 = arith.index_cast %mul3A_675 : i32 to index
      %get3A_681 = tpu.vector_load %arg5[%get3A_678, %get3A_679, %get3A_680] {strides = array<i32>} : memref<2x16x3072xf32, #tpu.memory_space<vmem>>, vector<1x1x16xf32>,
      %get3A_682 = vector.shape_cast %get3A_681 : vector<1x1x16xf32> to vector<16xf32>
      %mul3A_683 = arith.mulf %get3A_682, %get3A_596 : vector<16xf32>
      %add3A_684 = arith.addf %scan3A_582, %mul3A_683 : vector<16xf32>
      %mul3A_685 = arith.constant 16 : i32
      %mul3A_686 = arith.muli %scan3A_574, %mul3A_685 : i32
      %get3A_687 = arith.constant 1 : i32
      %get3A_688 = arith.constant 8 : i32
      %get3A_689 = arith.index_cast %get3A_687 : i32 to index
      %get3A_690 = arith.index_cast %get3A_688 : i32 to index
      %get3A_691 = arith.index_cast %mul3A_686 : i32 to index
      %get3A_692 = tpu.vector_load %arg5[%get3A_689, %get3A_690, %get3A_691] {strides = array<i32>} : memref<2x16x3072xf32, #tpu.memory_space<vmem>>, vector<1x1x16xf32>,
      %get3A_693 = vector.shape_cast %get3A_692 : vector<1x1x16xf32> to vector<16xf32>
      %mul3A_694 = arith.mulf %get3A_693, %get3A_596 : vector<16xf32>
      %add3A_695 = arith.addf %scan3A_583, %mul3A_694 : vector<16xf32>
      %mul3A_696 = arith.constant 16 : i32
      %mul3A_697 = arith.muli %scan3A_574, %mul3A_696 : i32
      %get3A_698 = arith.constant 1 : i32
      %get3A_699 = arith.constant 9 : i32
      %get3A_700 = arith.index_cast %get3A_698 : i32 to index
      %get3A_701 = arith.index_cast %get3A_699 : i32 to index
      %get3A_702 = arith.index_cast %mul3A_697 : i32 to index
      %get3A_703 = tpu.vector_load %arg5[%get3A_700, %get3A_701, %get3A_702] {strides = array<i32>} : memref<2x16x3072xf32, #tpu.memory_space<vmem>>, vector<1x1x16xf32>,
      %get3A_704 = vector.shape_cast %get3A_703 : vector<1x1x16xf32> to vector<16xf32>
      %mul3A_705 = arith.mulf %get3A_704, %get3A_596 : vector<16xf32>
      %add3A_706 = arith.addf %scan3A_584, %mul3A_705 : vector<16xf32>
      %mul3A_707 = arith.constant 16 : i32
      %mul3A_708 = arith.muli %scan3A_574, %mul3A_707 : i32
      %get3A_709 = arith.constant 1 : i32
      %get3A_710 = arith.constant 10 : i32
      %get3A_711 = arith.index_cast %get3A_709 : i32 to index
      %get3A_712 = arith.index_cast %get3A_710 : i32 to index
      %get3A_713 = arith.index_cast %mul3A_708 : i32 to index
      %get3A_714 = tpu.vector_load %arg5[%get3A_711, %get3A_712, %get3A_713] {strides = array<i32>} : memref<2x16x3072xf32, #tpu.memory_space<vmem>>, vector<1x1x16xf32>,
      %get3A_715 = vector.shape_cast %get3A_714 : vector<1x1x16xf32> to vector<16xf32>
      %mul3A_716 = arith.mulf %get3A_715, %get3A_596 : vector<16xf32>
      %add3A_717 = arith.addf %scan3A_585, %mul3A_716 : vector<16xf32>
      %mul3A_718 = arith.constant 16 : i32
      %mul3A_719 = arith.muli %scan3A_574, %mul3A_718 : i32
      %get3A_720 = arith.constant 1 : i32
      %get3A_721 = arith.constant 11 : i32
      %get3A_722 = arith.index_cast %get3A_720 : i32 to index
      %get3A_723 = arith.index_cast %get3A_721 : i32 to index
      %get3A_724 = arith.index_cast %mul3A_719 : i32 to index
      %get3A_725 = tpu.vector_load %arg5[%get3A_722, %get3A_723, %get3A_724] {strides = array<i32>} : memref<2x16x3072xf32, #tpu.memory_space<vmem>>, vector<1x1x16xf32>,
      %get3A_726 = vector.shape_cast %get3A_725 : vector<1x1x16xf32> to vector<16xf32>
      %mul3A_727 = arith.mulf %get3A_726, %get3A_596 : vector<16xf32>
      %add3A_728 = arith.addf %scan3A_586, %mul3A_727 : vector<16xf32>
      %mul3A_729 = arith.constant 16 : i32
      %mul3A_730 = arith.muli %scan3A_574, %mul3A_729 : i32
      %get3A_731 = arith.constant 1 : i32
      %get3A_732 = arith.constant 12 : i32
      %get3A_733 = arith.index_cast %get3A_731 : i32 to index
      %get3A_734 = arith.index_cast %get3A_732 : i32 to index
      %get3A_735 = arith.index_cast %mul3A_730 : i32 to index
      %get3A_736 = tpu.vector_load %arg5[%get3A_733, %get3A_734, %get3A_735] {strides = array<i32>} : memref<2x16x3072xf32, #tpu.memory_space<vmem>>, vector<1x1x16xf32>,
      %get3A_737 = vector.shape_cast %get3A_736 : vector<1x1x16xf32> to vector<16xf32>
      %mul3A_738 = arith.mulf %get3A_737, %get3A_596 : vector<16xf32>
      %add3A_739 = arith.addf %scan3A_587, %mul3A_738 : vector<16xf32>
      %mul3A_740 = arith.constant 16 : i32
      %mul3A_741 = arith.muli %scan3A_574, %mul3A_740 : i32
      %get3A_742 = arith.constant 1 : i32
      %get3A_743 = arith.constant 13 : i32
      %get3A_744 = arith.index_cast %get3A_742 : i32 to index
      %get3A_745 = arith.index_cast %get3A_743 : i32 to index
      %get3A_746 = arith.index_cast %mul3A_741 : i32 to index
      %get3A_747 = tpu.vector_load %arg5[%get3A_744, %get3A_745, %get3A_746] {strides = array<i32>} : memref<2x16x3072xf32, #tpu.memory_space<vmem>>, vector<1x1x16xf32>,
      %get3A_748 = vector.shape_cast %get3A_747 : vector<1x1x16xf32> to vector<16xf32>
      %mul3A_749 = arith.mulf %get3A_748, %get3A_596 : vector<16xf32>
      %add3A_750 = arith.addf %scan3A_588, %mul3A_749 : vector<16xf32>
      %mul3A_751 = arith.constant 16 : i32
      %mul3A_752 = arith.muli %scan3A_574, %mul3A_751 : i32
      %get3A_753 = arith.constant 1 : i32
      %get3A_754 = arith.constant 14 : i32
      %get3A_755 = arith.index_cast %get3A_753 : i32 to index
      %get3A_756 = arith.index_cast %get3A_754 : i32 to index
      %get3A_757 = arith.index_cast %mul3A_752 : i32 to index
      %get3A_758 = tpu.vector_load %arg5[%get3A_755, %get3A_756, %get3A_757] {strides = array<i32>} : memref<2x16x3072xf32, #tpu.memory_space<vmem>>, vector<1x1x16xf32>,
      %get3A_759 = vector.shape_cast %get3A_758 : vector<1x1x16xf32> to vector<16xf32>
      %mul3A_760 = arith.mulf %get3A_759, %get3A_596 : vector<16xf32>
      %add3A_761 = arith.addf %scan3A_589, %mul3A_760 : vector<16xf32>
      %mul3A_762 = arith.constant 16 : i32
      %mul3A_763 = arith.muli %scan3A_574, %mul3A_762 : i32
      %get3A_764 = arith.constant 1 : i32
      %get3A_765 = arith.constant 15 : i32
      %get3A_766 = arith.index_cast %get3A_764 : i32 to index
      %get3A_767 = arith.index_cast %get3A_765 : i32 to index
      %get3A_768 = arith.index_cast %mul3A_763 : i32 to index
      %get3A_769 = tpu.vector_load %arg5[%get3A_766, %get3A_767, %get3A_768] {strides = array<i32>} : memref<2x16x3072xf32, #tpu.memory_space<vmem>>, vector<1x1x16xf32>,
      %get3A_770 = vector.shape_cast %get3A_769 : vector<1x1x16xf32> to vector<16xf32>
      %mul3A_771 = arith.mulf %get3A_770, %get3A_596 : vector<16xf32>
      %add3A_772 = arith.addf %scan3A_590, %mul3A_771 : vector<16xf32>
      scf.yield %add3A_607, %add3A_618, %add3A_629, %add3A_640, %add3A_651, %add3A_662, %add3A_673, %add3A_684, %add3A_695, %add3A_706, %add3A_717, %add3A_728, %add3A_739, %add3A_750, %add3A_761, %add3A_772 : vector<16xf32>, vector<16xf32>, vector<16xf32>, vector<16xf32>, vector<16xf32>, vector<16xf32>, vector<16xf32>, vector<16xf32>, vector<16xf32>, vector<16xf32>, vector<16xf32>, vector<16xf32>, vector<16xf32>, vector<16xf32>, vector<16xf32>, vector<16xf32>
    }
    %scan3A_478 = arith.constant 192 : i32
    %swap3A = arith.constant 0 : i32
    %swap3A_479 = arith.index_cast %swap3A : i32 to index
    %swap3A_480 = arith.constant 0 : index
    %swap3A_481 = tpu.vector_load %arg7[%swap3A_479, %swap3A_480] {strides = array<i32>} : memref<16x16xf32, #tpu.memory_space<vmem>>, vector<1x16xf32>,
    %swap3A_482 = vector.shape_cast %swap3A_481 : vector<1x16xf32> to vector<16xf32>
    %swap3A_483 = vector.shape_cast %scan3A_477#0 : vector<16xf32> to vector<1x16xf32>
    tpu.vector_store %arg7[%swap3A_479, %swap3A_480], %swap3A_483 {strides = array<i32>} : memref<16x16xf32, #tpu.memory_space<vmem>>, vector<1x16xf32>,
    %swap3A_484 = arith.constant 1 : i32
    %swap3A_485 = arith.index_cast %swap3A_484 : i32 to index
    %swap3A_486 = arith.constant 0 : index
    %swap3A_487 = tpu.vector_load %arg7[%swap3A_485, %swap3A_486] {strides = array<i32>} : memref<16x16xf32, #tpu.memory_space<vmem>>, vector<1x16xf32>,
    %swap3A_488 = vector.shape_cast %swap3A_487 : vector<1x16xf32> to vector<16xf32>
    %swap3A_489 = vector.shape_cast %scan3A_477#1 : vector<16xf32> to vector<1x16xf32>
    tpu.vector_store %arg7[%swap3A_485, %swap3A_486], %swap3A_489 {strides = array<i32>} : memref<16x16xf32, #tpu.memory_space<vmem>>, vector<1x16xf32>,
    %swap3A_490 = arith.constant 2 : i32
    %swap3A_491 = arith.index_cast %swap3A_490 : i32 to index
    %swap3A_492 = arith.constant 0 : index
    %swap3A_493 = tpu.vector_load %arg7[%swap3A_491, %swap3A_492] {strides = array<i32>} : memref<16x16xf32, #tpu.memory_space<vmem>>, vector<1x16xf32>,
    %swap3A_494 = vector.shape_cast %swap3A_493 : vector<1x16xf32> to vector<16xf32>
    %swap3A_495 = vector.shape_cast %scan3A_477#2 : vector<16xf32> to vector<1x16xf32>
    tpu.vector_store %arg7[%swap3A_491, %swap3A_492], %swap3A_495 {strides = array<i32>} : memref<16x16xf32, #tpu.memory_space<vmem>>, vector<1x16xf32>,
    %swap3A_496 = arith.constant 3 : i32
    %swap3A_497 = arith.index_cast %swap3A_496 : i32 to index
    %swap3A_498 = arith.constant 0 : index
    %swap3A_499 = tpu.vector_load %arg7[%swap3A_497, %swap3A_498] {strides = array<i32>} : memref<16x16xf32, #tpu.memory_space<vmem>>, vector<1x16xf32>,
    %swap3A_500 = vector.shape_cast %swap3A_499 : vector<1x16xf32> to vector<16xf32>
    %swap3A_501 = vector.shape_cast %scan3A_477#3 : vector<16xf32> to vector<1x16xf32>
    tpu.vector_store %arg7[%swap3A_497, %swap3A_498], %swap3A_501 {strides = array<i32>} : memref<16x16xf32, #tpu.memory_space<vmem>>, vector<1x16xf32>,
    %swap3A_502 = arith.constant 4 : i32
    %swap3A_503 = arith.index_cast %swap3A_502 : i32 to index
    %swap3A_504 = arith.constant 0 : index
    %swap3A_505 = tpu.vector_load %arg7[%swap3A_503, %swap3A_504] {strides = array<i32>} : memref<16x16xf32, #tpu.memory_space<vmem>>, vector<1x16xf32>,
    %swap3A_506 = vector.shape_cast %swap3A_505 : vector<1x16xf32> to vector<16xf32>
    %swap3A_507 = vector.shape_cast %scan3A_477#4 : vector<16xf32> to vector<1x16xf32>
    tpu.vector_store %arg7[%swap3A_503, %swap3A_504], %swap3A_507 {strides = array<i32>} : memref<16x16xf32, #tpu.memory_space<vmem>>, vector<1x16xf32>,
    %swap3A_508 = arith.constant 5 : i32
    %swap3A_509 = arith.index_cast %swap3A_508 : i32 to index
    %swap3A_510 = arith.constant 0 : index
    %swap3A_511 = tpu.vector_load %arg7[%swap3A_509, %swap3A_510] {strides = array<i32>} : memref<16x16xf32, #tpu.memory_space<vmem>>, vector<1x16xf32>,
    %swap3A_512 = vector.shape_cast %swap3A_511 : vector<1x16xf32> to vector<16xf32>
    %swap3A_513 = vector.shape_cast %scan3A_477#5 : vector<16xf32> to vector<1x16xf32>
    tpu.vector_store %arg7[%swap3A_509, %swap3A_510], %swap3A_513 {strides = array<i32>} : memref<16x16xf32, #tpu.memory_space<vmem>>, vector<1x16xf32>,
    %swap3A_514 = arith.constant 6 : i32
    %swap3A_515 = arith.index_cast %swap3A_514 : i32 to index
    %swap3A_516 = arith.constant 0 : index
    %swap3A_517 = tpu.vector_load %arg7[%swap3A_515, %swap3A_516] {strides = array<i32>} : memref<16x16xf32, #tpu.memory_space<vmem>>, vector<1x16xf32>,
    %swap3A_518 = vector.shape_cast %swap3A_517 : vector<1x16xf32> to vector<16xf32>
    %swap3A_519 = vector.shape_cast %scan3A_477#6 : vector<16xf32> to vector<1x16xf32>
    tpu.vector_store %arg7[%swap3A_515, %swap3A_516], %swap3A_519 {strides = array<i32>} : memref<16x16xf32, #tpu.memory_space<vmem>>, vector<1x16xf32>,
    %swap3A_520 = arith.constant 7 : i32
    %swap3A_521 = arith.index_cast %swap3A_520 : i32 to index
    %swap3A_522 = arith.constant 0 : index
    %swap3A_523 = tpu.vector_load %arg7[%swap3A_521, %swap3A_522] {strides = array<i32>} : memref<16x16xf32, #tpu.memory_space<vmem>>, vector<1x16xf32>,
    %swap3A_524 = vector.shape_cast %swap3A_523 : vector<1x16xf32> to vector<16xf32>
    %swap3A_525 = vector.shape_cast %scan3A_477#7 : vector<16xf32> to vector<1x16xf32>
    tpu.vector_store %arg7[%swap3A_521, %swap3A_522], %swap3A_525 {strides = array<i32>} : memref<16x16xf32, #tpu.memory_space<vmem>>, vector<1x16xf32>,
    %swap3A_526 = arith.constant 8 : i32
    %swap3A_527 = arith.index_cast %swap3A_526 : i32 to index
    %swap3A_528 = arith.constant 0 : index
    %swap3A_529 = tpu.vector_load %arg7[%swap3A_527, %swap3A_528] {strides = array<i32>} : memref<16x16xf32, #tpu.memory_space<vmem>>, vector<1x16xf32>,
    %swap3A_530 = vector.shape_cast %swap3A_529 : vector<1x16xf32> to vector<16xf32>
    %swap3A_531 = vector.shape_cast %scan3A_477#8 : vector<16xf32> to vector<1x16xf32>
    tpu.vector_store %arg7[%swap3A_527, %swap3A_528], %swap3A_531 {strides = array<i32>} : memref<16x16xf32, #tpu.memory_space<vmem>>, vector<1x16xf32>,
    %swap3A_532 = arith.constant 9 : i32
    %swap3A_533 = arith.index_cast %swap3A_532 : i32 to index
    %swap3A_534 = arith.constant 0 : index
    %swap3A_535 = tpu.vector_load %arg7[%swap3A_533, %swap3A_534] {strides = array<i32>} : memref<16x16xf32, #tpu.memory_space<vmem>>, vector<1x16xf32>,
    %swap3A_536 = vector.shape_cast %swap3A_535 : vector<1x16xf32> to vector<16xf32>
    %swap3A_537 = vector.shape_cast %scan3A_477#9 : vector<16xf32> to vector<1x16xf32>
    tpu.vector_store %arg7[%swap3A_533, %swap3A_534], %swap3A_537 {strides = array<i32>} : memref<16x16xf32, #tpu.memory_space<vmem>>, vector<1x16xf32>,
    %swap3A_538 = arith.constant 10 : i32
    %swap3A_539 = arith.index_cast %swap3A_538 : i32 to index
    %swap3A_540 = arith.constant 0 : index
    %swap3A_541 = tpu.vector_load %arg7[%swap3A_539, %swap3A_540] {strides = array<i32>} : memref<16x16xf32, #tpu.memory_space<vmem>>, vector<1x16xf32>,
    %swap3A_542 = vector.shape_cast %swap3A_541 : vector<1x16xf32> to vector<16xf32>
    %swap3A_543 = vector.shape_cast %scan3A_477#10 : vector<16xf32> to vector<1x16xf32>
    tpu.vector_store %arg7[%swap3A_539, %swap3A_540], %swap3A_543 {strides = array<i32>} : memref<16x16xf32, #tpu.memory_space<vmem>>, vector<1x16xf32>,
    %swap3A_544 = arith.constant 11 : i32
    %swap3A_545 = arith.index_cast %swap3A_544 : i32 to index
    %swap3A_546 = arith.constant 0 : index
    %swap3A_547 = tpu.vector_load %arg7[%swap3A_545, %swap3A_546] {strides = array<i32>} : memref<16x16xf32, #tpu.memory_space<vmem>>, vector<1x16xf32>,
    %swap3A_548 = vector.shape_cast %swap3A_547 : vector<1x16xf32> to vector<16xf32>
    %swap3A_549 = vector.shape_cast %scan3A_477#11 : vector<16xf32> to vector<1x16xf32>
    tpu.vector_store %arg7[%swap3A_545, %swap3A_546], %swap3A_549 {strides = array<i32>} : memref<16x16xf32, #tpu.memory_space<vmem>>, vector<1x16xf32>,
    %swap3A_550 = arith.constant 12 : i32
    %swap3A_551 = arith.index_cast %swap3A_550 : i32 to index
    %swap3A_552 = arith.constant 0 : index
    %swap3A_553 = tpu.vector_load %arg7[%swap3A_551, %swap3A_552] {strides = array<i32>} : memref<16x16xf32, #tpu.memory_space<vmem>>, vector<1x16xf32>,
    %swap3A_554 = vector.shape_cast %swap3A_553 : vector<1x16xf32> to vector<16xf32>
    %swap3A_555 = vector.shape_cast %scan3A_477#12 : vector<16xf32> to vector<1x16xf32>
    tpu.vector_store %arg7[%swap3A_551, %swap3A_552], %swap3A_555 {strides = array<i32>} : memref<16x16xf32, #tpu.memory_space<vmem>>, vector<1x16xf32>,
    %swap3A_556 = arith.constant 13 : i32
    %swap3A_557 = arith.index_cast %swap3A_556 : i32 to index
    %swap3A_558 = arith.constant 0 : index
    %swap3A_559 = tpu.vector_load %arg7[%swap3A_557, %swap3A_558] {strides = array<i32>} : memref<16x16xf32, #tpu.memory_space<vmem>>, vector<1x16xf32>,
    %swap3A_560 = vector.shape_cast %swap3A_559 : vector<1x16xf32> to vector<16xf32>
    %swap3A_561 = vector.shape_cast %scan3A_477#13 : vector<16xf32> to vector<1x16xf32>
    tpu.vector_store %arg7[%swap3A_557, %swap3A_558], %swap3A_561 {strides = array<i32>} : memref<16x16xf32, #tpu.memory_space<vmem>>, vector<1x16xf32>,
    %swap3A_562 = arith.constant 14 : i32
    %swap3A_563 = arith.index_cast %swap3A_562 : i32 to index
    %swap3A_564 = arith.constant 0 : index
    %swap3A_565 = tpu.vector_load %arg7[%swap3A_563, %swap3A_564] {strides = array<i32>} : memref<16x16xf32, #tpu.memory_space<vmem>>, vector<1x16xf32>,
    %swap3A_566 = vector.shape_cast %swap3A_565 : vector<1x16xf32> to vector<16xf32>
    %swap3A_567 = vector.shape_cast %scan3A_477#14 : vector<16xf32> to vector<1x16xf32>
    tpu.vector_store %arg7[%swap3A_563, %swap3A_564], %swap3A_567 {strides = array<i32>} : memref<16x16xf32, #tpu.memory_space<vmem>>, vector<1x16xf32>,
    %swap3A_568 = arith.constant 15 : i32
    %swap3A_569 = arith.index_cast %swap3A_568 : i32 to index
    %swap3A_570 = arith.constant 0 : index
    %swap3A_571 = tpu.vector_load %arg7[%swap3A_569, %swap3A_570] {strides = array<i32>} : memref<16x16xf32, #tpu.memory_space<vmem>>, vector<1x16xf32>,
    %swap3A_572 = vector.shape_cast %swap3A_571 : vector<1x16xf32> to vector<16xf32>
    %swap3A_573 = vector.shape_cast %scan3A_477#15 : vector<16xf32> to vector<1x16xf32>
    tpu.vector_store %arg7[%swap3A_569, %swap3A_570], %swap3A_573 {strides = array<i32>} : memref<16x16xf32, #tpu.memory_space<vmem>>, vector<1x16xf32>,
    "tpu.region"() ({
      %run_scoped3A = tpu.sem_alloc : memref<!tpu.dma_semaphore, #tpu.memory_space<semaphore_mem>>
      %dma_start3A_574 = arith.constant 0 : i32
      %dma_start3A_575 = arith.constant 0 : i32
      %dma_start3A_576 = tpu.memref_slice %arg4[%add3A, %dma_start3A_574, %dma_start3A_575] : memref<32x16x16xf32, #tpu.memory_space<hbm>> -> memref<1x16x16xf32, #tpu.memory_space<hbm>>
      %dma_start3A_577 = tpu.memref_squeeze %dma_start3A_576 : memref<1x16x16xf32, #tpu.memory_space<hbm>> -> memref<16x16xf32, #tpu.memory_space<hbm>>
      %dma_start3A_578 = arith.constant 0 : i32
      %dma_start3A_579 = arith.constant 0 : i32
      %dma_start3A_580 = tpu.memref_slice %arg4[%add3A, %dma_start3A_578, %dma_start3A_579] : memref<32x16x16xf32, #tpu.memory_space<hbm>> -> memref<1x16x16xf32, #tpu.memory_space<hbm>>
      %dma_start3A_581 = tpu.memref_squeeze %dma_start3A_580 : memref<1x16x16xf32, #tpu.memory_space<hbm>> -> memref<16x16xf32, #tpu.memory_space<hbm>>
      tpu.enqueue_dma source(%arg7 : memref<16x16xf32, #tpu.memory_space<vmem>>) target(%dma_start3A_581 : memref<16x16xf32, #tpu.memory_space<hbm>>) target_semaphore(%run_scoped3A : memref<!tpu.dma_semaphore, #tpu.memory_space<semaphore_mem>>)
      %dma_wait3A_582 = arith.constant 0 : i32
      %dma_wait3A_583 = arith.constant 0 : i32
      %dma_wait3A_584 = tpu.memref_slice %arg4[%add3A, %dma_wait3A_582, %dma_wait3A_583] : memref<32x16x16xf32, #tpu.memory_space<hbm>> -> memref<1x16x16xf32, #tpu.memory_space<hbm>>
      %dma_wait3A_585 = tpu.memref_squeeze %dma_wait3A_584 : memref<1x16x16xf32, #tpu.memory_space<hbm>> -> memref<16x16xf32, #tpu.memory_space<hbm>>
      %dma_wait3A_586 = arith.constant 0 : i32
      %dma_wait3A_587 = arith.constant 0 : i32
      %dma_wait3A_588 = tpu.memref_slice %arg4[%add3A, %dma_wait3A_586, %dma_wait3A_587] : memref<32x16x16xf32, #tpu.memory_space<hbm>> -> memref<1x16x16xf32, #tpu.memory_space<hbm>>
      %dma_wait3A_589 = tpu.memref_squeeze %dma_wait3A_588 : memref<1x16x16xf32, #tpu.memory_space<hbm>> -> memref<16x16xf32, #tpu.memory_space<hbm>>
      tpu.wait_dma2 semaphore(%run_scoped3A : memref<!tpu.dma_semaphore, #tpu.memory_space<semaphore_mem>>) src(%arg7 : memref<16x16xf32, #tpu.memory_space<vmem>>) dst(%dma_wait3A_589 : memref<16x16xf32, #tpu.memory_space<hbm>>)
      tpu.yield
    }) : () -> ()
    return
  }
}

module attributes {stable_mosaic.version = 14 : i64} {
  func.func @_proj_body(%arg0: i32, %arg1: memref<256x768xf32, #tpu.memory_space<vmem>>, %arg2: memref<768x768xf32, #tpu.memory_space<vmem>>, %arg3: memref<768x768xf32, #tpu.memory_space<vmem>>, %arg4: memref<768x768xf32, #tpu.memory_space<vmem>>, %arg5: memref<768x768xf32, #tpu.memory_space<vmem>>, %arg6: memref<256x768xf32, #tpu.memory_space<vmem>>, %arg7: memref<256x768xf32, #tpu.memory_space<vmem>>, %arg8: memref<256x768xf32, #tpu.memory_space<vmem>>, %arg9: memref<256x768xf32, #tpu.memory_space<vmem>>) attributes {dimension_semantics = [#tpu.dimension_semantics<arbitrary>], iteration_bounds = array<i64: 8>, scalar_prefetch = 0 : i64, scratch_operands = 0 : i64, tpu.core_type = #tpu.core_type<tc>, window_params = [{transform_indices = @transform_0, window_bounds = array<i64: 256, 768>}, {pipeline_mode = #tpu.pipeline_mode<synchronous>, transform_indices = @transform_1, window_bounds = array<i64: 768, 768>}, {pipeline_mode = #tpu.pipeline_mode<synchronous>, transform_indices = @transform_2, window_bounds = array<i64: 768, 768>}, {pipeline_mode = #tpu.pipeline_mode<synchronous>, transform_indices = @transform_3, window_bounds = array<i64: 768, 768>}, {pipeline_mode = #tpu.pipeline_mode<synchronous>, transform_indices = @transform_4, window_bounds = array<i64: 768, 768>}, {transform_indices = @transform_5, window_bounds = array<i64: 256, 768>}, {transform_indices = @transform_6, window_bounds = array<i64: 256, 768>}, {transform_indices = @transform_7, window_bounds = array<i64: 256, 768>}, {transform_indices = @transform_8, window_bounds = array<i64: 256, 768>}]} {
    %get3A = arith.constant 0 : index
    %get3A_0 = arith.constant 0 : index
    %get3A_1 = vector.load %arg1[%get3A, %get3A_0] : memref<256x768xf32, #tpu.memory_space<vmem>>, vector<256x768xf32>
    %get3A_2 = arith.constant 0 : index
    %get3A_3 = arith.constant 0 : index
    %get3A_4 = vector.load %arg2[%get3A_2, %get3A_3] : memref<768x768xf32, #tpu.memory_space<vmem>>, vector<768x768xf32>
    %dot_general3A = arith.constant dense<0.000000e+00> : vector<256x768xf32>
    %dot_general3A_5 = tpu.matmul %get3A_1, %get3A_4, %dot_general3A {dimension_numbers = #tpu.dot_dimension_numbers<[1], [1], [0], [0], [0, 0, 1, 0], [], []>, transpose_lhs_hint = false} : vector<256x768xf32>, vector<768x768xf32>, vector<256x768xf32> -> vector<256x768xf32>
    %swap3A = arith.constant 0 : index
    %swap3A_6 = arith.constant 0 : index
    %swap3A_7 = vector.load %arg6[%swap3A, %swap3A_6] : memref<256x768xf32, #tpu.memory_space<vmem>>, vector<256x768xf32>
    tpu.vector_store %arg6[%swap3A, %swap3A_6], %dot_general3A_5 {strides = array<i32>} : memref<256x768xf32, #tpu.memory_space<vmem>>, vector<256x768xf32>,
    %get3A_8 = arith.constant 0 : index
    %get3A_9 = arith.constant 0 : index
    %get3A_10 = vector.load %arg3[%get3A_8, %get3A_9] : memref<768x768xf32, #tpu.memory_space<vmem>>, vector<768x768xf32>
    %dot_general3A_11 = arith.constant dense<0.000000e+00> : vector<256x768xf32>
    %dot_general3A_12 = tpu.matmul %get3A_1, %get3A_10, %dot_general3A_11 {dimension_numbers = #tpu.dot_dimension_numbers<[1], [1], [0], [0], [0, 0, 1, 0], [], []>, transpose_lhs_hint = false} : vector<256x768xf32>, vector<768x768xf32>, vector<256x768xf32> -> vector<256x768xf32>
    %swap3A_13 = arith.constant 0 : index
    %swap3A_14 = arith.constant 0 : index
    %swap3A_15 = vector.load %arg7[%swap3A_13, %swap3A_14] : memref<256x768xf32, #tpu.memory_space<vmem>>, vector<256x768xf32>
    tpu.vector_store %arg7[%swap3A_13, %swap3A_14], %dot_general3A_12 {strides = array<i32>} : memref<256x768xf32, #tpu.memory_space<vmem>>, vector<256x768xf32>,
    %get3A_16 = arith.constant 0 : index
    %get3A_17 = arith.constant 0 : index
    %get3A_18 = vector.load %arg4[%get3A_16, %get3A_17] : memref<768x768xf32, #tpu.memory_space<vmem>>, vector<768x768xf32>
    %dot_general3A_19 = arith.constant dense<0.000000e+00> : vector<256x768xf32>
    %dot_general3A_20 = tpu.matmul %get3A_1, %get3A_18, %dot_general3A_19 {dimension_numbers = #tpu.dot_dimension_numbers<[1], [1], [0], [0], [0, 0, 1, 0], [], []>, transpose_lhs_hint = false} : vector<256x768xf32>, vector<768x768xf32>, vector<256x768xf32> -> vector<256x768xf32>
    %swap3A_21 = arith.constant 0 : index
    %swap3A_22 = arith.constant 0 : index
    %swap3A_23 = vector.load %arg8[%swap3A_21, %swap3A_22] : memref<256x768xf32, #tpu.memory_space<vmem>>, vector<256x768xf32>
    tpu.vector_store %arg8[%swap3A_21, %swap3A_22], %dot_general3A_20 {strides = array<i32>} : memref<256x768xf32, #tpu.memory_space<vmem>>, vector<256x768xf32>,
    %get3A_24 = arith.constant 0 : index
    %get3A_25 = arith.constant 0 : index
    %get3A_26 = vector.load %arg5[%get3A_24, %get3A_25] : memref<768x768xf32, #tpu.memory_space<vmem>>, vector<768x768xf32>
    %dot_general3A_27 = arith.constant dense<0.000000e+00> : vector<256x768xf32>
    %dot_general3A_28 = tpu.matmul %get3A_1, %get3A_26, %dot_general3A_27 {dimension_numbers = #tpu.dot_dimension_numbers<[1], [1], [0], [0], [0, 0, 1, 0], [], []>, transpose_lhs_hint = false} : vector<256x768xf32>, vector<768x768xf32>, vector<256x768xf32> -> vector<256x768xf32>
    %swap3A_29 = arith.constant 0 : index
    %swap3A_30 = arith.constant 0 : index
    %swap3A_31 = vector.load %arg9[%swap3A_29, %swap3A_30] : memref<256x768xf32, #tpu.memory_space<vmem>>, vector<256x768xf32>
    tpu.vector_store %arg9[%swap3A_29, %swap3A_30], %dot_general3A_28 {strides = array<i32>} : memref<256x768xf32, #tpu.memory_space<vmem>>, vector<256x768xf32>,
    return
  }
  func.func @transform_0(%arg0: i32) -> (i32, i32) {
    %c0_i32 = arith.constant 0 : i32
    %c0_i32_0 = arith.constant 0 : i32
    return %arg0, %c0_i32 : i32, i32
  }
  func.func @transform_1(%arg0: i32) -> (i32, i32) {
    %c0_i32 = arith.constant 0 : i32
    %c0_i32_0 = arith.constant 0 : i32
    %c0_i32_1 = arith.constant 0 : i32
    return %c0_i32, %c0_i32_0 : i32, i32
  }
  func.func @transform_2(%arg0: i32) -> (i32, i32) {
    %c0_i32 = arith.constant 0 : i32
    %c0_i32_0 = arith.constant 0 : i32
    %c0_i32_1 = arith.constant 0 : i32
    return %c0_i32, %c0_i32_0 : i32, i32
  }
  func.func @transform_3(%arg0: i32) -> (i32, i32) {
    %c0_i32 = arith.constant 0 : i32
    %c0_i32_0 = arith.constant 0 : i32
    %c0_i32_1 = arith.constant 0 : i32
    return %c0_i32, %c0_i32_0 : i32, i32
  }
  func.func @transform_4(%arg0: i32) -> (i32, i32) {
    %c0_i32 = arith.constant 0 : i32
    %c0_i32_0 = arith.constant 0 : i32
    %c0_i32_1 = arith.constant 0 : i32
    return %c0_i32, %c0_i32_0 : i32, i32
  }
  func.func @transform_5(%arg0: i32) -> (i32, i32) {
    %c0_i32 = arith.constant 0 : i32
    %c0_i32_0 = arith.constant 0 : i32
    return %arg0, %c0_i32 : i32, i32
  }
  func.func @transform_6(%arg0: i32) -> (i32, i32) {
    %c0_i32 = arith.constant 0 : i32
    %c0_i32_0 = arith.constant 0 : i32
    return %arg0, %c0_i32 : i32, i32
  }
  func.func @transform_7(%arg0: i32) -> (i32, i32) {
    %c0_i32 = arith.constant 0 : i32
    %c0_i32_0 = arith.constant 0 : i32
    return %arg0, %c0_i32 : i32, i32
  }
  func.func @transform_8(%arg0: i32) -> (i32, i32) {
    %c0_i32 = arith.constant 0 : i32
    %c0_i32_0 = arith.constant 0 : i32
    return %arg0, %c0_i32 : i32, i32
  }
}

module attributes {stable_mosaic.version = 14 : i64} {
  func.func @_vmean_body(%arg0: memref<2048x768xf32, #tpu.memory_space<vmem>>, %arg1: memref<1x768xf32, #tpu.memory_space<vmem>>) attributes {dimension_semantics = [], scalar_prefetch = 0 : i64, scratch_operands = 0 : i64, tpu.core_type = #tpu.core_type<tc>} {
    %get3A = arith.constant 0 : index
    %get3A_0 = arith.constant 0 : index
    %get3A_1 = vector.load %arg0[%get3A, %get3A_0] : memref<2048x768xf32, #tpu.memory_space<vmem>>, vector<2048x768xf32>
    %reduce_sum3A = arith.constant dense<0.000000e+00> : vector<768xf32>
    %reduce_sum3A_2 = vector.multi_reduction <add>, %get3A_1, %reduce_sum3A [0] : vector<2048x768xf32> to vector<768xf32>
    %broadcast_in_dim3A = vector.shape_cast %reduce_sum3A_2 : vector<768xf32> to vector<1x768xf32>
    %div3A = arith.constant 2.048000e+03 : f32
    %div3A_3 = vector.broadcast %div3A : f32 to vector<1x768xf32>
    %div3A_4 = arith.divf %broadcast_in_dim3A, %div3A_3 : vector<1x768xf32>
    %swap3A = arith.constant 0 : index
    %swap3A_5 = arith.constant 0 : index
    %swap3A_6 = vector.load %arg1[%swap3A, %swap3A_5] : memref<1x768xf32, #tpu.memory_space<vmem>>, vector<1x768xf32>
    tpu.vector_store %arg1[%swap3A, %swap3A_5], %div3A_4 {strides = array<i32>} : memref<1x768xf32, #tpu.memory_space<vmem>>, vector<1x768xf32>,
    return
  }
}

module attributes {stable_mosaic.version = 14 : i64} {
  func.func @_tcfinal_body(%arg0: i32, %arg1: memref<8x98304xf32, #tpu.memory_space<vmem>>, %arg2: memref<16x98304xf32, #tpu.memory_space<vmem>>, %arg3: memref<1x16xf32, #tpu.memory_space<vmem>>) attributes {dimension_semantics = [#tpu.dimension_semantics<arbitrary>], iteration_bounds = array<i64: 8>, scalar_prefetch = 0 : i64, scratch_operands = 0 : i64, tpu.core_type = #tpu.core_type<tc>, window_params = [{pipeline_mode = #tpu.pipeline_mode<synchronous>, transform_indices = @transform_0, window_bounds = array<i64: 8, 98304>}, {transform_indices = @transform_1, window_bounds = array<i64: 16, 98304>}, {pipeline_mode = #tpu.pipeline_mode<synchronous>, transform_indices = @transform_2, window_bounds = array<i64: 1, 16>}]} {
    %get3A = arith.index_cast %arg0 : i32 to index
    %get3A_0 = arith.constant 0 : index
    %get3A_1 = vector.load %arg1[%get3A, %get3A_0] : memref<8x98304xf32, #tpu.memory_space<vmem>>, vector<1x98304xf32>
    %get3A_2 = arith.constant 0 : index
    %get3A_3 = arith.constant 0 : index
    %get3A_4 = vector.load %arg2[%get3A_2, %get3A_3] : memref<16x98304xf32, #tpu.memory_space<vmem>>, vector<16x98304xf32>
    %mul3A = vector.broadcast %get3A_1 : vector<1x98304xf32> to vector<16x98304xf32>
    %mul3A_5 = arith.mulf %get3A_4, %mul3A : vector<16x98304xf32>
    %reduce_sum3A = arith.constant dense<0.000000e+00> : vector<16xf32>
    %reduce_sum3A_6 = vector.multi_reduction <add>, %mul3A_5, %reduce_sum3A [1] : vector<16x98304xf32> to vector<16xf32>
    %eq3A = arith.constant 0 : i32
    %eq3A_7 = arith.cmpi eq, %arg0, %eq3A : i32
    %convert_element_type3A = arith.extui %eq3A_7 : i1 to i32
    %cond3A = arith.constant 0 : i32
    %cond3A_8 = arith.cmpi ne, %convert_element_type3A, %cond3A : i32
    scf.if %cond3A_8 {
      %broadcast_in_dim3A = arith.constant 0.000000e+00 : f32
      %broadcast_in_dim3A_14 = vector.broadcast %broadcast_in_dim3A : f32 to vector<1x16xf32>
      %swap3A_15 = arith.constant 0 : index
      %swap3A_16 = arith.constant 0 : index
      %swap3A_17 = vector.load %arg3[%swap3A_15, %swap3A_16] : memref<1x16xf32, #tpu.memory_space<vmem>>, vector<1x16xf32>
      tpu.vector_store %arg3[%swap3A_15, %swap3A_16], %broadcast_in_dim3A_14 {strides = array<i32>} : memref<1x16xf32, #tpu.memory_space<vmem>>, vector<1x16xf32>,
    } else {
    }
    %get3A_9 = arith.constant 0 : index
    %get3A_10 = arith.constant 0 : index
    %get3A_11 = vector.load %arg3[%get3A_9, %get3A_10] : memref<1x16xf32, #tpu.memory_space<vmem>>, vector<1x16xf32>
    %reshape3A = vector.shape_cast %reduce_sum3A_6 : vector<16xf32> to vector<1x16xf32>
    %add3A = arith.addf %get3A_11, %reshape3A : vector<1x16xf32>
    %swap3A = arith.constant 0 : index
    %swap3A_12 = arith.constant 0 : index
    %swap3A_13 = vector.load %arg3[%swap3A, %swap3A_12] : memref<1x16xf32, #tpu.memory_space<vmem>>, vector<1x16xf32>
    tpu.vector_store %arg3[%swap3A, %swap3A_12], %add3A {strides = array<i32>} : memref<1x16xf32, #tpu.memory_space<vmem>>, vector<1x16xf32>,
    return
  }
  func.func @transform_0(%arg0: i32) -> (i32, i32) {
    %c0_i32 = arith.constant 0 : i32
    %c0_i32_0 = arith.constant 0 : i32
    %c0_i32_1 = arith.constant 0 : i32
    return %c0_i32, %c0_i32_0 : i32, i32
  }
  func.func @transform_1(%arg0: i32) -> (i32, i32) {
    %c0_i32 = arith.constant 0 : i32
    %c0_i32_0 = arith.constant 0 : i32
    return %c0_i32, %arg0 : i32, i32
  }
  func.func @transform_2(%arg0: i32) -> (i32, i32) {
    %c0_i32 = arith.constant 0 : i32
    %c0_i32_0 = arith.constant 0 : i32
    %c0_i32_1 = arith.constant 0 : i32
    return %c0_i32, %c0_i32_0 : i32, i32
  }
}

module attributes {stable_mosaic.version = 14 : i64} {
  func.func @_attn_body(%arg0: i32, %arg1: memref<256x768xf32, #tpu.memory_space<vmem>>, %arg2: memref<2048x768xf32, #tpu.memory_space<vmem>>, %arg3: memref<2048x768xf32, #tpu.memory_space<vmem>>, %arg4: memref<256x2048xi8, #tpu.memory_space<vmem>>, %arg5: memref<1x1x256xf32, #tpu.memory_space<vmem>>, %arg6: memref<256x768xf32, #tpu.memory_space<vmem>>) attributes {dimension_semantics = [#tpu.dimension_semantics<arbitrary>], iteration_bounds = array<i64: 8>, scalar_prefetch = 0 : i64, scratch_operands = 0 : i64, tpu.core_type = #tpu.core_type<tc>, window_params = [{transform_indices = @transform_0, window_bounds = array<i64: 256, 768>}, {pipeline_mode = #tpu.pipeline_mode<synchronous>, transform_indices = @transform_1, window_bounds = array<i64: 2048, 768>}, {pipeline_mode = #tpu.pipeline_mode<synchronous>, transform_indices = @transform_2, window_bounds = array<i64: 2048, 768>}, {transform_indices = @transform_3, window_bounds = array<i64: 256, 2048>}, {transform_indices = @transform_4, window_bounds = array<i64: 1, 1, 256>}, {transform_indices = @transform_5, window_bounds = array<i64: 256, 768>}]} {
    %get3A = arith.constant 0 : index
    %get3A_0 = arith.constant 0 : index
    %get3A_1 = vector.load %arg1[%get3A, %get3A_0] : memref<256x768xf32, #tpu.memory_space<vmem>>, vector<256x768xf32>
    %get3A_2 = arith.constant 0 : index
    %get3A_3 = arith.constant 0 : index
    %get3A_4 = vector.load %arg2[%get3A_2, %get3A_3] : memref<2048x768xf32, #tpu.memory_space<vmem>>, vector<2048x768xf32>
    %dot_general3A = arith.constant dense<0.000000e+00> : vector<256x2048xf32>
    %dot_general3A_5 = tpu.matmul %get3A_1, %get3A_4, %dot_general3A {dimension_numbers = #tpu.dot_dimension_numbers<[1], [1], [0], [0], [0, 0, 1, 0], [], []>, transpose_lhs_hint = false} : vector<256x768xf32>, vector<2048x768xf32>, vector<256x2048xf32> -> vector<256x2048xf32>
    %get3A_6 = arith.constant 0 : index
    %get3A_7 = arith.constant 0 : index
    %get3A_8 = vector.load %arg4[%get3A_6, %get3A_7] : memref<256x2048xi8, #tpu.memory_space<vmem>>, vector<256x2048xi8>
    %convert_element_type3A = arith.uitofp %get3A_8 : vector<256x2048xi8> to vector<256x2048xf32>
    %gt3A = arith.constant 0.000000e+00 : f32
    %gt3A_9 = vector.broadcast %gt3A : f32 to vector<256x2048xf32>
    %gt3A_10 = arith.cmpf ogt, %convert_element_type3A, %gt3A_9 : vector<256x2048xf32>
    %jit3A = arith.constant 0xFF800000 : f32
    %broadcast_in_dim3A = vector.broadcast %jit3A : f32 to vector<256x2048xf32>
    %select_n3A = arith.select %gt3A_10, %dot_general3A_5, %broadcast_in_dim3A : vector<256x2048xi1>, vector<256x2048xf32>
    %reduce_max3A = arith.constant dense<0xFF800000> : vector<256xf32>
    %reduce_max3A_11 = vector.multi_reduction <maximumf>, %select_n3A, %reduce_max3A [1] : vector<256x2048xf32> to vector<256xf32>
    %mul3A = arith.mulf %dot_general3A_5, %convert_element_type3A : vector<256x2048xf32>
    %reduce_sum3A = arith.constant dense<0.000000e+00> : vector<256xf32>
    %reduce_sum3A_12 = vector.multi_reduction <add>, %mul3A, %reduce_sum3A [1] : vector<256x2048xf32> to vector<256xf32>
    %mul3A_13 = arith.constant 4.8828125E-4 : f32
    %mul3A_14 = vector.broadcast %mul3A_13 : f32 to vector<256xf32>
    %mul3A_15 = arith.mulf %reduce_sum3A_12, %mul3A_14 : vector<256xf32>
    %sub3A = arith.subf %reduce_max3A_11, %mul3A_15 : vector<256xf32>
    %reshape3A = vector.shape_cast %sub3A : vector<256xf32> to vector<1x1x256xf32>
    %swap3A = arith.constant 0 : index
    %swap3A_16 = arith.constant 0 : index
    %swap3A_17 = arith.constant 0 : index
    %swap3A_18 = vector.load %arg5[%swap3A, %swap3A_16, %swap3A_17] : memref<1x1x256xf32, #tpu.memory_space<vmem>>, vector<1x1x256xf32>
    tpu.vector_store %arg5[%swap3A, %swap3A_16, %swap3A_17], %reshape3A {strides = array<i32>} : memref<1x1x256xf32, #tpu.memory_space<vmem>>, vector<1x1x256xf32>,
    %mul3A_19 = arith.constant 0.0360843912 : f32
    %mul3A_20 = vector.broadcast %mul3A_19 : f32 to vector<256x2048xf32>
    %mul3A_21 = arith.mulf %dot_general3A_5, %mul3A_20 : vector<256x2048xf32>
    %reduce_max3A_22 = arith.constant dense<0xFF800000> : vector<256xf32>
    %reduce_max3A_23 = vector.multi_reduction <maximumf>, %mul3A_21, %reduce_max3A_22 [1] : vector<256x2048xf32> to vector<256xf32>
    %broadcast_in_dim3A_24 = vector.shape_cast %reduce_max3A_23 : vector<256xf32> to vector<256x1xf32>
    %sub3A_25 = vector.broadcast %broadcast_in_dim3A_24 : vector<256x1xf32> to vector<256x2048xf32>
    %sub3A_26 = arith.subf %mul3A_21, %sub3A_25 : vector<256x2048xf32>
    %exp3A = math.exp %sub3A_26 : vector<256x2048xf32>
    %reduce_sum3A_27 = arith.constant dense<0.000000e+00> : vector<256xf32>
    %reduce_sum3A_28 = vector.multi_reduction <add>, %exp3A, %reduce_sum3A_27 [1] : vector<256x2048xf32> to vector<256xf32>
    %broadcast_in_dim3A_29 = vector.shape_cast %reduce_sum3A_28 : vector<256xf32> to vector<256x1xf32>
    %div3A = vector.broadcast %broadcast_in_dim3A_29 : vector<256x1xf32> to vector<256x2048xf32>
    %div3A_30 = arith.divf %exp3A, %div3A : vector<256x2048xf32>
    %get3A_31 = arith.constant 0 : index
    %get3A_32 = arith.constant 0 : index
    %get3A_33 = vector.load %arg3[%get3A_31, %get3A_32] : memref<2048x768xf32, #tpu.memory_space<vmem>>, vector<2048x768xf32>
    %dot_general3A_34 = arith.constant dense<0.000000e+00> : vector<256x768xf32>
    %dot_general3A_35 = tpu.matmul %div3A_30, %get3A_33, %dot_general3A_34 {dimension_numbers = #tpu.dot_dimension_numbers<[1], [0], [0], [1], [0, 0, 1, 1], [], []>, transpose_lhs_hint = false} : vector<256x2048xf32>, vector<2048x768xf32>, vector<256x768xf32> -> vector<256x768xf32>
    %swap3A_36 = arith.constant 0 : index
    %swap3A_37 = arith.constant 0 : index
    %swap3A_38 = vector.load %arg6[%swap3A_36, %swap3A_37] : memref<256x768xf32, #tpu.memory_space<vmem>>, vector<256x768xf32>
    tpu.vector_store %arg6[%swap3A_36, %swap3A_37], %dot_general3A_35 {strides = array<i32>} : memref<256x768xf32, #tpu.memory_space<vmem>>, vector<256x768xf32>,
    return
  }
  func.func @transform_0(%arg0: i32) -> (i32, i32) {
    %c0_i32 = arith.constant 0 : i32
    %c0_i32_0 = arith.constant 0 : i32
    return %arg0, %c0_i32 : i32, i32
  }
  func.func @transform_1(%arg0: i32) -> (i32, i32) {
    %c0_i32 = arith.constant 0 : i32
    %c0_i32_0 = arith.constant 0 : i32
    %c0_i32_1 = arith.constant 0 : i32
    return %c0_i32, %c0_i32_0 : i32, i32
  }
  func.func @transform_2(%arg0: i32) -> (i32, i32) {
    %c0_i32 = arith.constant 0 : i32
    %c0_i32_0 = arith.constant 0 : i32
    %c0_i32_1 = arith.constant 0 : i32
    return %c0_i32, %c0_i32_0 : i32, i32
  }
  func.func @transform_3(%arg0: i32) -> (i32, i32) {
    %c0_i32 = arith.constant 0 : i32
    %c0_i32_0 = arith.constant 0 : i32
    return %arg0, %c0_i32 : i32, i32
  }
  func.func @transform_4(%arg0: i32) -> (i32, i32, i32) {
    %c0_i32 = arith.constant 0 : i32
    %c0_i32_0 = arith.constant 0 : i32
    %c0_i32_1 = arith.constant 0 : i32
    return %arg0, %c0_i32, %c0_i32_0 : i32, i32, i32
  }
  func.func @transform_5(%arg0: i32) -> (i32, i32) {
    %c0_i32 = arith.constant 0 : i32
    %c0_i32_0 = arith.constant 0 : i32
    return %arg0, %c0_i32 : i32, i32
  }
}

module attributes {stable_mosaic.version = 14 : i64} {
  func.func @_sel_body(%arg0: memref<16x128xf32, #tpu.memory_space<vmem>>, %arg1: memref<128x128xf32, #tpu.memory_space<vmem>>, %arg2: memref<16x16xf32, #tpu.memory_space<vmem>>, %arg3: memref<1x160xi32, #tpu.memory_space<vmem>>) attributes {dimension_semantics = [], scalar_prefetch = 0 : i64, scratch_operands = 0 : i64, tpu.core_type = #tpu.core_type<tc>} {
    %get3A = arith.constant 0 : index
    %get3A_0 = arith.constant 0 : index
    %get3A_1 = vector.load %arg0[%get3A, %get3A_0] : memref<16x128xf32, #tpu.memory_space<vmem>>, vector<16x128xf32>
    %bitcast_convert_type3A = tpu.bitcast %get3A_1 : vector<16x128xf32> -> vector<16x128xi32>
    %lt3A = arith.constant 0 : i32
    %lt3A_2 = vector.broadcast %lt3A : i32 to vector<16x128xi32>
    %lt3A_3 = arith.cmpi slt, %bitcast_convert_type3A, %lt3A_2 : vector<16x128xi32>
    %xor3A = arith.constant 2147483647 : i32
    %xor3A_4 = vector.broadcast %xor3A : i32 to vector<16x128xi32>
    %xor3A_5 = arith.xori %bitcast_convert_type3A, %xor3A_4 : vector<16x128xi32>
    %select_n3A = arith.select %lt3A_3, %xor3A_5, %bitcast_convert_type3A : vector<16x128xi1>, vector<16x128xi32>
    %iota3A = tpu.iota {dimensions = array<i32: 0>} : vector<16x128xi32>
    %iota3A_6 = tpu.iota {dimensions = array<i32: 1>} : vector<16x128xi32>
    %mul3A = arith.constant 128 : i32
    %mul3A_7 = vector.broadcast %mul3A : i32 to vector<16x128xi32>
    %mul3A_8 = arith.muli %iota3A, %mul3A_7 : vector<16x128xi32>
    %add3A = arith.addi %mul3A_8, %iota3A_6 : vector<16x128xi32>
    %scan3A = arith.constant -2147483648 : i32
    %scan3A_9 = arith.constant 0 : i32
    %scan3A_10 = arith.constant 32 : i32
    %scan3A_11 = arith.addi %scan3A_9, %scan3A_10 : i32
    %scan3A_12 = arith.constant 1 : i32
    %scan3A_13 = scf.for %scan3A_68 = %scan3A_9 to %scan3A_11 step %scan3A_12 iter_args(%scan3A_69 = %scan3A) -> (i32)  : i32 {
      %sub3A_70 = arith.constant 31 : i32
      %sub3A_71 = arith.subi %sub3A_70, %scan3A_68 : i32
      %shift_left3A = arith.constant 1 : i32
      %shift_left3A_72 = arith.shli %shift_left3A, %sub3A_71 : i32
      %add3A_73 = arith.addi %scan3A_69, %shift_left3A_72 : i32
      %ge3A = vector.broadcast %add3A_73 : i32 to vector<16x128xi32>
      %ge3A_74 = arith.cmpi sge, %select_n3A, %ge3A : vector<16x128xi32>
      %convert_element_type3A_75 = arith.extui %ge3A_74 : vector<16x128xi1> to vector<16x128xi32>
      %reduce_sum3A_76 = vector.shape_cast %convert_element_type3A_75 : vector<16x128xi32> to vector<1x16x128xi32>
      %reduce_sum3A_77 = arith.constant dense<0> : vector<1xi32>
      %reduce_sum3A_78 = vector.multi_reduction <add>, %reduce_sum3A_76, %reduce_sum3A_77 [1, 2] : vector<1x16x128xi32> to vector<1xi32>
      %reduce_sum3A_79 = vector.shape_cast %reduce_sum3A_78 : vector<1xi32> to vector<1x1x1xi32>
      %reduce_sum3A_80 = vector.extract %reduce_sum3A_79[0, 0, 0] : i32 from vector<1x1x1xi32>
      %ge3A_81 = arith.constant 160 : i32
      %ge3A_82 = arith.cmpi sge, %reduce_sum3A_80, %ge3A_81 : i32
      %select_n3A_83 = arith.select %ge3A_82, %add3A_73, %scan3A_69 : i32
      scf.yield %select_n3A_83 : i32
    }
    %scan3A_14 = arith.constant 32 : i32
    %gt3A = vector.broadcast %scan3A_13 : i32 to vector<16x128xi32>
    %gt3A_15 = arith.cmpi sgt, %select_n3A, %gt3A : vector<16x128xi32>
    %eq3A = vector.broadcast %scan3A_13 : i32 to vector<16x128xi32>
    %eq3A_16 = arith.cmpi eq, %select_n3A, %eq3A : vector<16x128xi32>
    %convert_element_type3A = arith.extui %gt3A_15 : vector<16x128xi1> to vector<16x128xi32>
    %reduce_sum3A = vector.shape_cast %convert_element_type3A : vector<16x128xi32> to vector<1x16x128xi32>
    %reduce_sum3A_17 = arith.constant dense<0> : vector<1xi32>
    %reduce_sum3A_18 = vector.multi_reduction <add>, %reduce_sum3A, %reduce_sum3A_17 [1, 2] : vector<1x16x128xi32> to vector<1xi32>
    %reduce_sum3A_19 = vector.shape_cast %reduce_sum3A_18 : vector<1xi32> to vector<1x1x1xi32>
    %reduce_sum3A_20 = vector.extract %reduce_sum3A_19[0, 0, 0] : i32 from vector<1x1x1xi32>
    %sub3A = arith.constant 160 : i32
    %sub3A_21 = arith.subi %sub3A, %reduce_sum3A_20 : i32
    %scan3A_22 = arith.constant -1 : i32
    %scan3A_23 = arith.constant 0 : i32
    %scan3A_24 = arith.constant 11 : i32
    %scan3A_25 = arith.addi %scan3A_23, %scan3A_24 : i32
    %scan3A_26 = arith.constant 1 : i32
    %scan3A_27 = scf.for %scan3A_68 = %scan3A_23 to %scan3A_25 step %scan3A_26 iter_args(%scan3A_69 = %scan3A_22) -> (i32)  : i32 {
      %sub3A_70 = arith.constant 10 : i32
      %sub3A_71 = arith.subi %sub3A_70, %scan3A_68 : i32
      %shift_left3A = arith.constant 1 : i32
      %shift_left3A_72 = arith.shli %shift_left3A, %sub3A_71 : i32
      %add3A_73 = arith.addi %scan3A_69, %shift_left3A_72 : i32
      %le3A_74 = vector.broadcast %add3A_73 : i32 to vector<16x128xi32>
      %le3A_75 = arith.cmpi sle, %add3A, %le3A_74 : vector<16x128xi32>
      %and3A_76 = arith.andi %eq3A_16, %le3A_75 : vector<16x128xi1>
      %convert_element_type3A_77 = arith.extui %and3A_76 : vector<16x128xi1> to vector<16x128xi32>
      %reduce_sum3A_78 = vector.shape_cast %convert_element_type3A_77 : vector<16x128xi32> to vector<1x16x128xi32>
      %reduce_sum3A_79 = arith.constant dense<0> : vector<1xi32>
      %reduce_sum3A_80 = vector.multi_reduction <add>, %reduce_sum3A_78, %reduce_sum3A_79 [1, 2] : vector<1x16x128xi32> to vector<1xi32>
      %reduce_sum3A_81 = vector.shape_cast %reduce_sum3A_80 : vector<1xi32> to vector<1x1x1xi32>
      %reduce_sum3A_82 = vector.extract %reduce_sum3A_81[0, 0, 0] : i32 from vector<1x1x1xi32>
      %le3A_83 = arith.cmpi sle, %reduce_sum3A_82, %sub3A_21 : i32
      %select_n3A_84 = arith.select %le3A_83, %add3A_73, %scan3A_69 : i32
      scf.yield %select_n3A_84 : i32
    }
    %scan3A_28 = arith.constant 11 : i32
    %le3A = vector.broadcast %scan3A_27 : i32 to vector<16x128xi32>
    %le3A_29 = arith.cmpi sle, %add3A, %le3A : vector<16x128xi32>
    %and3A = arith.andi %eq3A_16, %le3A_29 : vector<16x128xi1>
    %or3A = arith.ori %gt3A_15, %and3A : vector<16x128xi1>
    %convert_element_type3A_30 = arith.extui %or3A : vector<16x128xi1> to vector<16x128xi32>
    %convert_element_type3A_31 = arith.sitofp %convert_element_type3A_30 : vector<16x128xi32> to vector<16x128xf32>
    %get3A_32 = arith.constant 0 : index
    %get3A_33 = arith.constant 0 : index
    %get3A_34 = vector.load %arg1[%get3A_32, %get3A_33] : memref<128x128xf32, #tpu.memory_space<vmem>>, vector<128x128xf32>
    %dot_general3A = arith.constant dense<0.000000e+00> : vector<16x128xf32>
    %dot_general3A_35 = tpu.matmul %convert_element_type3A_31, %get3A_34, %dot_general3A {dimension_numbers = #tpu.dot_dimension_numbers<[1], [0], [0], [1], [0, 0, 1, 1], [], []>, transpose_lhs_hint = false} : vector<16x128xf32>, vector<128x128xf32>, vector<16x128xf32> -> vector<16x128xf32>
    %reduce_sum3A_36 = arith.constant dense<0.000000e+00> : vector<16xf32>
    %reduce_sum3A_37 = vector.multi_reduction <add>, %convert_element_type3A_31, %reduce_sum3A_36 [1] : vector<16x128xf32> to vector<16xf32>
    %broadcast_in_dim3A = vector.shape_cast %reduce_sum3A_37 : vector<16xf32> to vector<16x1xf32>
    %get3A_38 = arith.constant 0 : index
    %get3A_39 = arith.constant 0 : index
    %get3A_40 = vector.load %arg2[%get3A_38, %get3A_39] : memref<16x16xf32, #tpu.memory_space<vmem>>, vector<16x16xf32>
    %dot_general3A_41 = arith.constant dense<0.000000e+00> : vector<16x1xf32>
    %dot_general3A_42 = tpu.matmul %get3A_40, %broadcast_in_dim3A, %dot_general3A_41 {dimension_numbers = #tpu.dot_dimension_numbers<[1], [0], [0], [1], [0, 0, 1, 1], [], []>, transpose_lhs_hint = false} : vector<16x16xf32>, vector<16x1xf32>, vector<16x1xf32> -> vector<16x1xf32>
    %add3A_43 = vector.broadcast %dot_general3A_42 : vector<16x1xf32> to vector<16x128xf32>
    %add3A_44 = arith.addf %dot_general3A_35, %add3A_43 : vector<16x128xf32>
    %mul3A_45 = arith.mulf %add3A_44, %convert_element_type3A_31 : vector<16x128xf32>
    %iota3A_46 = tpu.iota {dimensions = array<i32: 0>} : vector<160x16x128xi32>
    %convert_element_type3A_47 = arith.sitofp %iota3A_46 : vector<160x16x128xi32> to vector<160x16x128xf32>
    %broadcast_in_dim3A_48 = vector.shape_cast %mul3A_45 : vector<16x128xf32> to vector<1x16x128xf32>
    %add3A_49 = arith.constant 1.000000e+00 : f32
    %add3A_50 = vector.broadcast %add3A_49 : f32 to vector<160x16x128xf32>
    %add3A_51 = arith.addf %convert_element_type3A_47, %add3A_50 : vector<160x16x128xf32>
    %eq3A_52 = vector.broadcast %broadcast_in_dim3A_48 : vector<1x16x128xf32> to vector<160x16x128xf32>
    %eq3A_53 = arith.cmpf oeq, %eq3A_52, %add3A_51 : vector<160x16x128xf32>
    %broadcast_in_dim3A_54 = vector.shape_cast %or3A : vector<16x128xi1> to vector<1x16x128xi1>
    %and3A_55 = vector.broadcast %broadcast_in_dim3A_54 : vector<1x16x128xi1> to vector<160x16x128xi1>
    %and3A_56 = arith.andi %eq3A_53, %and3A_55 : vector<160x16x128xi1>
    %convert_element_type3A_57 = arith.sitofp %add3A : vector<16x128xi32> to vector<16x128xf32>
    %broadcast_in_dim3A_58 = vector.shape_cast %convert_element_type3A_57 : vector<16x128xf32> to vector<1x16x128xf32>
    %jit3A = arith.constant 0.000000e+00 : f32
    %broadcast_in_dim3A_59 = vector.shape_cast %broadcast_in_dim3A_58 : vector<1x16x128xf32> to vector<1x16x128xf32>
    %broadcast_in_dim3A_60 = vector.broadcast %broadcast_in_dim3A_59 : vector<1x16x128xf32> to vector<160x16x128xf32>
    %broadcast_in_dim3A_61 = vector.broadcast %jit3A : f32 to vector<160x16x128xf32>
    %select_n3A_62 = arith.select %and3A_56, %broadcast_in_dim3A_60, %broadcast_in_dim3A_61 : vector<160x16x128xi1>, vector<160x16x128xf32>
    %reduce_sum3A_63 = arith.constant dense<0.000000e+00> : vector<160xf32>
    %reduce_sum3A_64 = vector.multi_reduction <add>, %select_n3A_62, %reduce_sum3A_63 [1, 2] : vector<160x16x128xf32> to vector<160xf32>
    %convert_element_type3A_65 = arith.fptosi %reduce_sum3A_64 : vector<160xf32> to vector<160xi32>
    %reshape3A = vector.shape_cast %convert_element_type3A_65 : vector<160xi32> to vector<1x160xi32>
    %swap3A = arith.constant 0 : index
    %swap3A_66 = arith.constant 0 : index
    %swap3A_67 = vector.load %arg3[%swap3A, %swap3A_66] : memref<1x160xi32, #tpu.memory_space<vmem>>, vector<1x160xi32>
    tpu.vector_store %arg3[%swap3A, %swap3A_66], %reshape3A {strides = array<i32>} : memref<1x160xi32, #tpu.memory_space<vmem>>, vector<1x160xi32>,
    return
  }
}

module attributes {stable_mosaic.version = 14 : i64} {
  func.func @_corr_body(%arg0: i32, %arg1: memref<160xi32, #tpu.memory_space<smem>>, %arg2: memref<16x768xf32, #tpu.memory_space<vmem>>, %arg3: memref<2048x768xf32, #tpu.memory_space<vmem>>, %arg4: memref<1x768xf32, #tpu.memory_space<vmem>>, %arg5: memref<1x16xf32, #tpu.memory_space<vmem>>) attributes {dimension_semantics = [#tpu.dimension_semantics<arbitrary>], iteration_bounds = array<i64: 160>, scalar_prefetch = 1 : i64, scratch_operands = 0 : i64, tpu.core_type = #tpu.core_type<tc>, window_params = [{transform_indices = @transform_0, window_bounds = array<i64: 16, 768>}, {pipeline_mode = #tpu.pipeline_mode<synchronous>, transform_indices = @transform_1, window_bounds = array<i64: 2048, 768>}, {pipeline_mode = #tpu.pipeline_mode<synchronous>, transform_indices = @transform_2, window_bounds = array<i64: 1, 768>}, {pipeline_mode = #tpu.pipeline_mode<synchronous>, transform_indices = @transform_3, window_bounds = array<i64: 1, 16>}]} {
    %get3A = arith.index_cast %arg0 : i32 to index
    %get3A_0 = memref.load %arg1[%get3A] : memref<160xi32, #tpu.memory_space<smem>>
    %get3A_1 = arith.index_cast %get3A_0 : i32 to index
    %get3A_2 = arith.constant 0 : index
    %get3A_3 = vector.load %arg3[%get3A_1, %get3A_2] : memref<2048x768xf32, #tpu.memory_space<vmem>>, vector<1x768xf32>
    %get3A_4 = arith.constant 0 : index
    %get3A_5 = arith.constant 0 : index
    %get3A_6 = vector.load %arg2[%get3A_4, %get3A_5] : memref<16x768xf32, #tpu.memory_space<vmem>>, vector<16x768xf32>
    %get3A_7 = arith.constant 0 : index
    %get3A_8 = arith.constant 0 : index
    %get3A_9 = vector.load %arg4[%get3A_7, %get3A_8] : memref<1x768xf32, #tpu.memory_space<vmem>>, vector<1x768xf32>
    %sub3A = arith.subf %get3A_3, %get3A_9 : vector<1x768xf32>
    %mul3A = vector.broadcast %sub3A : vector<1x768xf32> to vector<16x768xf32>
    %mul3A_10 = arith.mulf %get3A_6, %mul3A : vector<16x768xf32>
    %reduce_sum3A = arith.constant dense<0.000000e+00> : vector<16xf32>
    %reduce_sum3A_11 = vector.multi_reduction <add>, %mul3A_10, %reduce_sum3A [1] : vector<16x768xf32> to vector<16xf32>
    %eq3A = arith.constant 0 : i32
    %eq3A_12 = arith.cmpi eq, %arg0, %eq3A : i32
    %convert_element_type3A = arith.extui %eq3A_12 : i1 to i32
    %cond3A = arith.constant 0 : i32
    %cond3A_13 = arith.cmpi ne, %convert_element_type3A, %cond3A : i32
    scf.if %cond3A_13 {
      %broadcast_in_dim3A = arith.constant 0.000000e+00 : f32
      %broadcast_in_dim3A_19 = vector.broadcast %broadcast_in_dim3A : f32 to vector<1x16xf32>
      %swap3A_20 = arith.constant 0 : index
      %swap3A_21 = arith.constant 0 : index
      %swap3A_22 = vector.load %arg5[%swap3A_20, %swap3A_21] : memref<1x16xf32, #tpu.memory_space<vmem>>, vector<1x16xf32>
      tpu.vector_store %arg5[%swap3A_20, %swap3A_21], %broadcast_in_dim3A_19 {strides = array<i32>} : memref<1x16xf32, #tpu.memory_space<vmem>>, vector<1x16xf32>,
    } else {
    }
    %get3A_14 = arith.constant 0 : index
    %get3A_15 = arith.constant 0 : index
    %get3A_16 = vector.load %arg5[%get3A_14, %get3A_15] : memref<1x16xf32, #tpu.memory_space<vmem>>, vector<1x16xf32>
    %reshape3A = vector.shape_cast %reduce_sum3A_11 : vector<16xf32> to vector<1x16xf32>
    %add3A = arith.addf %get3A_16, %reshape3A : vector<1x16xf32>
    %swap3A = arith.constant 0 : index
    %swap3A_17 = arith.constant 0 : index
    %swap3A_18 = vector.load %arg5[%swap3A, %swap3A_17] : memref<1x16xf32, #tpu.memory_space<vmem>>, vector<1x16xf32>
    tpu.vector_store %arg5[%swap3A, %swap3A_17], %add3A {strides = array<i32>} : memref<1x16xf32, #tpu.memory_space<vmem>>, vector<1x16xf32>,
    return
  }
  func.func @transform_0(%arg0: i32, %arg1: memref<160xi32, #tpu.memory_space<smem>>) -> (i32, i32) {
    %get3A = arith.index_cast %arg0 : i32 to index
    %get3A_0 = memref.load %arg1[%get3A] : memref<160xi32, #tpu.memory_space<smem>>
    %c0_i32 = arith.constant 0 : i32
    %c0_i32_1 = arith.constant 0 : i32
    return %c0_i32, %get3A_0 : i32, i32
  }
  func.func @transform_1(%arg0: i32, %arg1: memref<160xi32, #tpu.memory_space<smem>>) -> (i32, i32) {
    %c0_i32 = arith.constant 0 : i32
    %c0_i32_0 = arith.constant 0 : i32
    %c0_i32_1 = arith.constant 0 : i32
    return %c0_i32, %c0_i32_0 : i32, i32
  }
  func.func @transform_2(%arg0: i32, %arg1: memref<160xi32, #tpu.memory_space<smem>>) -> (i32, i32) {
    %c0_i32 = arith.constant 0 : i32
    %c0_i32_0 = arith.constant 0 : i32
    %c0_i32_1 = arith.constant 0 : i32
    return %c0_i32, %c0_i32_0 : i32, i32
  }
  func.func @transform_3(%arg0: i32, %arg1: memref<160xi32, #tpu.memory_space<smem>>) -> (i32, i32) {
    %c0_i32 = arith.constant 0 : i32
    %c0_i32_0 = arith.constant 0 : i32
    %c0_i32_1 = arith.constant 0 : i32
    return %c0_i32, %c0_i32_0 : i32, i32
  }
}

</mosaic_0001>

<sc_bundles>
// kernel: kernel.9.cloned.1.call-start
scs
__scs_entry_jumppad:
0x0: {  	(pc) =	sbr.rel $0x88, $3  }
0x1: {  	(tag) =	ssettag $0x0;
	lr =	simm.s32 $0x1  }
0x2: {  	[smem:$0x3F99] =	sst lr;
	_ =	strace $0xD0000000  }
0x3: {  	_ = 	snop  }
0x4: {  	_ = 	snop  }
0x5: {  	_ = 	snop  }
0x6: {  	_ = 	snop  }
0x7: {  	_ = 	snop  }
__scs_overlays_trampoline_lowered:
0x8: {  	[smem:$0x3FA8] =	sst s0  }
0x9: {  	[smem:$0x3FA9] =	sst s1  }
0xa: {  	[smem:$0x3FAA] =	sst s2  }
0xb: {  	[smem:$0x3FAB] =	sst s3  }
0xc: {  	[smem:$0x3FAC] =	sst s4  }
0xd: {  	[smem:$0x3FAD] =	sst s5  }
0xe: {  	[smem:$0x3FAE] =	sst s6  }
0xf: {  	[smem:$0x3FAF] =	sst s7  }
0x10: {  	[smem:$0x3FB0] =	sst s8  }
0x11: {  	[smem:$0x3FB1] =	sst s9;
	s0 =	simm.s32 @!p0 $0x0  }
0x12: {  	s1 =	sld [smem:$0x3F97];
	s0 =	simm.s32 @p0 $0x1  }
0x13: {  	[smem:$0x3FB2] =	sst s0;
	s0 =	simm.s32 @!p1 $0x0  }
0x14: {  	s2 =	sld [smem:$0x3F96];
	s0 =	simm.s32 @p1 $0x1  }
0x15: {  	[smem:$0x3FB3] =	sst s0;
	s0 =	simm.s32 @!p2 $0x0  }
0x16: {  	s3 =	sld [smem:$0x3FDB];
	s0 =	simm.s32 @p2 $0x1  }
0x17: {  	s4 =	simm.s32 $0x1BF5;
	[smem:$0x3FB5] =	sst s0  }
0x18: {  	s0 =	sld [smem:$0x3F98];
	_ =	swait.ge [sflag:s4], $0x0  }
0x19: {  	s7 =	sld [smem:$0x3F99]  }
0x1a: {  	s8 =	sadd.s32 $0xFFFFE003, lr  }
0x1b: {  	s9 =	sadd.s32 $0xFFFFFEF7, lr;
	s5 =	simm.s32 $0xFFFFFFFF;
	p2 =	slt.u32 s8, $0xFFFFF086  }
0x1c: {  	p1 =	slt.u32 s9, $0xF7A;
	s5 =	simm.s32 @!p2 $0x0  }
0x1d: {  	s5 =	simm.s32 @p1 $0x1;
	p0 =	seq.s32 s7, s2  }
0x1e: {  	s7 =	smul.u32 @!p0 $0xF7A, s2;
	p2 =	seq.s32 @!p0 s5, $0x0  }
0x1f: {  	s9 =	smul.u32 $0xF7A, s1;
	s8 =	simm.s32 @!p0 $0x1BF5;
	p2 =	por !p2, p0  }
0x20: {  	[sflag:s8] =	ssyncset.s32 @!p0 $0xFFFFF086;
	s6 =	sadd.s32 @!p0 s3, s7;
	s7 =	simm.s32 @!p0 $0x108  }
0x21: {  	s3 =	sadd.s32 s3, s9;
	s6 =	sadd.s32 @!p0 $0x88, s6;
	s7 =	simm.s32 @p2 $0x1082  }
0x22: {  	[simem:s7], [sflag:s8] =	dma.local @!p0 [hbm:s6], $0xF7A  }
0x23: {  	s9 =	sor.u32 $0xD0000000, s2;
	s6 =	simm.s32 $0x108;
	_ =	swait.ge @!p0 [sflag:s8], $0x0  }
0x24: {  	s3 =	sadd.s32 $0x88, s3;
	s6 =	simm.s32 @!p1 $0x1082;
	[sflag:s4] =	ssyncset.s32 $0xFFFFF086  }
0x25: {  	[simem:s6], [sflag:s4] =	dma.local [hbm:s3], $0xF7A  }
0x26: {  	[smem:$0x3F99] =	sst s1;
	(tag) =	ssettag s2;
	_ =	strace s9  }
0x27: {  	s1 =	sld [smem:$0x3FA9]  }
0x28: {  	s2 =	sld [smem:$0x3FAA]  }
0x29: {  	s4 =	sld [smem:$0x3FAC]  }
0x2a: {  	p0 =	seq.s32 s5, $0x0;
	s5 =	sld [smem:$0x3FAD]  }
0x2b: {  	s6 =	sld [smem:$0x3FAE]  }
0x2c: {  	s7 =	sld [smem:$0x3FAF]  }
0x2d: {  	s3 =	simm.s32 $0x108;
	s8 =	sld [smem:$0x3FB0]  }
0x2e: {  	s3 =	simm.s32 @!p0 $0x1082;
	s9 =	sld [smem:$0x3FB1]  }
0x2f: {  	lr =	sadd.s32 s0, s3;
	s0 =	sld [smem:$0x3FA8]  }
0x30: {  	s3 =	sld [smem:$0x3FAB]  }
0x31: {  	[smem:$0x3FB4] =	sst s10  }
0x32: {  	s10 =	sld [smem:$0x3FB2];
	_ =	sdelay $0x3  }
0x33: {  	p0 =	seq.s32 s10, $0x1;
	s10 =	sld [smem:$0x3FB4];
	_ =	sdelay $0x3  }
0x34: {  	[smem:$0x3FB4] =	sst s10  }
0x35: {  	s10 =	sld [smem:$0x3FB3];
	_ =	sdelay $0x3  }
0x36: {  	p1 =	seq.s32 s10, $0x1;
	s10 =	sld [smem:$0x3FB4];
	_ =	sdelay $0x3  }
0x37: {  	[smem:$0x3FB4] =	sst s10  }
0x38: {  	s10 =	sld [smem:$0x3FB5]  }
0x39: {  	_ = 	snop;
	(pc) =	sbr.ind lr, $3  }
0x3a: {  	_ = 	snop  }
0x3b: {  	_ = 	snop  }
0x3c: {  	p2 =	seq.s32 s10, $0x1;
	s10 =	sld [smem:$0x3FB4]  }
0x3d: {  	_ =	shalt  }
0x3e: {  	_ =	shalt  }
0x3f: {  	_ =	shalt  }
0x40: {  	_ =	shalt  }
0x41: {  	_ =	shalt  }
0x42: {  	_ =	shalt  }
0x43: {  	_ =	shalt  }
0x44: {  	_ =	shalt  }
0x45: {  	_ =	shalt  }
0x46: {  	_ =	shalt  }
0x47: {  	_ =	shalt  }
0x48: {  	_ =	shalt  }
0x49: {  	_ =	shalt  }
0x4a: {  	_ =	shalt  }
0x4b: {  	_ =	shalt  }
0x4c: {  	_ =	shalt  }
0x4d: {  	_ =	shalt  }
0x4e: {  	_ =	shalt  }
0x4f: {  	_ =	shalt  }
0x50: {  	_ =	shalt  }
0x51: {  	_ =	shalt  }
0x52: {  	_ =	shalt  }
0x53: {  	_ =	shalt  }
0x54: {  	_ =	shalt  }
0x55: {  	_ =	shalt  }
0x56: {  	_ =	shalt  }
0x57: {  	_ =	shalt  }
0x58: {  	_ =	shalt  }
0x59: {  	_ =	shalt  }
0x5a: {  	_ =	shalt  }
0x5b: {  	_ =	shalt  }
0x5c: {  	_ =	shalt  }
0x5d: {  	_ =	shalt  }
0x5e: {  	_ =	shalt  }
0x5f: {  	_ =	shalt  }
0x60: {  	_ =	shalt  }
0x61: {  	_ =	shalt  }
0x62: {  	_ =	shalt  }
0x63: {  	_ =	shalt  }
0x64: {  	_ =	shalt  }
0x65: {  	_ =	shalt  }
0x66: {  	_ =	shalt  }
0x67: {  	_ =	shalt  }
0x68: {  	_ =	shalt  }
0x69: {  	_ =	shalt  }
0x6a: {  	_ =	shalt  }
0x6b: {  	_ =	shalt  }
0x6c: {  	_ =	shalt  }
0x6d: {  	_ =	shalt  }
0x6e: {  	_ =	shalt  }
0x6f: {  	_ =	shalt  }
0x70: {  	_ =	shalt  }
0x71: {  	_ =	shalt  }
0x72: {  	_ =	shalt  }
0x73: {  	_ =	shalt  }
0x74: {  	_ =	shalt  }
0x75: {  	_ =	shalt  }
0x76: {  	_ =	shalt  }
0x77: {  	_ =	shalt  }
0x78: {  	_ =	shalt  }
0x79: {  	_ =	shalt  }
0x7a: {  	_ =	shalt  }
0x7b: {  	_ =	shalt  }
0x7c: {  	_ =	shalt  }
0x7d: {  	_ =	shalt  }
0x7e: {  	_ =	shalt  }
0x7f: {  	_ =	shalt  }
0x80: {  	_ =	shalt  }
0x81: {  	_ =	shalt  }
0x82: {  	_ =	shalt  }
0x83: {  	_ =	shalt  }
0x84: {  	_ =	shalt  }
0x85: {  	_ =	shalt  }
0x86: {  	_ =	shalt  }
0x87: {  	_ =	shalt  }
.Lfunc_end0:
.L_simem_size_0:
called_computation_lowered:
.L_overlay_start_0:
0x88: {  	s2 =	sld [smem:$0x3FD9]  }
0x89: {  	s3 =	sld [smem:$0x3FFE];
	_ =	sdelay $0x1  }
0x8a: {  	s1 =	srdreg.scid  }
0x8b: {  	s0 =	sand.u32 $0x1, s1  }
0x8c: {  	s17 =	sshll.u32 s0, $0xA;
	s2 =	sadd.s32 s3, s2  }
0x8d: {  	s2 =	sadd.s32 s2, s17  }
0x8e: {  	[smem:$0x3FC0] =	sst s2  }
0x8f: {  	_ = 	snop  }
0x90: {  	s2 =	sld [smem:$0x3FC3];
	(tm) =	ssettm $0x1  }
0x91: {  	s18 =	sld [smem:$0x3FFB];
	_ =	sdelay $0x3  }
0x92: {  	_ =	strace s18  }
0x93: {  	s3 =	sld [smem:$0x3FFC];
	_ =	sdelay $0x3  }
0x94: {  	_ =	strace s3  }
0x95: {  	s3 =	sld [smem:$0x3FFD];
	_ =	sdelay $0x3  }
0x96: {  	_ =	strace s3  }
0x97: {  	_ =	strace $0x8FFFFFFF  }
0x98: {  	s19 =	sld [smem:$0x3FDB];
	_ =	sdelay $0x1  }
0x99: {  	s4 =	simm.s32 $_scs_section_size  }
0x9a: {  	s5 =	simm.s32 $_size__tile_overlayer_lowered;
	s6 =	simm.s32 $_tile_overlayer_lowered  }
0x9b: {  	s22 =	simm.s32 $0x1BFF;
	s21 =	sshll.u32 s6, $0x1;
	s3 =	sadd.s32 s4, s19  }
0x9c: {  	s7 =	simm.s32 $0x0;
	s20 =	sshll.u32 s5, $0x1;
	s5 =	sadd.s32 s21, s3  }
0x9d: {  	[timem:s7], [sflag:s22] =	dma.local [hbm:s5], s20  }
0x9e: {  	_ =	swait.ge [sflag:s22], s20  }
0x9f: {  	s4 =	ssub.s32 $0x0, s20;
	[sflag:s22] =	ssyncset.done $0x0  }
0xa0: {  	[sflag:s22] =	ssyncadd.s32 s4;
	_ =	sdelay $0x1  }
0xa1: {  	s23 =	simm.s32 $0x1B8B  }
0xa2: {  	_ =	swait.ge [sflag:s23], $0x1  }
0xa3: {  	[sflag:s23] =	ssyncset.done $0x0  }
0xa4: {  	s25 =	simm.s32 $0x1B8E;
	s24 =	sld [smem:$0x3FFE];
	[sflag:s23] =	ssyncadd.s32 $0xFFFFFFFF  }
0xa5: {  	s26 =	simm.s32 $execute0_lowered;
	[smem:$0x3FD2] =	sst s25  }
0xa6: {  	s5 =	sshll.u32 s26, $0x1;
	_ =	strace $0x80000046;
	[dreg:$0x1] =	wrdreg $0xFFFFFFFF  }
0xa7: {  	s28 =	simm.s32 $_size_execute0_lowered;
	s3 =	sadd.s32 s3, s5;
	[dreg:$0x0] =	wrdreg $0x0  }
0xa8: {  	s5 =	sshll.u32 s28, $0x1;
	[dreg:$0x2] =	wrdreg s3  }
0xa9: {  	[dreg:$0x3] =	wrdreg s5  }
0xaa: {  	[dreg:$0x4] =	wrdreg $0xC0  }
0xab: {  	_ =	task [dreg:s7], $0x5FFFF  }
0xac: {  	[dreg:$0x1] =	wrdreg $0xFFFFFFFF  }
0xad: {  	[dreg:$0x0] =	wrdreg $0x60  }
0xae: {  	[dreg:$0x2] =	wrdreg s2  }
0xaf: {  	[dreg:$0x3] =	wrdreg s24  }
0xb0: {  	[dreg:$0x4] =	wrdreg $0x9  }
0xb1: {  	_ =	task.clear_ibuf [dreg:s7], $0x5FFFF;
	_ =	strace $0x90000046  }
0xb2: {  	s29 =	simm.s32 $0x9;
	_ =	strace $0x80000048  }
0xb3: {  	_ =	swait.ge [sflag:s29], $0x1  }
0xb4: {  	[sflag:s29] =	ssyncadd.s32 $0xFFFFFFFF  }
0xb5: {  	_ =	strace $0x90000048  }
0xb6: {  	_ =	sfence  }
0xb7: {  	s30 =	sld [smem:$0x0];
	_ =	sdelay $0x2  }
0xb8: {  	s31 =	sshll.u32 s1, $0xD;
	s1 =	sshrl.u32 s1, $0x2  }
0xb9: {  	s3 =	sand.u32 $0x4000, s31;
	s1 =	sadd.s32 s1, s30  }
0xba: {  	s0 =	sor.u32 s3, s0;
	s1 =	sshll.u32 s1, $0x11  }
0xbb: {  	s0 =	sor.u32 s1, s0  }
0xbc: {  	s0 =	sadd.s32 $0x8F2B, s0  }
0xbd: {  	[sflag:s0] =	ssyncadd.remote.s32 $0x1  }
0xbe: {  	_ =	sfence.sel $0xFFFF  }
0xbf: {  	[dreg:$0x0] =	wrdreg $0xFFFFFFFF;
	(pc) =	sbr.abs _section_cstart, $3  }
0xc0: {  	[dreg:$0x1] =	wrdreg $0xFFFFFFFF  }
0xc1: {  	_ =	task.clear_ibuf [dreg:s7], $0x2FFFF;
	_ =	strace $0x9FFFFFFF  }
0xc2: {  	(tm) =	ssettm $0x7FFFFFFF  }
0xc3: {  	_ =	shalt  }
tec
execute0_lowered:
.L_overlay_start_1:
0x0: {  	(tag) =	ssettag $0x1  }
0x1: {  	s0 =	srdreg.scid  }
0x2: {  	s2 =	stileid.u32;
	s1 =	rddreg [dreg:$0x0]  }
0x3: {  	s3 =	rddreg [dreg:$0x1];
	s21 =	simm.s32 $0x6000;
	s22 =	simm.s32 $0xC00000  }
0x4: {  	s23 =	simm.s32 $0xC000;
	s24 =	simm.s32 $0x1;
	s25 =	simm.s32 $0x3  }
0x5: {  	s28 =	simm.s32 $0x4;
	s0 =	sand.u32 $0x1, s0;
	s2 =	sshll.u32 s2, $0x1  }
0x6: {  	s30 =	simm.s32 $0x5;
	s31 =	simm.s32 $0x0;
	s4 =	sor.u32 s0, s2  }
0x7: {  	s2 =	simm.s32 $0x0;
	s0 =	ssub.s32 $0x2, s0;
	s5 =	smul.u32 $0x6000, s4  }
0x8: {  	[smem:$0x7FF] =	sst s2;
	s6 =	smul.u32 $0x30000, s4;
	s7 =	sshrl.u32 s0, $0x1  }
0x9: {  	s4 =	sshll.u32 s4, $0x8;
	_ =	strace $0x80000047;
	s0 =	ssub.s32 s0, s7  }
0xa: {  	s5 =	sshrl.u32 s5, $0x3;
	s6 =	sshrl.u32 s6, $0x3;
	s20 =	smax.u32 s0, $0x1  }
0xb: {  	s5 =	sadd.s32 s5, s3;
	s1 =	sadd.s32 s1, s6;
	s3 =	sadd.s32 s4, s3  }
0xc: {  	s26 =	sadd.s32 $0xC0000, s1;
	s4 =	sadd.s32 $0x1800, s5;
	s6 =	sadd.s32 $0xC0C00, s1  }
0xd: {  	s29 =	sadd.s32 $0xC1800, s1;
	s8 =	sadd.s32 $0x1B00, s5;
	s9 =	sadd.s32 $0xC2400, s1  }
0xe: {  	s10 =	sadd.s32 $0x1C80, s5;
	s11 =	sadd.s32 $0xC3000, s1;
	s12 =	sadd.s32 $0x1E00, s5  }
0xf: {  	s13 =	sadd.s32 $0xC3C00, s1;
	s14 =	sadd.s32 $0x1F80, s5;
	s15 =	sadd.s32 $0xC4800, s1  }
0x10: {  	s16 =	sadd.s32 $0x2100, s5;
	s17 =	sadd.s32 $0xC5400, s1;
	[dreg:$0x3] =	wrdreg s26  }
0x11: {  	s18 =	sadd.s32 $0x2280, s5;
	s19 =	sadd.s32 $0x19800, s3;
	[dreg:$0x4] =	wrdreg s6  }
0x12: {  	s6 =	sadd.s32 $0x1980, s5;
	[dreg:$0x5] =	wrdreg s29;
	s26 =	simm.s32 $0x2  }
.LBB2_1:
0x13: {  	s0 =	rddreg [dreg:$0x3];
	s1 =	simm.s32 $0x10  }
0x14: {  	[tilespmem:s2], [sflag:$0x1] =	stream.strided.gather [hbm4b:s0+s21], $0xC000, s22, s21, $0x38;
	[tilespmem:$0x1A000] =	vst v63  }
0x15: {  	s5 =	sadd.s32 $0x0, s4;
	s3 =	simm.s32 $0x18100;
	s0 =	simm.s32 $0x18000  }
.LBB2_2:
0x16: {  	[tilespmem:s0], [sflag:$0x3] =	stream.linear.gather [hbm4b:s5+s2], $0x80, $0x38;
	[tilespmem:$0x1A000] =	vst v63  }
0x17: {  	s5 =	smov.u32 s1;
	s0 =	smov.u32 s3;
	p0 =	sne.s32 s1, $0x170  }
.Ltmp0:
0x18: {  	s1 =	sadd.s32 $0x10, s1;
	(pc) =	sbr.rel @p0 .LBB2_2-.Ltmp0, $2  }
0x19: {  	_ =	sdelay $0x2  }
0x1a: {  	s3 =	sadd.s32 $0x100, s3;
	s5 =	sadd.s32 s5, s4  }
0x1b: {  	[tilespmem:s0], [sflag:$0x3] =	stream.linear.gather [hbm4b:s5+s2], $0x80, $0x38;
	[tilespmem:$0x1A000] =	vst v63  }
0x1c: {  	s29 =	rddreg [dreg:$0x4];
	s0 =	simm.s32 $0x18080  }
0x1d: {  	s1 =	simm.s32 $0x10;
	s5 =	sadd.s32 $0x0, s6;
	s3 =	simm.s32 $0x18180  }
0x1e: {  	[tilespmem:s23], [sflag:$0x2] =	stream.strided.gather [hbm4b:s29+s21], $0xC000, s22, s21, $0x38;
	[tilespmem:$0x1A000] =	vst v63  }
.LBB2_4:
0x1f: {  	[tilespmem:s0], [sflag:$0x4] =	stream.linear.gather [hbm4b:s5+s2], $0x80, $0x38;
	[tilespmem:$0x1A000] =	vst v63  }
0x20: {  	s5 =	smov.u32 s1;
	s0 =	smov.u32 s3;
	p0 =	sne.s32 s1, $0x170  }
.Ltmp1:
0x21: {  	s1 =	sadd.s32 $0x10, s1;
	(pc) =	sbr.rel @p0 .LBB2_4-.Ltmp1, $2  }
0x22: {  	_ =	sdelay $0x2  }
0x23: {  	s3 =	sadd.s32 $0x100, s3;
	s5 =	sadd.s32 s5, s6  }
0x24: {  	[tilespmem:s0], [sflag:$0x4] =	stream.linear.gather [hbm4b:s5+s2], $0x80, $0x38;
	[tilespmem:$0x1A000] =	vst v63  }
0x25: {  	_ =	swait.ge [sflag:s24], $0xC000  }
0x26: {  	[sflag:s24] =	ssyncset.done $0x0  }
0x27: {  	[sflag:s24] =	ssyncadd.s32 $0xFFFF4000  }
0x28: {  	s5 =	simm.s32 $0x0;
	_ =	swait.ge [sflag:s25], $0xC00  }
0x29: {  	s3 =	sand.u32 $0x70, s5;
	s0 =	sand.u32 $0x7C00, s5;
	[sflag:s25] =	ssyncset.done $0x0  }
0x2a: {  	s7 =	sshrl.u32 s0, $0x2;
	s1 =	sor.u32 s3, s0;
	[sflag:s25] =	ssyncadd.s32 $0xFFFFF400  }
0x2b: {  	s5 =	sor.u32 s3, s7;
	v0 =	vld [tilespmem:s1+$0x6380]  }
0x2c: {  	v8 =	vld [tilespmem:s5+$0x18000]  }
0x2d: {  	v1 =	vld [tilespmem:s1+$0x0]  }
0x2e: {  	v2 =	vld [tilespmem:s1+$0x80]  }
0x2f: {  	v4 =	vld [tilespmem:s1+$0x180]  }
0x30: {  	v5 =	vld [tilespmem:s1+$0x200]  }
0x31: {  	v10 =	vld [tilespmem:s1+$0x300]  }
0x32: {  	v11 =	vld [tilespmem:s1+$0x380]  }
0x33: {  	v13 =	vld [tilespmem:s1+$0x6000]  }
0x34: {  	v9 =	vimm.f32 $0.0e+00;
	v3 =	vld [tilespmem:s1+$0x100];
	v0 =	vmul.f32 v0, v8  }
0x35: {  	v14 =	vimm.f32 $0.0e+00;
	v6 =	vld [tilespmem:s1+$0x280];
	v7 =	vmul.f32 v1, v8;
	v12 =	vmul.f32 v2, v8  }
0x36: {  	v16 =	vimm.f32 $0.0e+00;
	v4 =	vmul.f32 v4, v8;
	v5 =	vmul.f32 v5, v8  }
0x37: {  	v15 =	vimm.f32 $0.0e+00;
	v10 =	vmul.f32 v10, v8;
	v22 =	vmul.f32 v11, v8  }
0x38: {  	v18 =	vld [tilespmem:s1+$0x6080];
	v23 =	vmul.f32 v13, v8;
	v13 =	vimm.f32 $0.0e+00;
	v11 =	vimm.f32 $0.0e+00  }
0x39: {  	v17 =	vld [tilespmem:s1+$0x6100];
	v1 =	vadd.f32 v0, v9;
	v2 =	vadd.f32 v7, v9;
	v0 =	vmul.f32 v3, v8  }
0x3a: {  	v19 =	vld [tilespmem:s1+$0x6180];
	v3 =	vadd.f32 v12, v9;
	v12 =	vmul.f32 v6, v8;
	v6 =	vadd.f32 v4, v9  }
0x3b: {  	s0 =	simm.s32 $0x10;
	s7 =	simm.s32 $0x80;
	v20 =	vld [tilespmem:s1+$0x6200];
	v4 =	vadd.f32 v5, v9;
	v5 =	vadd.f32 v10, v9;
	v10 =	vimm.f32 $0.0e+00  }
0x3c: {  	s29 =	simm.s32 $0x100;
	s3 =	sand.u32 $0x70, s0;
	s5 =	sand.u32 $0x7C00, s7;
	v21 =	vld [tilespmem:s1+$0x6280];
	v7 =	vadd.f32 v0, v9;
	v0 =	vadd.f32 v12, v9;
	v12 =	vimm.f32 $0.0e+00  }
.LBB2_6:
0x3d: {  	p0 =	sne.s32 s29, $0x5F80;
	s7 =	sshrl.u32 s5, $0x2;
	v9 =	vadd.f32 v22, v9;
	v18 =	vmul.f32 v18, v8;
	v22 =	vld [tilespmem:s1+$0x6300];
	s1 =	sor.u32 s3, s5  }
0x3e: {  	s3 =	sor.u32 s3, s7;
	v24 =	vld [tilespmem:s1+$0x6380];
	v12 =	vadd.f32 v23, v12;
	v17 =	vmul.f32 v17, v8  }
0x3f: {  	v23 =	vld [tilespmem:s3+$0x18000];
	v13 =	vadd.f32 v18, v13;
	v18 =	vmul.f32 v19, v8  }
0x40: {  	v19 =	vld [tilespmem:s1+$0x0];
	v14 =	vadd.f32 v17, v14;
	v17 =	vmul.f32 v20, v8  }
0x41: {  	v20 =	vld [tilespmem:s1+$0x80];
	v11 =	vadd.f32 v18, v11;
	v18 =	vmul.f32 v21, v8  }
0x42: {  	v21 =	vld [tilespmem:s1+$0x100];
	v16 =	vadd.f32 v17, v16;
	v25 =	vmul.f32 v22, v8  }
0x43: {  	v17 =	vld [tilespmem:s1+$0x180];
	v15 =	vadd.f32 v18, v15  }
0x44: {  	v18 =	vld [tilespmem:s1+$0x200];
	v22 =	vmul.f32 v24, v23;
	v10 =	vadd.f32 v25, v10;
	v8 =	vmov v23  }
0x45: {  	v19 =	vmul.f32 v19, v8;
	v23 =	vld [tilespmem:s1+$0x280]  }
0x46: {  	v20 =	vmul.f32 v20, v8;
	v24 =	vld [tilespmem:s1+$0x300];
	v1 =	vadd.f32 v22, v1  }
0x47: {  	v2 =	vadd.f32 v19, v2;
	v19 =	vmul.f32 v21, v8;
	v21 =	vld [tilespmem:s1+$0x380]  }
0x48: {  	v3 =	vadd.f32 v20, v3;
	v17 =	vmul.f32 v17, v8;
	v25 =	vld [tilespmem:s1+$0x6000]  }
.Ltmp2:
0x49: {  	v7 =	vadd.f32 v19, v7;
	v19 =	vmul.f32 v18, v8;
	v18 =	vld [tilespmem:s1+$0x6080];
	(pc) =	sbr.rel @p0 .LBB2_6-.Ltmp2, $4  }
0x4a: {  	v6 =	vadd.f32 v17, v6;
	v20 =	vmul.f32 v23, v8;
	v17 =	vld [tilespmem:s1+$0x6100]  }
0x4b: {  	v4 =	vadd.f32 v19, v4;
	v23 =	vmul.f32 v24, v8;
	v19 =	vld [tilespmem:s1+$0x6180]  }
0x4c: {  	s0 =	sadd.s32 $0x10, s0;
	v0 =	vadd.f32 v20, v0;
	v22 =	vmul.f32 v21, v8;
	v20 =	vld [tilespmem:s1+$0x6200]  }
0x4d: {  	s5 =	sand.u32 $0x7C00, s29;
	s29 =	sadd.s32 $0x80, s29;
	s3 =	sand.u32 $0x70, s0;
	v5 =	vadd.f32 v23, v5;
	v23 =	vmul.f32 v25, v8;
	v21 =	vld [tilespmem:s1+$0x6280]  }
0x4e: {  	s29 =	sor.u32 s3, s5;
	v24 =	vld [tilespmem:s1+$0x6300]  }
0x4f: {  	v25 =	vld [tilespmem:s29+$0x6380]  }
0x50: {  	v27 =	vld [tilespmem:s29+$0x0]  }
0x51: {  	v28 =	vld [tilespmem:s29+$0x80]  }
0x52: {  	v29 =	vld [tilespmem:s29+$0x100]  }
0x53: {  	v30 =	vld [tilespmem:s29+$0x180]  }
0x54: {  	s0 =	sshrl.u32 s5, $0x2;
	v31 =	vld [tilespmem:s29+$0x200]  }
0x55: {  	s0 =	sor.u32 s3, s0;
	v32 =	vld [tilespmem:s29+$0x280]  }
0x56: {  	v26 =	vld [tilespmem:s0+$0x18000]  }
0x57: {  	v22 =	vadd.f32 v22, v9;
	v9 =	vmul.f32 v18, v8;
	v17 =	vmul.f32 v17, v8;
	v18 =	vld [tilespmem:s29+$0x300]  }
0x58: {  	v23 =	vadd.f32 v23, v12;
	v56 =	vld [tilespmem:s29+$0x380];
	v12 =	vmul.f32 v19, v8;
	v19 =	vmul.f32 v20, v8  }
0x59: {  	v58 =	vld [tilespmem:s29+$0x6080];
	v33 =	vadd.f32 v9, v13;
	v14 =	vadd.f32 v17, v14;
	v9 =	vmul.f32 v21, v8  }
0x5a: {  	v59 =	vld [tilespmem:s29+$0x6100];
	v57 =	vadd.f32 v12, v11;
	v19 =	vadd.f32 v19, v16;
	v8 =	vmul.f32 v24, v8  }
0x5b: {  	v62 =	vld [tilespmem:s29+$0x6200];
	v15 =	vadd.f32 v9, v15;
	v9 =	vmul.f32 v25, v26;
	v11 =	vmul.f32 v27, v26  }
0x5c: {  	v17 =	vld [tilespmem:s29+$0x6000];
	v60 =	vadd.f32 v8, v10;
	v10 =	vmul.f32 v28, v26;
	v12 =	vmul.f32 v29, v26  }
0x5d: {  	v61 =	vld [tilespmem:s29+$0x6180];
	v8 =	vadd.f32 v9, v1;
	v9 =	vadd.f32 v11, v2;
	v1 =	vmul.f32 v30, v26  }
0x5e: {  	v63 =	vld [tilespmem:s29+$0x6280];
	v11 =	vadd.f32 v10, v3;
	v10 =	vadd.f32 v12, v7;
	v2 =	vmul.f32 v31, v26  }
0x5f: {  	v3 =	vmul.f32 v18, v26;
	v12 =	vadd.f32 v1, v6;
	v1 =	vmul.f32 v32, v26;
	v6 =	vld [tilespmem:s29+$0x6300]  }
0x60: {  	v18 =	vmul.f32 v62, v26;
	v13 =	vadd.f32 v2, v4;
	v2 =	vmul.f32 v56, v26  }
0x61: {  	v4 =	vmul.f32 v17, v26;
	v17 =	vadd.f32 v1, v0;
	v0 =	vmul.f32 v58, v26  }
0x62: {  	v16 =	vadd.f32 v3, v5;
	v7 =	vadd.f32 v2, v22;
	v1 =	vmul.f32 v59, v26  }
0x63: {  	v2 =	vadd.f32 v4, v23;
	v4 =	vmul.f32 v61, v26;
	v0 =	vadd.f32 v0, v33  }
0x64: {  	s7 =	simm.s32 $0x0;
	s1 =	simm.s32 $0x10;
	s5 =	sadd.s32 $0x0, s8;
	v3 =	vadd.f32 v1, v14;
	v1 =	vmul.f32 v63, v26;
	v14 =	vmul.f32 v6, v26  }
0x65: {  	s3 =	simm.s32 $0x18100;
	s0 =	simm.s32 $0x18000;
	s29 =	rddreg [dreg:$0x5];
	v5 =	vadd.f32 v4, v57;
	v6 =	vadd.f32 v18, v19  }
0x66: {  	[tilespmem:s7], [sflag:$0x1] =	stream.strided.gather [hbm4b:s29+s21], $0xC000, s22, s21, $0x38;
	v4 =	vadd.f32 v1, v15;
	v1 =	vadd.f32 v14, v60;
	[tilespmem:$0x1A000] =	vst v63  }
.LBB2_8:
0x67: {  	[tilespmem:s0], [sflag:$0x3] =	stream.linear.gather [hbm4b:s5+s2], $0x80, $0x38;
	[tilespmem:$0x1A000] =	vst v63  }
0x68: {  	s5 =	smov.u32 s1;
	s0 =	smov.u32 s3;
	p0 =	sne.s32 s1, $0x170  }
.Ltmp3:
0x69: {  	s1 =	sadd.s32 $0x10, s1;
	(pc) =	sbr.rel @p0 .LBB2_8-.Ltmp3, $2  }
0x6a: {  	_ =	sdelay $0x2  }
0x6b: {  	s3 =	sadd.s32 $0x100, s3;
	s5 =	sadd.s32 s5, s8  }
0x6c: {  	[tilespmem:s0], [sflag:$0x3] =	stream.linear.gather [hbm4b:s5+s2], $0x80, $0x38;
	[tilespmem:$0x1A000] =	vst v63  }
0x6d: {  	_ =	swait.ge [sflag:s26], $0xC000  }
0x6e: {  	[sflag:s26] =	ssyncset.done $0x0  }
0x6f: {  	[sflag:s26] =	ssyncadd.s32 $0xFFFF4000  }
0x70: {  	s5 =	simm.s32 $0x0;
	_ =	swait.ge [sflag:s28], $0xC00  }
0x71: {  	s3 =	sand.u32 $0x70, s5;
	s0 =	sand.u32 $0x7C00, s5;
	[sflag:s28] =	ssyncset.done $0x0  }
0x72: {  	s7 =	sshrl.u32 s0, $0x2;
	s1 =	sor.u32 s3, s0;
	[sflag:s28] =	ssyncadd.s32 $0xFFFFF400  }
0x73: {  	s5 =	sor.u32 s3, s7;
	v14 =	vld [tilespmem:s1+$0x12380]  }
0x74: {  	v15 =	vld [tilespmem:s5+$0x18080]  }
0x75: {  	v18 =	vld [tilespmem:s1+$0xC000]  }
0x76: {  	v19 =	vld [tilespmem:s1+$0xC080]  }
0x77: {  	v20 =	vld [tilespmem:s1+$0xC100]  }
0x78: {  	v21 =	vld [tilespmem:s1+$0xC180]  }
0x79: {  	v22 =	vld [tilespmem:s1+$0xC200]  }
0x7a: {  	v23 =	vld [tilespmem:s1+$0xC280]  }
0x7b: {  	v24 =	vld [tilespmem:s1+$0xC300];
	v14 =	vmul.f32 v14, v15  }
0x7c: {  	v25 =	vld [tilespmem:s1+$0xC380];
	v18 =	vmul.f32 v18, v15  }
0x7d: {  	v26 =	vld [tilespmem:s1+$0x12000];
	v19 =	vmul.f32 v19, v15;
	v8 =	vadd.f32 v14, v8  }
0x7e: {  	v9 =	vadd.f32 v18, v9;
	v14 =	vmul.f32 v20, v15;
	v20 =	vmul.f32 v21, v15;
	v18 =	vld [tilespmem:s1+$0x12080]  }
0x7f: {  	v11 =	vadd.f32 v19, v11;
	v21 =	vmul.f32 v22, v15;
	v22 =	vmul.f32 v23, v15;
	v19 =	vld [tilespmem:s1+$0x12100]  }
0x80: {  	v23 =	vmul.f32 v24, v15;
	v12 =	vadd.f32 v20, v12;
	v20 =	vld [tilespmem:s1+$0x12180]  }
0x81: {  	s0 =	simm.s32 $0x10;
	s7 =	simm.s32 $0x80;
	v14 =	vadd.f32 v14, v10;
	v10 =	vadd.f32 v22, v17;
	v17 =	vld [tilespmem:s1+$0x12200];
	v22 =	vmul.f32 v25, v15  }
0x82: {  	s29 =	simm.s32 $0x100;
	s3 =	sand.u32 $0x70, s0;
	s5 =	sand.u32 $0x7C00, s7;
	v13 =	vadd.f32 v21, v13;
	v16 =	vadd.f32 v23, v16;
	v23 =	vmul.f32 v26, v15;
	v21 =	vld [tilespmem:s1+$0x12280]  }
.LBB2_10:
0x83: {  	p0 =	sne.s32 s29, $0x5F80;
	s7 =	sshrl.u32 s5, $0x2;
	v7 =	vadd.f32 v22, v7;
	v18 =	vmul.f32 v18, v15;
	v22 =	vld [tilespmem:s1+$0x12300];
	s1 =	sor.u32 s3, s5  }
0x84: {  	s3 =	sor.u32 s3, s7;
	v24 =	vld [tilespmem:s1+$0x12380];
	v2 =	vadd.f32 v23, v2;
	v19 =	vmul.f32 v19, v15  }
0x85: {  	v23 =	vld [tilespmem:s3+$0x18080];
	v0 =	vadd.f32 v18, v0;
	v18 =	vmul.f32 v20, v15  }
0x86: {  	v20 =	vld [tilespmem:s1+$0xC000];
	v3 =	vadd.f32 v19, v3;
	v17 =	vmul.f32 v17, v15  }
0x87: {  	v19 =	vld [tilespmem:s1+$0xC080];
	v5 =	vadd.f32 v18, v5;
	v18 =	vmul.f32 v21, v15  }
0x88: {  	v21 =	vld [tilespmem:s1+$0xC100];
	v6 =	vadd.f32 v17, v6;
	v25 =	vmul.f32 v22, v15  }
0x89: {  	v17 =	vld [tilespmem:s1+$0xC180];
	v4 =	vadd.f32 v18, v4  }
0x8a: {  	v18 =	vld [tilespmem:s1+$0xC200];
	v22 =	vmul.f32 v24, v23;
	v1 =	vadd.f32 v25, v1;
	v15 =	vmov v23  }
0x8b: {  	v20 =	vmul.f32 v20, v15;
	v23 =	vld [tilespmem:s1+$0xC280]  }
0x8c: {  	v19 =	vmul.f32 v19, v15;
	v24 =	vld [tilespmem:s1+$0xC300];
	v8 =	vadd.f32 v22, v8  }
0x8d: {  	v9 =	vadd.f32 v20, v9;
	v20 =	vmul.f32 v21, v15;
	v21 =	vld [tilespmem:s1+$0xC380]  }
0x8e: {  	v11 =	vadd.f32 v19, v11;
	v17 =	vmul.f32 v17, v15;
	v25 =	vld [tilespmem:s1+$0x12000]  }
.Ltmp4:
0x8f: {  	v14 =	vadd.f32 v20, v14;
	v20 =	vmul.f32 v18, v15;
	v18 =	vld [tilespmem:s1+$0x12080];
	(pc) =	sbr.rel @p0 .LBB2_10-.Ltmp4, $4  }
0x90: {  	v12 =	vadd.f32 v17, v12;
	v17 =	vmul.f32 v23, v15;
	v19 =	vld [tilespmem:s1+$0x12100]  }
0x91: {  	v13 =	vadd.f32 v20, v13;
	v23 =	vmul.f32 v24, v15;
	v20 =	vld [tilespmem:s1+$0x12180]  }
0x92: {  	s0 =	sadd.s32 $0x10, s0;
	v10 =	vadd.f32 v17, v10;
	v22 =	vmul.f32 v21, v15;
	v17 =	vld [tilespmem:s1+$0x12200]  }
0x93: {  	s5 =	sand.u32 $0x7C00, s29;
	s29 =	sadd.s32 $0x80, s29;
	s3 =	sand.u32 $0x70, s0;
	v16 =	vadd.f32 v23, v16;
	v23 =	vmul.f32 v25, v15;
	v21 =	vld [tilespmem:s1+$0x12280]  }
0x94: {  	s29 =	sor.u32 s3, s5;
	v24 =	vld [tilespmem:s1+$0x12300]  }
0x95: {  	v25 =	vld [tilespmem:s29+$0x12380]  }
0x96: {  	v27 =	vld [tilespmem:s29+$0xC000]  }
0x97: {  	v28 =	vld [tilespmem:s29+$0xC080]  }
0x98: {  	v29 =	vld [tilespmem:s29+$0xC100]  }
0x99: {  	v30 =	vld [tilespmem:s29+$0xC180]  }
0x9a: {  	s0 =	sshrl.u32 s5, $0x2;
	v31 =	vld [tilespmem:s29+$0xC200]  }
0x9b: {  	s0 =	sor.u32 s3, s0;
	v32 =	vld [tilespmem:s29+$0xC280]  }
0x9c: {  	v26 =	vld [tilespmem:s0+$0x18080]  }
0x9d: {  	v7 =	vadd.f32 v22, v7;
	v18 =	vmul.f32 v18, v15;
	v19 =	vmul.f32 v19, v15;
	v55 =	vld [tilespmem:s29+$0xC300]  }
0x9e: {  	v2 =	vadd.f32 v23, v2;
	v56 =	vld [tilespmem:s29+$0xC380];
	v20 =	vmul.f32 v20, v15;
	v17 =	vmul.f32 v17, v15  }
0x9f: {  	v58 =	vld [tilespmem:s29+$0x12100];
	v0 =	vadd.f32 v18, v0;
	v3 =	vadd.f32 v19, v3;
	v18 =	vmul.f32 v21, v15  }
0xa0: {  	v19 =	vld [tilespmem:s29+$0x12000];
	v5 =	vadd.f32 v20, v5;
	v6 =	vadd.f32 v17, v6;
	v15 =	vmul.f32 v24, v15  }
0xa1: {  	v60 =	vld [tilespmem:s29+$0x12180];
	v4 =	vadd.f32 v18, v4;
	v18 =	vmul.f32 v25, v26;
	v57 =	vmul.f32 v27, v26  }
0xa2: {  	v17 =	vld [tilespmem:s29+$0x12080];
	v15 =	vadd.f32 v15, v1;
	v1 =	vmul.f32 v28, v26;
	v59 =	vmul.f32 v29, v26  }
0xa3: {  	v61 =	vld [tilespmem:s29+$0x12200];
	v22 =	vmul.f32 v55, v26;
	v8 =	vadd.f32 v18, v8;
	v18 =	vmul.f32 v30, v26  }
0xa4: {  	v62 =	vld [tilespmem:s29+$0x12280];
	v9 =	vadd.f32 v57, v9;
	v11 =	vadd.f32 v1, v11;
	v1 =	vmul.f32 v31, v26  }
0xa5: {  	v63 =	vld [tilespmem:s29+$0x12300];
	v19 =	vmul.f32 v19, v26;
	v14 =	vadd.f32 v59, v14;
	v12 =	vadd.f32 v18, v12  }
0xa6: {  	v18 =	vmul.f32 v32, v26;
	v13 =	vadd.f32 v1, v13;
	v1 =	vmul.f32 v56, v26  }
0xa7: {  	v16 =	vadd.f32 v22, v16;
	v17 =	vmul.f32 v17, v26;
	v2 =	vadd.f32 v19, v2  }
0xa8: {  	v10 =	vadd.f32 v18, v10;
	v7 =	vadd.f32 v1, v7;
	v18 =	vmul.f32 v58, v26  }
0xa9: {  	v1 =	vadd.f32 v17, v0;
	v0 =	vmul.f32 v60, v26;
	v17 =	vmul.f32 v61, v26  }
0xaa: {  	s1 =	simm.s32 $0x10;
	v19 =	vmul.f32 v63, v26;
	v3 =	vadd.f32 v18, v3;
	v18 =	vmul.f32 v62, v26  }
0xab: {  	s5 =	sadd.s32 $0x0, s10;
	s3 =	simm.s32 $0x18180;
	s0 =	simm.s32 $0x18080;
	v5 =	vadd.f32 v0, v5;
	v6 =	vadd.f32 v17, v6  }
0xac: {  	[tilespmem:s23], [sflag:$0x2] =	stream.strided.gather [hbm4b:s9+s21], $0xC000, s22, s21, $0x38;
	v0 =	vadd.f32 v19, v15;
	v4 =	vadd.f32 v18, v4;
	[tilespmem:$0x1A000] =	vst v63  }
.LBB2_12:
0xad: {  	[tilespmem:s0], [sflag:$0x4] =	stream.linear.gather [hbm4b:s5+s2], $0x80, $0x38;
	[tilespmem:$0x1A000] =	vst v63  }
0xae: {  	s5 =	smov.u32 s1;
	s0 =	smov.u32 s3;
	p0 =	sne.s32 s1, $0x170  }
.Ltmp5:
0xaf: {  	s1 =	sadd.s32 $0x10, s1;
	(pc) =	sbr.rel @p0 .LBB2_12-.Ltmp5, $2  }
0xb0: {  	_ =	sdelay $0x2  }
0xb1: {  	s3 =	sadd.s32 $0x100, s3;
	s5 =	sadd.s32 s5, s10  }
0xb2: {  	[tilespmem:s0], [sflag:$0x4] =	stream.linear.gather [hbm4b:s5+s2], $0x80, $0x38;
	[tilespmem:$0x1A000] =	vst v63  }
0xb3: {  	_ =	swait.ge [sflag:s24], $0xC000  }
0xb4: {  	[sflag:s24] =	ssyncset.done $0x0  }
0xb5: {  	[sflag:s24] =	ssyncadd.s32 $0xFFFF4000  }
0xb6: {  	s5 =	simm.s32 $0x0;
	_ =	swait.ge [sflag:s25], $0xC00  }
0xb7: {  	s3 =	sand.u32 $0x70, s5;
	s0 =	sand.u32 $0x7C00, s5;
	[sflag:s25] =	ssyncset.done $0x0  }
0xb8: {  	s7 =	sshrl.u32 s0, $0x2;
	s1 =	sor.u32 s3, s0;
	[sflag:s25] =	ssyncadd.s32 $0xFFFFF400  }
0xb9: {  	s5 =	sor.u32 s3, s7;
	v17 =	vld [tilespmem:s1+$0x6380]  }
0xba: {  	v15 =	vld [tilespmem:s5+$0x18000]  }
0xbb: {  	v18 =	vld [tilespmem:s1+$0x0]  }
0xbc: {  	v19 =	vld [tilespmem:s1+$0x80]  }
0xbd: {  	v20 =	vld [tilespmem:s1+$0x100]  }
0xbe: {  	v21 =	vld [tilespmem:s1+$0x180]  }
0xbf: {  	v22 =	vld [tilespmem:s1+$0x200]  }
0xc0: {  	v23 =	vld [tilespmem:s1+$0x280]  }
0xc1: {  	v24 =	vld [tilespmem:s1+$0x300]  }
0xc2: {  	v25 =	vld [tilespmem:s1+$0x380];
	v17 =	vmul.f32 v17, v15  }
0xc3: {  	v26 =	vld [tilespmem:s1+$0x6000];
	v18 =	vmul.f32 v18, v15;
	v19 =	vmul.f32 v19, v15  }
0xc4: {  	v20 =	vmul.f32 v20, v15;
	v21 =	vmul.f32 v21, v15;
	v8 =	vadd.f32 v17, v8;
	v17 =	vld [tilespmem:s1+$0x6080]  }
0xc5: {  	v22 =	vmul.f32 v22, v15;
	v23 =	vmul.f32 v23, v15;
	v9 =	vadd.f32 v18, v9;
	v18 =	vld [tilespmem:s1+$0x6100]  }
0xc6: {  	v11 =	vadd.f32 v19, v11;
	v12 =	vadd.f32 v21, v12;
	v21 =	vmul.f32 v24, v15;
	v19 =	vld [tilespmem:s1+$0x6180]  }
0xc7: {  	s0 =	simm.s32 $0x10;
	s7 =	simm.s32 $0x80;
	v14 =	vadd.f32 v20, v14;
	v13 =	vadd.f32 v22, v13;
	v20 =	vld [tilespmem:s1+$0x6200];
	v22 =	vmul.f32 v25, v15  }
0xc8: {  	s29 =	simm.s32 $0x100;
	s3 =	sand.u32 $0x70, s0;
	s5 =	sand.u32 $0x7C00, s7;
	v10 =	vadd.f32 v23, v10;
	v23 =	vmul.f32 v26, v15;
	v16 =	vadd.f32 v21, v16;
	v21 =	vld [tilespmem:s1+$0x6280]  }
.LBB2_14:
0xc9: {  	p0 =	sne.s32 s29, $0x5F80;
	s7 =	sshrl.u32 s5, $0x2;
	v7 =	vadd.f32 v22, v7;
	v17 =	vmul.f32 v17, v15;
	v22 =	vld [tilespmem:s1+$0x6300];
	s1 =	sor.u32 s3, s5  }
0xca: {  	s3 =	sor.u32 s3, s7;
	v24 =	vld [tilespmem:s1+$0x6380];
	v2 =	vadd.f32 v23, v2;
	v18 =	vmul.f32 v18, v15  }
0xcb: {  	v23 =	vld [tilespmem:s3+$0x18000];
	v1 =	vadd.f32 v17, v1;
	v17 =	vmul.f32 v19, v15  }
0xcc: {  	v19 =	vld [tilespmem:s1+$0x0];
	v3 =	vadd.f32 v18, v3;
	v18 =	vmul.f32 v20, v15  }
0xcd: {  	v20 =	vld [tilespmem:s1+$0x80];
	v5 =	vadd.f32 v17, v5;
	v17 =	vmul.f32 v21, v15  }
0xce: {  	v21 =	vld [tilespmem:s1+$0x100];
	v6 =	vadd.f32 v18, v6;
	v25 =	vmul.f32 v22, v15  }
0xcf: {  	v18 =	vld [tilespmem:s1+$0x180];
	v4 =	vadd.f32 v17, v4  }
0xd0: {  	v17 =	vld [tilespmem:s1+$0x200];
	v22 =	vmul.f32 v24, v23;
	v0 =	vadd.f32 v25, v0;
	v15 =	vmov v23  }
0xd1: {  	v19 =	vmul.f32 v19, v15;
	v23 =	vld [tilespmem:s1+$0x280]  }
0xd2: {  	v20 =	vmul.f32 v20, v15;
	v24 =	vld [tilespmem:s1+$0x300];
	v8 =	vadd.f32 v22, v8  }
0xd3: {  	v9 =	vadd.f32 v19, v9;
	v19 =	vmul.f32 v21, v15;
	v21 =	vld [tilespmem:s1+$0x380]  }
0xd4: {  	v11 =	vadd.f32 v20, v11;
	v18 =	vmul.f32 v18, v15;
	v25 =	vld [tilespmem:s1+$0x6000]  }
.Ltmp6:
0xd5: {  	v14 =	vadd.f32 v19, v14;
	v19 =	vmul.f32 v17, v15;
	v17 =	vld [tilespmem:s1+$0x6080];
	(pc) =	sbr.rel @p0 .LBB2_14-.Ltmp6, $4  }
0xd6: {  	v12 =	vadd.f32 v18, v12;
	v20 =	vmul.f32 v23, v15;
	v18 =	vld [tilespmem:s1+$0x6100]  }
0xd7: {  	v13 =	vadd.f32 v19, v13;
	v23 =	vmul.f32 v24, v15;
	v19 =	vld [tilespmem:s1+$0x6180]  }
0xd8: {  	s0 =	sadd.s32 $0x10, s0;
	v10 =	vadd.f32 v20, v10;
	v22 =	vmul.f32 v21, v15;
	v20 =	vld [tilespmem:s1+$0x6200]  }
0xd9: {  	s5 =	sand.u32 $0x7C00, s29;
	s29 =	sadd.s32 $0x80, s29;
	s3 =	sand.u32 $0x70, s0;
	v16 =	vadd.f32 v23, v16;
	v23 =	vmul.f32 v25, v15;
	v21 =	vld [tilespmem:s1+$0x6280]  }
0xda: {  	s7 =	sor.u32 s3, s5;
	v24 =	vld [tilespmem:s1+$0x6300]  }
0xdb: {  	v25 =	vld [tilespmem:s7+$0x6380]  }
0xdc: {  	v27 =	vld [tilespmem:s7+$0x0]  }
0xdd: {  	v28 =	vld [tilespmem:s7+$0x80]  }
0xde: {  	v29 =	vld [tilespmem:s7+$0x100]  }
0xdf: {  	v30 =	vld [tilespmem:s7+$0x180]  }
0xe0: {  	s0 =	sshrl.u32 s5, $0x2;
	v31 =	vld [tilespmem:s7+$0x200]  }
0xe1: {  	s0 =	sor.u32 s3, s0;
	v32 =	vld [tilespmem:s7+$0x280]  }
0xe2: {  	v26 =	vld [tilespmem:s0+$0x18000]  }
0xe3: {  	v7 =	vadd.f32 v22, v7;
	v17 =	vmul.f32 v17, v15;
	v18 =	vmul.f32 v18, v15;
	v55 =	vld [tilespmem:s7+$0x300]  }
0xe4: {  	v2 =	vadd.f32 v23, v2;
	v56 =	vld [tilespmem:s7+$0x380];
	v19 =	vmul.f32 v19, v15;
	v20 =	vmul.f32 v20, v15  }
0xe5: {  	v1 =	vadd.f32 v17, v1;
	v3 =	vadd.f32 v18, v3;
	v18 =	vld [tilespmem:s7+$0x6000];
	v17 =	vmul.f32 v21, v15  }
0xe6: {  	v58 =	vld [tilespmem:s7+$0x6100];
	v5 =	vadd.f32 v19, v5;
	v6 =	vadd.f32 v20, v6;
	v15 =	vmul.f32 v24, v15  }
0xe7: {  	v60 =	vld [tilespmem:s7+$0x6180];
	v4 =	vadd.f32 v17, v4;
	v17 =	vmul.f32 v25, v26;
	v57 =	vmul.f32 v27, v26  }
0xe8: {  	v19 =	vld [tilespmem:s7+$0x6080];
	v15 =	vadd.f32 v15, v0;
	v0 =	vmul.f32 v28, v26;
	v59 =	vmul.f32 v29, v26  }
0xe9: {  	v62 =	vld [tilespmem:s7+$0x6280];
	v22 =	vmul.f32 v55, v26;
	v8 =	vadd.f32 v17, v8;
	v17 =	vmul.f32 v30, v26  }
0xea: {  	v61 =	vld [tilespmem:s7+$0x6200];
	v18 =	vmul.f32 v18, v26;
	v11 =	vadd.f32 v0, v11;
	v0 =	vmul.f32 v31, v26  }
0xeb: {  	v63 =	vld [tilespmem:s7+$0x6300];
	v9 =	vadd.f32 v57, v9;
	v12 =	vadd.f32 v17, v12;
	v17 =	vmul.f32 v32, v26  }
0xec: {  	v2 =	vadd.f32 v18, v2;
	v18 =	vmul.f32 v58, v26;
	v13 =	vadd.f32 v0, v13  }
0xed: {  	v0 =	vmul.f32 v56, v26;
	v10 =	vadd.f32 v17, v10;
	v17 =	vmul.f32 v19, v26  }
0xee: {  	v14 =	vadd.f32 v59, v14;
	v3 =	vadd.f32 v18, v3;
	v18 =	vmul.f32 v62, v26  }
0xef: {  	v7 =	vadd.f32 v0, v7;
	v0 =	vadd.f32 v17, v1;
	v1 =	vmul.f32 v60, v26  }
0xf0: {  	s29 =	simm.s32 $0x0;
	s1 =	simm.s32 $0x10;
	v16 =	vadd.f32 v22, v16;
	v19 =	vmul.f32 v63, v26;
	v17 =	vmul.f32 v61, v26  }
0xf1: {  	s5 =	sadd.s32 $0x0, s12;
	s3 =	simm.s32 $0x18100;
	s0 =	simm.s32 $0x18000;
	v4 =	vadd.f32 v18, v4;
	v5 =	vadd.f32 v1, v5  }
0xf2: {  	[tilespmem:s29], [sflag:$0x1] =	stream.strided.gather [hbm4b:s11+s21], $0xC000, s22, s21, $0x38;
	v6 =	vadd.f32 v17, v6;
	v1 =	vadd.f32 v19, v15;
	[tilespmem:$0x1A000] =	vst v63  }
.LBB2_16:
0xf3: {  	[tilespmem:s0], [sflag:$0x3] =	stream.linear.gather [hbm4b:s5+s2], $0x80, $0x38;
	[tilespmem:$0x1A000] =	vst v63  }
0xf4: {  	s5 =	smov.u32 s1;
	s0 =	smov.u32 s3;
	p0 =	sne.s32 s1, $0x170  }
.Ltmp7:
0xf5: {  	s1 =	sadd.s32 $0x10, s1;
	(pc) =	sbr.rel @p0 .LBB2_16-.Ltmp7, $2  }
0xf6: {  	_ =	sdelay $0x2  }
0xf7: {  	s3 =	sadd.s32 $0x100, s3;
	s5 =	sadd.s32 s5, s12  }
0xf8: {  	[tilespmem:s0], [sflag:$0x3] =	stream.linear.gather [hbm4b:s5+s2], $0x80, $0x38;
	[tilespmem:$0x1A000] =	vst v63  }
0xf9: {  	_ =	swait.ge [sflag:s26], $0xC000  }
0xfa: {  	[sflag:s26] =	ssyncset.done $0x0  }
0xfb: {  	[sflag:s26] =	ssyncadd.s32 $0xFFFF4000  }
0xfc: {  	s5 =	simm.s32 $0x0;
	_ =	swait.ge [sflag:s28], $0xC00  }
0xfd: {  	s3 =	sand.u32 $0x70, s5;
	s0 =	sand.u32 $0x7C00, s5;
	[sflag:s28] =	ssyncset.done $0x0  }
0xfe: {  	s7 =	sshrl.u32 s0, $0x2;
	s1 =	sor.u32 s3, s0;
	[sflag:s28] =	ssyncadd.s32 $0xFFFFF400  }
0xff: {  	s5 =	sor.u32 s3, s7;
	v17 =	vld [tilespmem:s1+$0x12380]  }
0x100: {  	v15 =	vld [tilespmem:s5+$0x18080]  }
0x101: {  	v18 =	vld [tilespmem:s1+$0xC000]  }
0x102: {  	v19 =	vld [tilespmem:s1+$0xC080]  }
0x103: {  	v20 =	vld [tilespmem:s1+$0xC100]  }
0x104: {  	v21 =	vld [tilespmem:s1+$0xC180]  }
0x105: {  	v22 =	vld [tilespmem:s1+$0xC200]  }
0x106: {  	v23 =	vld [tilespmem:s1+$0xC280]  }
0x107: {  	v24 =	vld [tilespmem:s1+$0xC300]  }
0x108: {  	v25 =	vld [tilespmem:s1+$0xC380];
	v17 =	vmul.f32 v17, v15  }
0x109: {  	v26 =	vld [tilespmem:s1+$0x12000];
	v18 =	vmul.f32 v18, v15;
	v19 =	vmul.f32 v19, v15  }
0x10a: {  	v20 =	vmul.f32 v20, v15;
	v21 =	vmul.f32 v21, v15;
	v8 =	vadd.f32 v17, v8;
	v17 =	vld [tilespmem:s1+$0x12080]  }
0x10b: {  	v22 =	vmul.f32 v22, v15;
	v23 =	vmul.f32 v23, v15;
	v9 =	vadd.f32 v18, v9;
	v18 =	vld [tilespmem:s1+$0x12100]  }
0x10c: {  	v11 =	vadd.f32 v19, v11;
	v12 =	vadd.f32 v21, v12;
	v21 =	vmul.f32 v24, v15;
	v19 =	vld [tilespmem:s1+$0x12180]  }
0x10d: {  	s0 =	simm.s32 $0x10;
	s7 =	simm.s32 $0x80;
	v14 =	vadd.f32 v20, v14;
	v13 =	vadd.f32 v22, v13;
	v20 =	vld [tilespmem:s1+$0x12200];
	v22 =	vmul.f32 v25, v15  }
0x10e: {  	s29 =	simm.s32 $0x100;
	s3 =	sand.u32 $0x70, s0;
	s5 =	sand.u32 $0x7C00, s7;
	v10 =	vadd.f32 v23, v10;
	v23 =	vmul.f32 v26, v15;
	v16 =	vadd.f32 v21, v16;
	v21 =	vld [tilespmem:s1+$0x12280]  }
.LBB2_18:
0x10f: {  	p0 =	sne.s32 s29, $0x5F80;
	s7 =	sshrl.u32 s5, $0x2;
	v7 =	vadd.f32 v22, v7;
	v17 =	vmul.f32 v17, v15;
	v22 =	vld [tilespmem:s1+$0x12300];
	s1 =	sor.u32 s3, s5  }
0x110: {  	s3 =	sor.u32 s3, s7;
	v24 =	vld [tilespmem:s1+$0x12380];
	v2 =	vadd.f32 v23, v2;
	v18 =	vmul.f32 v18, v15  }
0x111: {  	v23 =	vld [tilespmem:s3+$0x18080];
	v0 =	vadd.f32 v17, v0;
	v17 =	vmul.f32 v19, v15  }
0x112: {  	v19 =	vld [tilespmem:s1+$0xC000];
	v3 =	vadd.f32 v18, v3;
	v18 =	vmul.f32 v20, v15  }
0x113: {  	v20 =	vld [tilespmem:s1+$0xC080];
	v5 =	vadd.f32 v17, v5;
	v17 =	vmul.f32 v21, v15  }
0x114: {  	v21 =	vld [tilespmem:s1+$0xC100];
	v6 =	vadd.f32 v18, v6;
	v25 =	vmul.f32 v22, v15  }
0x115: {  	v18 =	vld [tilespmem:s1+$0xC180];
	v4 =	vadd.f32 v17, v4  }
0x116: {  	v17 =	vld [tilespmem:s1+$0xC200];
	v22 =	vmul.f32 v24, v23;
	v1 =	vadd.f32 v25, v1;
	v15 =	vmov v23  }
0x117: {  	v19 =	vmul.f32 v19, v15;
	v23 =	vld [tilespmem:s1+$0xC280]  }
0x118: {  	v20 =	vmul.f32 v20, v15;
	v24 =	vld [tilespmem:s1+$0xC300];
	v8 =	vadd.f32 v22, v8  }
0x119: {  	v9 =	vadd.f32 v19, v9;
	v19 =	vmul.f32 v21, v15;
	v21 =	vld [tilespmem:s1+$0xC380]  }
0x11a: {  	v11 =	vadd.f32 v20, v11;
	v18 =	vmul.f32 v18, v15;
	v25 =	vld [tilespmem:s1+$0x12000]  }
.Ltmp8:
0x11b: {  	v14 =	vadd.f32 v19, v14;
	v19 =	vmul.f32 v17, v15;
	v17 =	vld [tilespmem:s1+$0x12080];
	(pc) =	sbr.rel @p0 .LBB2_18-.Ltmp8, $4  }
0x11c: {  	v12 =	vadd.f32 v18, v12;
	v20 =	vmul.f32 v23, v15;
	v18 =	vld [tilespmem:s1+$0x12100]  }
0x11d: {  	v13 =	vadd.f32 v19, v13;
	v23 =	vmul.f32 v24, v15;
	v19 =	vld [tilespmem:s1+$0x12180]  }
0x11e: {  	s0 =	sadd.s32 $0x10, s0;
	v10 =	vadd.f32 v20, v10;
	v22 =	vmul.f32 v21, v15;
	v20 =	vld [tilespmem:s1+$0x12200]  }
0x11f: {  	s5 =	sand.u32 $0x7C00, s29;
	s29 =	sadd.s32 $0x80, s29;
	s3 =	sand.u32 $0x70, s0;
	v16 =	vadd.f32 v23, v16;
	v23 =	vmul.f32 v25, v15;
	v21 =	vld [tilespmem:s1+$0x12280]  }
0x120: {  	s29 =	sor.u32 s3, s5;
	v24 =	vld [tilespmem:s1+$0x12300]  }
0x121: {  	v25 =	vld [tilespmem:s29+$0x12380]  }
0x122: {  	v27 =	vld [tilespmem:s29+$0xC000]  }
0x123: {  	v28 =	vld [tilespmem:s29+$0xC080]  }
0x124: {  	v29 =	vld [tilespmem:s29+$0xC100]  }
0x125: {  	v30 =	vld [tilespmem:s29+$0xC180]  }
0x126: {  	s0 =	sshrl.u32 s5, $0x2;
	v31 =	vld [tilespmem:s29+$0xC200]  }
0x127: {  	s0 =	sor.u32 s3, s0;
	v32 =	vld [tilespmem:s29+$0xC280]  }
0x128: {  	v26 =	vld [tilespmem:s0+$0x18080]  }
0x129: {  	v7 =	vadd.f32 v22, v7;
	v17 =	vmul.f32 v17, v15;
	v18 =	vmul.f32 v18, v15;
	v55 =	vld [tilespmem:s29+$0xC300]  }
0x12a: {  	v2 =	vadd.f32 v23, v2;
	v56 =	vld [tilespmem:s29+$0xC380];
	v19 =	vmul.f32 v19, v15;
	v20 =	vmul.f32 v20, v15  }
0x12b: {  	v0 =	vadd.f32 v17, v0;
	v3 =	vadd.f32 v18, v3;
	v18 =	vld [tilespmem:s29+$0x12000];
	v17 =	vmul.f32 v21, v15  }
0x12c: {  	v58 =	vld [tilespmem:s29+$0x12100];
	v5 =	vadd.f32 v19, v5;
	v6 =	vadd.f32 v20, v6;
	v15 =	vmul.f32 v24, v15  }
0x12d: {  	v60 =	vld [tilespmem:s29+$0x12180];
	v4 =	vadd.f32 v17, v4;
	v17 =	vmul.f32 v25, v26;
	v57 =	vmul.f32 v27, v26  }
0x12e: {  	v19 =	vld [tilespmem:s29+$0x12080];
	v15 =	vadd.f32 v15, v1;
	v1 =	vmul.f32 v28, v26;
	v59 =	vmul.f32 v29, v26  }
0x12f: {  	v62 =	vld [tilespmem:s29+$0x12280];
	v22 =	vmul.f32 v55, v26;
	v8 =	vadd.f32 v17, v8;
	v17 =	vmul.f32 v30, v26  }
0x130: {  	v61 =	vld [tilespmem:s29+$0x12200];
	v18 =	vmul.f32 v18, v26;
	v11 =	vadd.f32 v1, v11;
	v1 =	vmul.f32 v31, v26  }
0x131: {  	v63 =	vld [tilespmem:s29+$0x12300];
	v9 =	vadd.f32 v57, v9;
	v12 =	vadd.f32 v17, v12;
	v17 =	vmul.f32 v32, v26  }
0x132: {  	v2 =	vadd.f32 v18, v2;
	v18 =	vmul.f32 v58, v26;
	v13 =	vadd.f32 v1, v13  }
0x133: {  	v1 =	vmul.f32 v56, v26;
	v10 =	vadd.f32 v17, v10;
	v17 =	vmul.f32 v19, v26  }
0x134: {  	v14 =	vadd.f32 v59, v14;
	v3 =	vadd.f32 v18, v3;
	v18 =	vmul.f32 v62, v26  }
0x135: {  	v7 =	vadd.f32 v1, v7;
	v1 =	vadd.f32 v17, v0;
	v0 =	vmul.f32 v60, v26  }
0x136: {  	s1 =	simm.s32 $0x10;
	v16 =	vadd.f32 v22, v16;
	v19 =	vmul.f32 v63, v26;
	v17 =	vmul.f32 v61, v26  }
0x137: {  	s5 =	sadd.s32 $0x0, s14;
	s3 =	simm.s32 $0x18180;
	s0 =	simm.s32 $0x18080;
	v4 =	vadd.f32 v18, v4;
	v5 =	vadd.f32 v0, v5  }
0x138: {  	[tilespmem:s23], [sflag:$0x2] =	stream.strided.gather [hbm4b:s13+s21], $0xC000, s22, s21, $0x38;
	v6 =	vadd.f32 v17, v6;
	v0 =	vadd.f32 v19, v15;
	[tilespmem:$0x1A000] =	vst v63  }
.LBB2_20:
0x139: {  	[tilespmem:s0], [sflag:$0x4] =	stream.linear.gather [hbm4b:s5+s2], $0x80, $0x38;
	[tilespmem:$0x1A000] =	vst v63  }
0x13a: {  	s5 =	smov.u32 s1;
	s0 =	smov.u32 s3;
	p0 =	sne.s32 s1, $0x170  }
.Ltmp9:
0x13b: {  	s1 =	sadd.s32 $0x10, s1;
	(pc) =	sbr.rel @p0 .LBB2_20-.Ltmp9, $2  }
0x13c: {  	_ =	sdelay $0x2  }
0x13d: {  	s3 =	sadd.s32 $0x100, s3;
	s5 =	sadd.s32 s5, s14  }
0x13e: {  	[tilespmem:s0], [sflag:$0x4] =	stream.linear.gather [hbm4b:s5+s2], $0x80, $0x38;
	[tilespmem:$0x1A000] =	vst v63  }
0x13f: {  	_ =	swait.ge [sflag:s24], $0xC000  }
0x140: {  	[sflag:s24] =	ssyncset.done $0x0  }
0x141: {  	[sflag:s24] =	ssyncadd.s32 $0xFFFF4000  }
0x142: {  	s5 =	simm.s32 $0x0;
	_ =	swait.ge [sflag:s25], $0xC00  }
0x143: {  	s3 =	sand.u32 $0x70, s5;
	s0 =	sand.u32 $0x7C00, s5;
	[sflag:s25] =	ssyncset.done $0x0  }
0x144: {  	s7 =	sshrl.u32 s0, $0x2;
	s1 =	sor.u32 s3, s0;
	[sflag:s25] =	ssyncadd.s32 $0xFFFFF400  }
0x145: {  	s5 =	sor.u32 s3, s7;
	v17 =	vld [tilespmem:s1+$0x6380]  }
0x146: {  	v15 =	vld [tilespmem:s5+$0x18000]  }
0x147: {  	v18 =	vld [tilespmem:s1+$0x0]  }
0x148: {  	v19 =	vld [tilespmem:s1+$0x80]  }
0x149: {  	v20 =	vld [tilespmem:s1+$0x100]  }
0x14a: {  	v21 =	vld [tilespmem:s1+$0x180]  }
0x14b: {  	v22 =	vld [tilespmem:s1+$0x200]  }
0x14c: {  	v23 =	vld [tilespmem:s1+$0x280]  }
0x14d: {  	v24 =	vld [tilespmem:s1+$0x300]  }
0x14e: {  	v25 =	vld [tilespmem:s1+$0x380];
	v17 =	vmul.f32 v17, v15  }
0x14f: {  	v26 =	vld [tilespmem:s1+$0x6000];
	v18 =	vmul.f32 v18, v15;
	v19 =	vmul.f32 v19, v15  }
0x150: {  	v20 =	vmul.f32 v20, v15;
	v21 =	vmul.f32 v21, v15;
	v8 =	vadd.f32 v17, v8;
	v17 =	vld [tilespmem:s1+$0x6080]  }
0x151: {  	v22 =	vmul.f32 v22, v15;
	v23 =	vmul.f32 v23, v15;
	v9 =	vadd.f32 v18, v9;
	v18 =	vld [tilespmem:s1+$0x6100]  }
0x152: {  	v11 =	vadd.f32 v19, v11;
	v12 =	vadd.f32 v21, v12;
	v21 =	vmul.f32 v24, v15;
	v19 =	vld [tilespmem:s1+$0x6180]  }
0x153: {  	s0 =	simm.s32 $0x10;
	s7 =	simm.s32 $0x80;
	v14 =	vadd.f32 v20, v14;
	v13 =	vadd.f32 v22, v13;
	v20 =	vld [tilespmem:s1+$0x6200];
	v22 =	vmul.f32 v25, v15  }
0x154: {  	s29 =	simm.s32 $0x100;
	s3 =	sand.u32 $0x70, s0;
	s5 =	sand.u32 $0x7C00, s7;
	v10 =	vadd.f32 v23, v10;
	v23 =	vmul.f32 v26, v15;
	v16 =	vadd.f32 v21, v16;
	v21 =	vld [tilespmem:s1+$0x6280]  }
.LBB2_22:
0x155: {  	p0 =	sne.s32 s29, $0x5F80;
	s7 =	sshrl.u32 s5, $0x2;
	v7 =	vadd.f32 v22, v7;
	v17 =	vmul.f32 v17, v15;
	v22 =	vld [tilespmem:s1+$0x6300];
	s1 =	sor.u32 s3, s5  }
0x156: {  	s3 =	sor.u32 s3, s7;
	v24 =	vld [tilespmem:s1+$0x6380];
	v2 =	vadd.f32 v23, v2;
	v18 =	vmul.f32 v18, v15  }
0x157: {  	v23 =	vld [tilespmem:s3+$0x18000];
	v1 =	vadd.f32 v17, v1;
	v17 =	vmul.f32 v19, v15  }
0x158: {  	v19 =	vld [tilespmem:s1+$0x0];
	v3 =	vadd.f32 v18, v3;
	v18 =	vmul.f32 v20, v15  }
0x159: {  	v20 =	vld [tilespmem:s1+$0x80];
	v5 =	vadd.f32 v17, v5;
	v17 =	vmul.f32 v21, v15  }
0x15a: {  	v21 =	vld [tilespmem:s1+$0x100];
	v6 =	vadd.f32 v18, v6;
	v25 =	vmul.f32 v22, v15  }
0x15b: {  	v18 =	vld [tilespmem:s1+$0x180];
	v4 =	vadd.f32 v17, v4  }
0x15c: {  	v17 =	vld [tilespmem:s1+$0x200];
	v22 =	vmul.f32 v24, v23;
	v0 =	vadd.f32 v25, v0;
	v15 =	vmov v23  }
0x15d: {  	v19 =	vmul.f32 v19, v15;
	v23 =	vld [tilespmem:s1+$0x280]  }
0x15e: {  	v20 =	vmul.f32 v20, v15;
	v24 =	vld [tilespmem:s1+$0x300];
	v8 =	vadd.f32 v22, v8  }
0x15f: {  	v9 =	vadd.f32 v19, v9;
	v19 =	vmul.f32 v21, v15;
	v21 =	vld [tilespmem:s1+$0x380]  }
0x160: {  	v11 =	vadd.f32 v20, v11;
	v18 =	vmul.f32 v18, v15;
	v25 =	vld [tilespmem:s1+$0x6000]  }
.Ltmp10:
0x161: {  	v14 =	vadd.f32 v19, v14;
	v19 =	vmul.f32 v17, v15;
	v17 =	vld [tilespmem:s1+$0x6080];
	(pc) =	sbr.rel @p0 .LBB2_22-.Ltmp10, $4  }
0x162: {  	v12 =	vadd.f32 v18, v12;
	v20 =	vmul.f32 v23, v15;
	v18 =	vld [tilespmem:s1+$0x6100]  }
0x163: {  	v13 =	vadd.f32 v19, v13;
	v23 =	vmul.f32 v24, v15;
	v19 =	vld [tilespmem:s1+$0x6180]  }
0x164: {  	s0 =	sadd.s32 $0x10, s0;
	v10 =	vadd.f32 v20, v10;
	v22 =	vmul.f32 v21, v15;
	v20 =	vld [tilespmem:s1+$0x6200]  }
0x165: {  	s5 =	sand.u32 $0x7C00, s29;
	s29 =	sadd.s32 $0x80, s29;
	s3 =	sand.u32 $0x70, s0;
	v16 =	vadd.f32 v23, v16;
	v23 =	vmul.f32 v25, v15;
	v21 =	vld [tilespmem:s1+$0x6280]  }
0x166: {  	s7 =	sor.u32 s3, s5;
	v24 =	vld [tilespmem:s1+$0x6300]  }
0x167: {  	v25 =	vld [tilespmem:s7+$0x6380]  }
0x168: {  	v27 =	vld [tilespmem:s7+$0x0]  }
0x169: {  	v28 =	vld [tilespmem:s7+$0x80]  }
0x16a: {  	v29 =	vld [tilespmem:s7+$0x100]  }
0x16b: {  	v30 =	vld [tilespmem:s7+$0x180]  }
0x16c: {  	s0 =	sshrl.u32 s5, $0x2;
	v31 =	vld [tilespmem:s7+$0x200]  }
0x16d: {  	s0 =	sor.u32 s3, s0;
	v32 =	vld [tilespmem:s7+$0x280]  }
0x16e: {  	v26 =	vld [tilespmem:s0+$0x18000]  }
0x16f: {  	v7 =	vadd.f32 v22, v7;
	v17 =	vmul.f32 v17, v15;
	v18 =	vmul.f32 v18, v15;
	v55 =	vld [tilespmem:s7+$0x300]  }
0x170: {  	v2 =	vadd.f32 v23, v2;
	v56 =	vld [tilespmem:s7+$0x380];
	v19 =	vmul.f32 v19, v15;
	v20 =	vmul.f32 v20, v15  }
0x171: {  	v1 =	vadd.f32 v17, v1;
	v3 =	vadd.f32 v18, v3;
	v18 =	vld [tilespmem:s7+$0x6000];
	v17 =	vmul.f32 v21, v15  }
0x172: {  	v58 =	vld [tilespmem:s7+$0x6100];
	v5 =	vadd.f32 v19, v5;
	v6 =	vadd.f32 v20, v6;
	v15 =	vmul.f32 v24, v15  }
0x173: {  	v60 =	vld [tilespmem:s7+$0x6180];
	v4 =	vadd.f32 v17, v4;
	v17 =	vmul.f32 v25, v26;
	v57 =	vmul.f32 v27, v26  }
0x174: {  	v19 =	vld [tilespmem:s7+$0x6080];
	v15 =	vadd.f32 v15, v0;
	v0 =	vmul.f32 v28, v26;
	v59 =	vmul.f32 v29, v26  }
0x175: {  	v62 =	vld [tilespmem:s7+$0x6280];
	v22 =	vmul.f32 v55, v26;
	v8 =	vadd.f32 v17, v8;
	v17 =	vmul.f32 v30, v26  }
0x176: {  	v61 =	vld [tilespmem:s7+$0x6200];
	v18 =	vmul.f32 v18, v26;
	v11 =	vadd.f32 v0, v11;
	v0 =	vmul.f32 v31, v26  }
0x177: {  	v63 =	vld [tilespmem:s7+$0x6300];
	v9 =	vadd.f32 v57, v9;
	v12 =	vadd.f32 v17, v12;
	v17 =	vmul.f32 v32, v26  }
0x178: {  	v2 =	vadd.f32 v18, v2;
	v18 =	vmul.f32 v58, v26;
	v13 =	vadd.f32 v0, v13  }
0x179: {  	v0 =	vmul.f32 v56, v26;
	v10 =	vadd.f32 v17, v10;
	v17 =	vmul.f32 v19, v26  }
0x17a: {  	v14 =	vadd.f32 v59, v14;
	v3 =	vadd.f32 v18, v3;
	v18 =	vmul.f32 v62, v26  }
0x17b: {  	v7 =	vadd.f32 v0, v7;
	v0 =	vadd.f32 v17, v1;
	v1 =	vmul.f32 v60, v26  }
0x17c: {  	s29 =	simm.s32 $0x0;
	s1 =	simm.s32 $0x10;
	v16 =	vadd.f32 v22, v16;
	v19 =	vmul.f32 v63, v26;
	v17 =	vmul.f32 v61, v26  }
0x17d: {  	s5 =	sadd.s32 $0x0, s16;
	s3 =	simm.s32 $0x18100;
	s0 =	simm.s32 $0x18000;
	v4 =	vadd.f32 v18, v4;
	v5 =	vadd.f32 v1, v5  }
0x17e: {  	[tilespmem:s29], [sflag:$0x1] =	stream.strided.gather [hbm4b:s15+s21], $0xC000, s22, s21, $0x38;
	v6 =	vadd.f32 v17, v6;
	v1 =	vadd.f32 v19, v15;
	[tilespmem:$0x1A000] =	vst v63  }
.LBB2_24:
0x17f: {  	[tilespmem:s0], [sflag:$0x3] =	stream.linear.gather [hbm4b:s5+s2], $0x80, $0x38;
	[tilespmem:$0x1A000] =	vst v63  }
0x180: {  	s5 =	smov.u32 s1;
	s0 =	smov.u32 s3;
	p0 =	sne.s32 s1, $0x170  }
.Ltmp11:
0x181: {  	s1 =	sadd.s32 $0x10, s1;
	(pc) =	sbr.rel @p0 .LBB2_24-.Ltmp11, $2  }
0x182: {  	_ =	sdelay $0x2  }
0x183: {  	s3 =	sadd.s32 $0x100, s3;
	s5 =	sadd.s32 s5, s16  }
0x184: {  	[tilespmem:s0], [sflag:$0x3] =	stream.linear.gather [hbm4b:s5+s2], $0x80, $0x38;
	[tilespmem:$0x1A000] =	vst v63  }
0x185: {  	_ =	swait.ge [sflag:s26], $0xC000  }
0x186: {  	[sflag:s26] =	ssyncset.done $0x0  }
0x187: {  	[sflag:s26] =	ssyncadd.s32 $0xFFFF4000  }
0x188: {  	s5 =	simm.s32 $0x0;
	_ =	swait.ge [sflag:s28], $0xC00  }
0x189: {  	s3 =	sand.u32 $0x70, s5;
	s0 =	sand.u32 $0x7C00, s5;
	[sflag:s28] =	ssyncset.done $0x0  }
0x18a: {  	s7 =	sshrl.u32 s0, $0x2;
	s1 =	sor.u32 s3, s0;
	[sflag:s28] =	ssyncadd.s32 $0xFFFFF400  }
0x18b: {  	s5 =	sor.u32 s3, s7;
	v17 =	vld [tilespmem:s1+$0x12380]  }
0x18c: {  	v15 =	vld [tilespmem:s5+$0x18080]  }
0x18d: {  	v18 =	vld [tilespmem:s1+$0xC000]  }
0x18e: {  	v19 =	vld [tilespmem:s1+$0xC080]  }
0x18f: {  	v20 =	vld [tilespmem:s1+$0xC100]  }
0x190: {  	v21 =	vld [tilespmem:s1+$0xC180]  }
0x191: {  	v22 =	vld [tilespmem:s1+$0xC200]  }
0x192: {  	v23 =	vld [tilespmem:s1+$0xC280]  }
0x193: {  	v24 =	vld [tilespmem:s1+$0xC300]  }
0x194: {  	v25 =	vld [tilespmem:s1+$0xC380];
	v17 =	vmul.f32 v17, v15  }
0x195: {  	v26 =	vld [tilespmem:s1+$0x12000];
	v18 =	vmul.f32 v18, v15;
	v19 =	vmul.f32 v19, v15  }
0x196: {  	v20 =	vmul.f32 v20, v15;
	v21 =	vmul.f32 v21, v15;
	v8 =	vadd.f32 v17, v8;
	v17 =	vld [tilespmem:s1+$0x12080]  }
0x197: {  	v22 =	vmul.f32 v22, v15;
	v23 =	vmul.f32 v23, v15;
	v9 =	vadd.f32 v18, v9;
	v18 =	vld [tilespmem:s1+$0x12100]  }
0x198: {  	v11 =	vadd.f32 v19, v11;
	v12 =	vadd.f32 v21, v12;
	v21 =	vmul.f32 v24, v15;
	v19 =	vld [tilespmem:s1+$0x12180]  }
0x199: {  	s0 =	simm.s32 $0x10;
	s7 =	simm.s32 $0x80;
	v14 =	vadd.f32 v20, v14;
	v13 =	vadd.f32 v22, v13;
	v20 =	vld [tilespmem:s1+$0x12200];
	v22 =	vmul.f32 v25, v15  }
0x19a: {  	s29 =	simm.s32 $0x100;
	s3 =	sand.u32 $0x70, s0;
	s5 =	sand.u32 $0x7C00, s7;
	v10 =	vadd.f32 v23, v10;
	v23 =	vmul.f32 v26, v15;
	v16 =	vadd.f32 v21, v16;
	v21 =	vld [tilespmem:s1+$0x12280]  }
.LBB2_26:
0x19b: {  	p0 =	sne.s32 s29, $0x5F80;
	s7 =	sshrl.u32 s5, $0x2;
	v7 =	vadd.f32 v22, v7;
	v17 =	vmul.f32 v17, v15;
	v22 =	vld [tilespmem:s1+$0x12300];
	s1 =	sor.u32 s3, s5  }
0x19c: {  	s3 =	sor.u32 s3, s7;
	v24 =	vld [tilespmem:s1+$0x12380];
	v2 =	vadd.f32 v23, v2;
	v18 =	vmul.f32 v18, v15  }
0x19d: {  	v23 =	vld [tilespmem:s3+$0x18080];
	v0 =	vadd.f32 v17, v0;
	v17 =	vmul.f32 v19, v15  }
0x19e: {  	v19 =	vld [tilespmem:s1+$0xC000];
	v3 =	vadd.f32 v18, v3;
	v18 =	vmul.f32 v20, v15  }
0x19f: {  	v20 =	vld [tilespmem:s1+$0xC080];
	v5 =	vadd.f32 v17, v5;
	v17 =	vmul.f32 v21, v15  }
0x1a0: {  	v21 =	vld [tilespmem:s1+$0xC100];
	v6 =	vadd.f32 v18, v6;
	v25 =	vmul.f32 v22, v15  }
0x1a1: {  	v18 =	vld [tilespmem:s1+$0xC180];
	v4 =	vadd.f32 v17, v4  }
0x1a2: {  	v17 =	vld [tilespmem:s1+$0xC200];
	v22 =	vmul.f32 v24, v23;
	v1 =	vadd.f32 v25, v1;
	v15 =	vmov v23  }
0x1a3: {  	v19 =	vmul.f32 v19, v15;
	v23 =	vld [tilespmem:s1+$0xC280]  }
0x1a4: {  	v20 =	vmul.f32 v20, v15;
	v24 =	vld [tilespmem:s1+$0xC300];
	v8 =	vadd.f32 v22, v8  }
0x1a5: {  	v9 =	vadd.f32 v19, v9;
	v19 =	vmul.f32 v21, v15;
	v21 =	vld [tilespmem:s1+$0xC380]  }
0x1a6: {  	v11 =	vadd.f32 v20, v11;
	v18 =	vmul.f32 v18, v15;
	v25 =	vld [tilespmem:s1+$0x12000]  }
.Ltmp12:
0x1a7: {  	v14 =	vadd.f32 v19, v14;
	v19 =	vmul.f32 v17, v15;
	v17 =	vld [tilespmem:s1+$0x12080];
	(pc) =	sbr.rel @p0 .LBB2_26-.Ltmp12, $4  }
0x1a8: {  	v12 =	vadd.f32 v18, v12;
	v20 =	vmul.f32 v23, v15;
	v18 =	vld [tilespmem:s1+$0x12100]  }
0x1a9: {  	v13 =	vadd.f32 v19, v13;
	v23 =	vmul.f32 v24, v15;
	v19 =	vld [tilespmem:s1+$0x12180]  }
0x1aa: {  	s0 =	sadd.s32 $0x10, s0;
	v10 =	vadd.f32 v20, v10;
	v22 =	vmul.f32 v21, v15;
	v20 =	vld [tilespmem:s1+$0x12200]  }
0x1ab: {  	s5 =	sand.u32 $0x7C00, s29;
	s29 =	sadd.s32 $0x80, s29;
	s3 =	sand.u32 $0x70, s0;
	v16 =	vadd.f32 v23, v16;
	v23 =	vmul.f32 v25, v15;
	v21 =	vld [tilespmem:s1+$0x12280]  }
0x1ac: {  	s29 =	sor.u32 s3, s5;
	v24 =	vld [tilespmem:s1+$0x12300]  }
0x1ad: {  	v25 =	vld [tilespmem:s29+$0x12380]  }
0x1ae: {  	v27 =	vld [tilespmem:s29+$0xC000]  }
0x1af: {  	v28 =	vld [tilespmem:s29+$0xC080]  }
0x1b0: {  	v29 =	vld [tilespmem:s29+$0xC100]  }
0x1b1: {  	v30 =	vld [tilespmem:s29+$0xC180]  }
0x1b2: {  	s0 =	sshrl.u32 s5, $0x2;
	v31 =	vld [tilespmem:s29+$0xC200]  }
0x1b3: {  	s0 =	sor.u32 s3, s0;
	v32 =	vld [tilespmem:s29+$0xC280]  }
0x1b4: {  	v26 =	vld [tilespmem:s0+$0x18080]  }
0x1b5: {  	v7 =	vadd.f32 v22, v7;
	v17 =	vmul.f32 v17, v15;
	v18 =	vmul.f32 v18, v15;
	v56 =	vld [tilespmem:s29+$0xC300]  }
0x1b6: {  	v2 =	vadd.f32 v23, v2;
	v57 =	vld [tilespmem:s29+$0xC380];
	v19 =	vmul.f32 v19, v15;
	v20 =	vmul.f32 v20, v15  }
0x1b7: {  	v59 =	vld [tilespmem:s29+$0x12100];
	v0 =	vadd.f32 v17, v0;
	v33 =	vadd.f32 v18, v3;
	v3 =	vmul.f32 v21, v15  }
0x1b8: {  	v61 =	vld [tilespmem:s29+$0x12180];
	v58 =	vadd.f32 v19, v5;
	v20 =	vadd.f32 v20, v6;
	v5 =	vmul.f32 v24, v15  }
0x1b9: {  	v18 =	vld [tilespmem:s29+$0x12000];
	v4 =	vadd.f32 v3, v4;
	v3 =	vmul.f32 v25, v26;
	v15 =	vmul.f32 v27, v26  }
0x1ba: {  	v6 =	vld [tilespmem:s29+$0x12080];
	v60 =	vadd.f32 v5, v1;
	v1 =	vmul.f32 v28, v26;
	v5 =	vmul.f32 v29, v26  }
0x1bb: {  	v62 =	vld [tilespmem:s29+$0x12200];
	v19 =	vadd.f32 v3, v8;
	v8 =	vadd.f32 v15, v9;
	v3 =	vmul.f32 v30, v26  }
0x1bc: {  	v63 =	vld [tilespmem:s29+$0x12280];
	v11 =	vadd.f32 v1, v11;
	v9 =	vadd.f32 v5, v14;
	v1 =	vmul.f32 v31, v26  }
0x1bd: {  	v5 =	vmul.f32 v56, v26;
	v14 =	vadd.f32 v3, v12;
	v3 =	vmul.f32 v32, v26;
	v12 =	vld [tilespmem:s29+$0x12300]  }
0x1be: {  	v17 =	vadd.f32 v1, v13;
	v1 =	vmul.f32 v57, v26;
	v13 =	vmul.f32 v18, v26  }
0x1bf: {  	v15 =	vadd.f32 v5, v16;
	v18 =	vadd.f32 v3, v10;
	v3 =	vmul.f32 v6, v26  }
0x1c0: {  	v7 =	vadd.f32 v1, v7;
	v5 =	vadd.f32 v13, v2;
	v1 =	vmul.f32 v59, v26  }
0x1c1: {  	v2 =	vmul.f32 v62, v26;
	v10 =	vmul.f32 v63, v26;
	v3 =	vadd.f32 v3, v0  }
0x1c2: {  	s1 =	simm.s32 $0x10;
	v0 =	vmul.f32 v61, v26;
	v1 =	vadd.f32 v1, v33;
	v12 =	vmul.f32 v12, v26  }
0x1c3: {  	s5 =	sadd.s32 $0x0, s18;
	s3 =	simm.s32 $0x18180;
	s0 =	simm.s32 $0x18080;
	v2 =	vadd.f32 v2, v20;
	v4 =	vadd.f32 v10, v4  }
0x1c4: {  	[tilespmem:s23], [sflag:$0x2] =	stream.strided.gather [hbm4b:s17+s21], $0xC000, s22, s21, $0x38;
	v6 =	vadd.f32 v0, v58;
	v0 =	vadd.f32 v12, v60;
	[tilespmem:$0x1A000] =	vst v63  }
.LBB2_28:
0x1c5: {  	[tilespmem:s0], [sflag:$0x4] =	stream.linear.gather [hbm4b:s5+s2], $0x80, $0x38;
	[tilespmem:$0x1A000] =	vst v63  }
0x1c6: {  	s5 =	smov.u32 s1;
	s0 =	smov.u32 s3;
	p0 =	sne.s32 s1, $0x170  }
.Ltmp13:
0x1c7: {  	s1 =	sadd.s32 $0x10, s1;
	(pc) =	sbr.rel @p0 .LBB2_28-.Ltmp13, $2  }
0x1c8: {  	_ =	sdelay $0x2  }
0x1c9: {  	s3 =	sadd.s32 $0x100, s3;
	s5 =	sadd.s32 s5, s18  }
0x1ca: {  	[tilespmem:s0], [sflag:$0x4] =	stream.linear.gather [hbm4b:s5+s2], $0x80, $0x38;
	[tilespmem:$0x1A000] =	vst v63  }
0x1cb: {  	_ =	swait.ge [sflag:s24], $0xC000  }
0x1cc: {  	[sflag:s24] =	ssyncset.done $0x0  }
0x1cd: {  	[sflag:s24] =	ssyncadd.s32 $0xFFFF4000  }
0x1ce: {  	s5 =	simm.s32 $0x0;
	_ =	swait.ge [sflag:s25], $0xC00  }
0x1cf: {  	s3 =	sand.u32 $0x70, s5;
	s0 =	sand.u32 $0x7C00, s5;
	[sflag:s25] =	ssyncset.done $0x0  }
0x1d0: {  	s7 =	sshrl.u32 s0, $0x2;
	s1 =	sor.u32 s3, s0;
	[sflag:s25] =	ssyncadd.s32 $0xFFFFF400  }
0x1d1: {  	s5 =	sor.u32 s3, s7;
	v10 =	vld [tilespmem:s1+$0x6380]  }
0x1d2: {  	v16 =	vld [tilespmem:s5+$0x18000]  }
0x1d3: {  	v12 =	vld [tilespmem:s1+$0x0]  }
0x1d4: {  	v13 =	vld [tilespmem:s1+$0x80]  }
0x1d5: {  	v20 =	vld [tilespmem:s1+$0x100]  }
0x1d6: {  	v21 =	vld [tilespmem:s1+$0x180]  }
0x1d7: {  	v22 =	vld [tilespmem:s1+$0x200]  }
0x1d8: {  	v24 =	vld [tilespmem:s1+$0x300]  }
0x1d9: {  	v23 =	vld [tilespmem:s1+$0x280]  }
0x1da: {  	v25 =	vld [tilespmem:s1+$0x380];
	v12 =	vmul.f32 v12, v16  }
0x1db: {  	v26 =	vld [tilespmem:s1+$0x6000];
	v10 =	vmul.f32 v10, v16;
	v13 =	vmul.f32 v13, v16  }
0x1dc: {  	v21 =	vmul.f32 v21, v16;
	v8 =	vadd.f32 v12, v8;
	v12 =	vmul.f32 v20, v16;
	v20 =	vld [tilespmem:s1+$0x6080]  }
0x1dd: {  	v22 =	vmul.f32 v22, v16;
	v24 =	vmul.f32 v24, v16;
	v10 =	vadd.f32 v10, v19;
	v19 =	vld [tilespmem:s1+$0x6100]  }
0x1de: {  	v23 =	vmul.f32 v23, v16;
	v11 =	vadd.f32 v13, v11;
	v13 =	vadd.f32 v21, v14;
	v21 =	vld [tilespmem:s1+$0x6180]  }
0x1df: {  	s0 =	simm.s32 $0x10;
	s7 =	simm.s32 $0x80;
	v14 =	vadd.f32 v22, v17;
	v17 =	vld [tilespmem:s1+$0x6200];
	v22 =	vmul.f32 v25, v16;
	v15 =	vadd.f32 v24, v15  }
0x1e0: {  	s29 =	simm.s32 $0x100;
	s3 =	sand.u32 $0x70, s0;
	s5 =	sand.u32 $0x7C00, s7;
	v12 =	vadd.f32 v12, v9;
	v9 =	vadd.f32 v23, v18;
	v23 =	vmul.f32 v26, v16;
	v18 =	vld [tilespmem:s1+$0x6280]  }
.LBB2_30:
0x1e1: {  	p0 =	sne.s32 s29, $0x5F80;
	s7 =	sshrl.u32 s5, $0x2;
	v7 =	vadd.f32 v22, v7;
	v20 =	vmul.f32 v20, v16;
	v22 =	vld [tilespmem:s1+$0x6300];
	s1 =	sor.u32 s3, s5  }
0x1e2: {  	s3 =	sor.u32 s3, s7;
	v24 =	vld [tilespmem:s1+$0x6380];
	v5 =	vadd.f32 v23, v5;
	v19 =	vmul.f32 v19, v16  }
0x1e3: {  	v23 =	vld [tilespmem:s3+$0x18000];
	v3 =	vadd.f32 v20, v3;
	v20 =	vmul.f32 v21, v16  }
0x1e4: {  	v21 =	vld [tilespmem:s1+$0x0];
	v1 =	vadd.f32 v19, v1;
	v17 =	vmul.f32 v17, v16  }
0x1e5: {  	v19 =	vld [tilespmem:s1+$0x80];
	v6 =	vadd.f32 v20, v6;
	v18 =	vmul.f32 v18, v16  }
0x1e6: {  	v20 =	vld [tilespmem:s1+$0x100];
	v2 =	vadd.f32 v17, v2;
	v25 =	vmul.f32 v22, v16  }
0x1e7: {  	v17 =	vld [tilespmem:s1+$0x180];
	v4 =	vadd.f32 v18, v4  }
0x1e8: {  	v18 =	vld [tilespmem:s1+$0x200];
	v22 =	vmul.f32 v24, v23;
	v0 =	vadd.f32 v25, v0;
	v16 =	vmov v23  }
0x1e9: {  	v21 =	vmul.f32 v21, v16;
	v23 =	vld [tilespmem:s1+$0x280]  }
0x1ea: {  	v19 =	vmul.f32 v19, v16;
	v24 =	vld [tilespmem:s1+$0x300];
	v10 =	vadd.f32 v22, v10  }
0x1eb: {  	v8 =	vadd.f32 v21, v8;
	v20 =	vmul.f32 v20, v16;
	v22 =	vld [tilespmem:s1+$0x380]  }
0x1ec: {  	v11 =	vadd.f32 v19, v11;
	v17 =	vmul.f32 v17, v16;
	v25 =	vld [tilespmem:s1+$0x6000]  }
.Ltmp14:
0x1ed: {  	v12 =	vadd.f32 v20, v12;
	v18 =	vmul.f32 v18, v16;
	v20 =	vld [tilespmem:s1+$0x6080];
	(pc) =	sbr.rel @p0 .LBB2_30-.Ltmp14, $4  }
0x1ee: {  	v13 =	vadd.f32 v17, v13;
	v17 =	vmul.f32 v23, v16;
	v19 =	vld [tilespmem:s1+$0x6100]  }
0x1ef: {  	v14 =	vadd.f32 v18, v14;
	v18 =	vmul.f32 v24, v16;
	v21 =	vld [tilespmem:s1+$0x6180]  }
0x1f0: {  	s0 =	sadd.s32 $0x10, s0;
	v9 =	vadd.f32 v17, v9;
	v22 =	vmul.f32 v22, v16;
	v17 =	vld [tilespmem:s1+$0x6200]  }
0x1f1: {  	s5 =	sand.u32 $0x7C00, s29;
	s29 =	sadd.s32 $0x80, s29;
	s3 =	sand.u32 $0x70, s0;
	v15 =	vadd.f32 v18, v15;
	v23 =	vmul.f32 v25, v16;
	v18 =	vld [tilespmem:s1+$0x6280]  }
0x1f2: {  	s7 =	sor.u32 s3, s5;
	v24 =	vld [tilespmem:s1+$0x6300]  }
0x1f3: {  	v25 =	vld [tilespmem:s7+$0x6380]  }
0x1f4: {  	v27 =	vld [tilespmem:s7+$0x0]  }
0x1f5: {  	v28 =	vld [tilespmem:s7+$0x80]  }
0x1f6: {  	v29 =	vld [tilespmem:s7+$0x100]  }
0x1f7: {  	v30 =	vld [tilespmem:s7+$0x180]  }
0x1f8: {  	v31 =	vld [tilespmem:s7+$0x200]  }
0x1f9: {  	v32 =	vld [tilespmem:s7+$0x280]  }
0x1fa: {  	v33 =	vld [tilespmem:s7+$0x300]  }
0x1fb: {  	v34 =	vld [tilespmem:s7+$0x380]  }
0x1fc: {  	v35 =	vld [tilespmem:s7+$0x6000]  }
0x1fd: {  	v36 =	vld [tilespmem:s7+$0x6080]  }
0x1fe: {  	v37 =	vld [tilespmem:s7+$0x6100]  }
0x1ff: {  	v38 =	vld [tilespmem:s7+$0x6180]  }
0x200: {  	s0 =	sshrl.u32 s5, $0x2;
	v39 =	vld [tilespmem:s7+$0x6200]  }
0x201: {  	s0 =	sor.u32 s3, s0;
	v40 =	vld [tilespmem:s7+$0x6280]  }
0x202: {  	v26 =	vld [tilespmem:s0+$0x18000]  }
0x203: {  	v7 =	vadd.f32 v22, v7;
	v20 =	vmul.f32 v20, v16;
	v41 =	vld [tilespmem:s7+$0x6300];
	_ =	swait.ge [sflag:s26], $0xC000  }
0x204: {  	v5 =	vadd.f32 v23, v5;
	v19 =	vmul.f32 v19, v16;
	v21 =	vmul.f32 v21, v16;
	[sflag:s26] =	ssyncset.done $0x0  }
0x205: {  	v3 =	vadd.f32 v20, v3;
	v17 =	vmul.f32 v17, v16;
	v18 =	vmul.f32 v18, v16;
	[sflag:s26] =	ssyncadd.s32 $0xFFFF4000  }
0x206: {  	s3 =	simm.s32 $0x0;
	v1 =	vadd.f32 v19, v1;
	v6 =	vadd.f32 v21, v6;
	v16 =	vmul.f32 v24, v16;
	_ =	swait.ge [sflag:s28], $0xC00  }
0x207: {  	s5 =	sand.u32 $0x70, s3;
	s0 =	sand.u32 $0x7C00, s3;
	v2 =	vadd.f32 v17, v2;
	v17 =	vadd.f32 v18, v4;
	[sflag:s28] =	ssyncset.done $0x0;
	v4 =	vmul.f32 v25, v26  }
0x208: {  	s1 =	sor.u32 s5, s0;
	v16 =	vadd.f32 v16, v0;
	v0 =	vmul.f32 v27, v26;
	v18 =	vmul.f32 v28, v26;
	[sflag:s28] =	ssyncadd.s32 $0xFFFFF400  }
0x209: {  	v19 =	vmul.f32 v30, v26;
	v20 =	vld [tilespmem:s1+$0x12380];
	v10 =	vadd.f32 v4, v10;
	v4 =	vmul.f32 v29, v26  }
0x20a: {  	s7 =	sshrl.u32 s0, $0x2;
	v55 =	vmul.f32 v36, v26;
	v56 =	vld [tilespmem:s1+$0xC100];
	v21 =	vadd.f32 v0, v8;
	v8 =	vmul.f32 v31, v26  }
0x20b: {  	s5 =	sor.u32 s5, s7;
	v59 =	vld [tilespmem:s1+$0xC280];
	v11 =	vadd.f32 v18, v11;
	v12 =	vadd.f32 v4, v12;
	v4 =	vmul.f32 v32, v26  }
0x20c: {  	v0 =	vld [tilespmem:s5+$0x18080];
	v22 =	vadd.f32 v8, v14;
	v8 =	vmul.f32 v33, v26;
	v14 =	vmul.f32 v34, v26  }
0x20d: {  	v13 =	vadd.f32 v19, v13;
	v18 =	vld [tilespmem:s1+$0xC000];
	v23 =	vadd.f32 v4, v9;
	v4 =	vmul.f32 v35, v26  }
0x20e: {  	v60 =	vld [tilespmem:s1+$0xC300];
	v57 =	vadd.f32 v8, v15;
	v9 =	vadd.f32 v14, v7;
	v14 =	vmul.f32 v37, v26  }
0x20f: {  	v19 =	vld [tilespmem:s1+$0xC080];
	v7 =	vadd.f32 v55, v3;
	v3 =	vmul.f32 v38, v26;
	v8 =	vadd.f32 v4, v5  }
0x210: {  	v15 =	vld [tilespmem:s1+$0xC180];
	v5 =	vadd.f32 v14, v1;
	v1 =	vmul.f32 v39, v26;
	v14 =	vmul.f32 v40, v26  }
0x211: {  	v58 =	vld [tilespmem:s1+$0xC200];
	v20 =	vmul.f32 v20, v0;
	v6 =	vadd.f32 v3, v6;
	v26 =	vmul.f32 v41, v26  }
0x212: {  	v61 =	vld [tilespmem:s1+$0xC380];
	v4 =	vadd.f32 v1, v2;
	v3 =	vadd.f32 v14, v17;
	v14 =	vmul.f32 v18, v0  }
0x213: {  	v62 =	vmul.f32 v59, v0;
	v2 =	vadd.f32 v26, v16;
	v1 =	vadd.f32 v20, v10;
	v20 =	vld [tilespmem:s1+$0x12000]  }
0x214: {  	v16 =	vmul.f32 v19, v0;
	v10 =	vmul.f32 v56, v0;
	v14 =	vadd.f32 v14, v21;
	v21 =	vld [tilespmem:s1+$0x12080]  }
0x215: {  	v63 =	vmul.f32 v60, v0;
	v18 =	vld [tilespmem:s1+$0x12100];
	v17 =	vmul.f32 v15, v0  }
0x216: {  	v19 =	vld [tilespmem:s1+$0x12180];
	v15 =	vadd.f32 v16, v11;
	v11 =	vmul.f32 v58, v0;
	v16 =	vadd.f32 v10, v12  }
0x217: {  	s0 =	simm.s32 $0x10;
	s7 =	simm.s32 $0x80;
	v10 =	vadd.f32 v62, v23;
	v23 =	vmul.f32 v61, v0;
	v12 =	vadd.f32 v17, v13;
	v17 =	vld [tilespmem:s1+$0x12200]  }
0x218: {  	s29 =	simm.s32 $0x100;
	s3 =	sand.u32 $0x70, s0;
	s5 =	sand.u32 $0x7C00, s7;
	v13 =	vadd.f32 v11, v22;
	v11 =	vadd.f32 v63, v57;
	v22 =	vmul.f32 v20, v0;
	v20 =	vld [tilespmem:s1+$0x12280]  }
.LBB2_32:
0x219: {  	p0 =	sne.s32 s29, $0x5F80;
	s7 =	sshrl.u32 s5, $0x2;
	v9 =	vadd.f32 v23, v9;
	v21 =	vmul.f32 v21, v0;
	v23 =	vld [tilespmem:s1+$0x12300];
	s1 =	sor.u32 s3, s5  }
0x21a: {  	s3 =	sor.u32 s3, s7;
	v24 =	vld [tilespmem:s1+$0x12380];
	v8 =	vadd.f32 v22, v8;
	v18 =	vmul.f32 v18, v0  }
0x21b: {  	v22 =	vld [tilespmem:s3+$0x18080];
	v7 =	vadd.f32 v21, v7;
	v19 =	vmul.f32 v19, v0  }
0x21c: {  	v21 =	vld [tilespmem:s1+$0xC000];
	v5 =	vadd.f32 v18, v5;
	v17 =	vmul.f32 v17, v0  }
0x21d: {  	v18 =	vld [tilespmem:s1+$0xC080];
	v6 =	vadd.f32 v19, v6;
	v19 =	vmul.f32 v20, v0  }
0x21e: {  	v20 =	vld [tilespmem:s1+$0xC100];
	v4 =	vadd.f32 v17, v4;
	v25 =	vmul.f32 v23, v0  }
0x21f: {  	v17 =	vld [tilespmem:s1+$0xC180];
	v3 =	vadd.f32 v19, v3  }
0x220: {  	v19 =	vld [tilespmem:s1+$0xC200];
	v23 =	vmul.f32 v24, v22;
	v2 =	vadd.f32 v25, v2;
	v0 =	vmov v22  }
0x221: {  	v21 =	vmul.f32 v21, v0;
	v22 =	vld [tilespmem:s1+$0xC280]  }
0x222: {  	v18 =	vmul.f32 v18, v0;
	v24 =	vld [tilespmem:s1+$0xC300];
	v1 =	vadd.f32 v23, v1  }
0x223: {  	v14 =	vadd.f32 v21, v14;
	v20 =	vmul.f32 v20, v0;
	v23 =	vld [tilespmem:s1+$0xC380]  }
0x224: {  	v15 =	vadd.f32 v18, v15;
	v17 =	vmul.f32 v17, v0;
	v25 =	vld [tilespmem:s1+$0x12000]  }
.Ltmp15:
0x225: {  	v16 =	vadd.f32 v20, v16;
	v19 =	vmul.f32 v19, v0;
	v21 =	vld [tilespmem:s1+$0x12080];
	(pc) =	sbr.rel @p0 .LBB2_32-.Ltmp15, $4  }
0x226: {  	v12 =	vadd.f32 v17, v12;
	v17 =	vmul.f32 v22, v0;
	v18 =	vld [tilespmem:s1+$0x12100]  }
0x227: {  	v13 =	vadd.f32 v19, v13;
	v20 =	vmul.f32 v24, v0;
	v19 =	vld [tilespmem:s1+$0x12180]  }
0x228: {  	s0 =	sadd.s32 $0x10, s0;
	v10 =	vadd.f32 v17, v10;
	v23 =	vmul.f32 v23, v0;
	v17 =	vld [tilespmem:s1+$0x12200]  }
0x229: {  	s5 =	sand.u32 $0x7C00, s29;
	s29 =	sadd.s32 $0x80, s29;
	s3 =	sand.u32 $0x70, s0;
	v11 =	vadd.f32 v20, v11;
	v22 =	vmul.f32 v25, v0;
	v20 =	vld [tilespmem:s1+$0x12280]  }
0x22a: {  	s7 =	sor.u32 s3, s5;
	v24 =	vld [tilespmem:s1+$0x12300]  }
0x22b: {  	v25 =	vld [tilespmem:s7+$0x12380]  }
0x22c: {  	v27 =	vld [tilespmem:s7+$0xC000]  }
0x22d: {  	v28 =	vld [tilespmem:s7+$0xC080]  }
0x22e: {  	v29 =	vld [tilespmem:s7+$0xC100]  }
0x22f: {  	v30 =	vld [tilespmem:s7+$0xC180]  }
0x230: {  	s0 =	sshrl.u32 s5, $0x2;
	v31 =	vld [tilespmem:s7+$0xC200]  }
0x231: {  	s0 =	sor.u32 s3, s0;
	v32 =	vld [tilespmem:s7+$0xC280]  }
0x232: {  	v26 =	vld [tilespmem:s0+$0x18080]  }
0x233: {  	v33 =	vld [tilespmem:s7+$0xC300]  }
0x234: {  	v34 =	vld [tilespmem:s7+$0xC380]  }
0x235: {  	v35 =	vld [tilespmem:s7+$0x12000]  }
0x236: {  	v36 =	vld [tilespmem:s7+$0x12080]  }
0x237: {  	v37 =	vld [tilespmem:s7+$0x12100];
	v27 =	vmul.f32 v27, v26  }
0x238: {  	v9 =	vadd.f32 v23, v9;
	v38 =	vld [tilespmem:s7+$0x12180];
	v40 =	vmul.f32 v28, v26  }
0x239: {  	v21 =	vmul.f32 v21, v0;
	v41 =	vld [tilespmem:s7+$0x12200];
	v42 =	vmul.f32 v29, v26;
	v14 =	vadd.f32 v27, v14  }
0x23a: {  	v43 =	vld [tilespmem:s7+$0x12280];
	v8 =	vadd.f32 v22, v8;
	v44 =	vmul.f32 v30, v26;
	v15 =	vadd.f32 v40, v15  }
0x23b: {  	v45 =	vld [tilespmem:s7+$0x12300];
	v47 =	vmul.f32 v18, v0;
	v46 =	vmul.f32 v31, v26;
	v16 =	vadd.f32 v42, v16;
	[tilespmem:$0x19800] =	vst v14  }
0x23c: {  	v7 =	vadd.f32 v21, v7;
	v48 =	vmul.f32 v32, v26;
	v12 =	vadd.f32 v44, v12;
	[tilespmem:$0x19880] =	vst v15  }
0x23d: {  	v49 =	vmul.f32 v19, v0;
	v50 =	vmul.f32 v33, v26;
	v13 =	vadd.f32 v46, v13;
	[tilespmem:$0x19900] =	vst v16  }
0x23e: {  	v5 =	vadd.f32 v47, v5;
	v51 =	vmul.f32 v34, v26;
	v10 =	vadd.f32 v48, v10;
	[tilespmem:$0x19980] =	vst v12  }
0x23f: {  	v53 =	vmul.f32 v17, v0;
	v52 =	vmul.f32 v35, v26;
	v11 =	vadd.f32 v50, v11;
	[tilespmem:$0x19A00] =	vst v13  }
0x240: {  	v6 =	vadd.f32 v49, v6;
	v54 =	vmul.f32 v36, v26;
	v9 =	vadd.f32 v51, v9;
	[tilespmem:$0x19A80] =	vst v10  }
0x241: {  	v55 =	vmul.f32 v20, v0;
	v56 =	vmul.f32 v37, v26;
	v8 =	vadd.f32 v52, v8;
	[tilespmem:$0x19B00] =	vst v11  }
0x242: {  	v4 =	vadd.f32 v53, v4;
	v57 =	vmul.f32 v38, v26;
	v7 =	vadd.f32 v54, v7;
	[tilespmem:$0x19B80] =	vst v9  }
0x243: {  	v58 =	vmul.f32 v24, v0;
	v59 =	vmul.f32 v41, v26;
	v5 =	vadd.f32 v56, v5;
	[tilespmem:$0x19C00] =	vst v8  }
0x244: {  	v3 =	vadd.f32 v55, v3;
	v60 =	vmul.f32 v43, v26;
	v6 =	vadd.f32 v57, v6;
	[tilespmem:$0x19C80] =	vst v7  }
0x245: {  	v0 =	vadd.f32 v58, v2;
	v62 =	vmul.f32 v45, v26;
	v61 =	vadd.f32 v59, v4;
	[tilespmem:$0x19D00] =	vst v5  }
0x246: {  	v63 =	vmul.f32 v25, v26;
	v3 =	vadd.f32 v60, v3;
	[tilespmem:$0x19D80] =	vst v6  }
0x247: {  	v0 =	vadd.f32 v62, v0;
	[tilespmem:$0x19E00] =	vst v61  }
0x248: {  	s31 =	sadd.s32 $0x1, s31;
	v1 =	vadd.f32 v63, v1;
	[tilespmem:$0x19E80] =	vst v3  }
0x249: {  	p0 =	sne.s32 s31, s20;
	[tilespmem:$0x19F00] =	vst v0  }
.Ltmp16:
0x24a: {  	s29 =	simm.s32 $0x19800;
	[tilespmem:$0x19F80] =	vst v1;
	(pc) =	sbr.rel @p0 .LBB2_1-.Ltmp16, $4  }
0x24b: {  	[hbm4b:s19+s2] =	stream.linear.scatter [tilespmem:s29], [sflag:$0x5], $0x800, $0x38;
	[tilespmem:$0x1A000] =	vst v63  }
0x24c: {  	_ =	swait.ge [sflag:s30], $0x800  }
0x24d: {  	[sflag:s30] =	ssyncset.done $0x0  }
0x24e: {  	[sflag:s30] =	ssyncadd.s32 $0xFFFFF800  }
0x24f: {  	_ =	sfence.sel $0x180000  }
0x250: {  	[bflag:$0x0] =	sbarrier.arrive $0xFFFF  }
0x251: {  	_ =	strace $0x90000047  }
0x252: {  	s0 =	stileid.u32;
	[bflag:$0x2] =	sbarrier.arrive $0xFFFF  }
0x253: {  	p0 =	sne.s32 s0, $0x0;
	s0 =	rddreg [dreg:$0x2]  }
0x254: {  	s0 =	sadd.s32 @!p0 $0x100000, s0  }
0x255: {  	[sflag:s0] =	ssyncadd.tile.s32 @!p0 $0x1;
	_ =	shalt  }
.Lfunc_end2:
_tile_overlayer_lowered:
.L_overlay_start_2:
0x256: {  	(tag) =	ssettag $0x2  }
0x257: {  	s0 =	rddreg [dreg:$0x0];
	s2 =	stileid.u32  }
0x258: {  	s1 =	rddreg [dreg:$0x1];
	p0 =	sne.s32 s2, $0x0  }
0x259: {  	s3 =	rddreg [dreg:$0x2];
	[bflag:$0x3] =	sbarrier.arrive $0xFFFF;
	s2 =	simm.s32 @!p0 $0x1C05  }
0x25a: {  	[timem:s3], [sflag:s2] =	dma.local @!p0 [hbm:s0], s1  }
0x25b: {  	s0 =	simm.s32 @!p0 $0x5  }
0x25c: {  	_ =	swait.ge @!p0 [sflag:s0], s1  }
0x25d: {  	s1 =	ssub.s32 @!p0 $0x0, s1;
	[sflag:s0] =	ssyncset.done @!p0 $0x0  }
0x25e: {  	[sflag:s0] =	ssyncadd.s32 @!p0 s1  }
0x25f: {  	[bflag:$0x3] =	sbarrier.arrive $0xFFFF  }
0x260: {  	_ =	shalt  }

</sc_bundles>
